<compile_context>
chip_gen: v7x
topology: tpu7x:2x2x1
jax: 0.10.2.dev20260603
libtpu: 0.0.44.dev20260713+nightly
codegen_flags: <defaults>
</compile_context>

<pallas_src>
import functools
import jax
import jax.numpy as jnp
from jax import lax
from jax.experimental import pallas as pl
from jax.experimental.pallas import tpu as pltpu
from jax.experimental.pallas import tpu_sc as plsc

P = 4096
NPROP = 4000
G = 104
NG = 100
NFG = 128
NBG = 384
NS = 512
IOU_T = 0.5
NUM_CLASSES = 80


def _to_grid(x):
    return jnp.concatenate([x[:, r * 128:(r + 1) * 128] for r in range(32)],
                           axis=0)


def _dot3(a, b):
    f32 = jnp.float32
    hi = a.astype(jnp.bfloat16)
    r = a - hi.astype(f32)
    mid = r.astype(jnp.bfloat16)
    lo = (r - mid.astype(f32)).astype(jnp.bfloat16)
    bb = b if b.dtype == jnp.bfloat16 else b.astype(jnp.bfloat16)
    dims = (((1,), (0,)), ((), ()))
    out = jax.lax.dot_general(hi, bb, dims, preferred_element_type=f32)
    out = out + jax.lax.dot_general(mid, bb, dims, preferred_element_type=f32)
    out = out + jax.lax.dot_general(lo, bb, dims, preferred_element_type=f32)
    return out


def _sortable_i32(s):
    bits = jax.lax.bitcast_convert_type(s, jnp.int32)
    return jnp.where(bits >= 0, bits, bits ^ jnp.int32(0x7FFFFFFF))


def _stage_a(prop_ref, gtc_ref, gtr_ref, keys_ref, feats_ref):
    f32 = jnp.float32
    pr = prop_ref[0]
    px1 = pr[0:1, :]
    py1 = pr[1:2, :]
    px2 = pr[2:3, :]
    py2 = pr[3:4, :]
    area2 = (px2 - px1) * (py2 - py1)

    def gt_chunk(base, rows, carry):
        mv, mi = carry
        gch = gtc_ref[0, pl.ds(base, rows), :]
        gx1 = gch[:, 0:1]
        gy1 = gch[:, 1:2]
        gx2 = gch[:, 2:3]
        gy2 = gch[:, 3:4]
        area1 = (gx2 - gx1) * (gy2 - gy1)
        w = jnp.maximum(jnp.minimum(gx2, px2) - jnp.maximum(gx1, px1), 0.0)
        h = jnp.maximum(jnp.minimum(gy2, py2) - jnp.maximum(gy1, py1), 0.0)
        inter = w * h
        union = area1 + area2 - inter
        iou = inter / jnp.maximum(union, 1e-8)
        cmax = jnp.max(iou, axis=0, keepdims=True)
        rowi = jax.lax.broadcasted_iota(jnp.int32, (rows, P), 0) + base
        cidx = jnp.min(jnp.where(iou == cmax, rowi, G), axis=0, keepdims=True)
        better = cmax > mv
        mi = jnp.where(better, cidx, mi)
        mv = jnp.maximum(mv, cmax)
        return mv, mi

    mv0 = jnp.full((1, P), -1.0, f32)
    mi0 = jnp.zeros((1, P), jnp.int32)
    carry = gt_chunk(0, 56, (mv0, mi0))
    mv, mi = gt_chunk(56, 48, carry)

    col = jax.lax.broadcasted_iota(jnp.int32, (1, P), 1)
    valid = col < NPROP
    fg = mv >= IOU_T
    s_fg = jnp.where(valid, jnp.where(fg, mv, -1.0), -2.0)
    s_bg = jnp.where(valid, jnp.where(fg, -1e9, -mv), -2e9)

    bias = jnp.int32(-2**31)
    keys_ref[0, 0:1, :] = ~_sortable_i32(s_fg) ^ bias
    keys_ref[0, 1:2, :] = ~_sortable_i32(s_bg) ^ bias

    gtr = gtr_ref[0]
    g_iota = jax.lax.broadcasted_iota(jnp.int32, (G, P), 0)
    oh_g = (g_iota == mi).astype(f32)
    pg = _dot3(gtr, oh_g)
    tx1 = pg[0:1, :]
    ty1 = pg[1:2, :]
    tx2 = pg[2:3, :]
    ty2 = pg[3:4, :]
    tcls = pg[4:5, :]

    sw = px2 - px1
    sh = py2 - py1
    scx = px1 + 0.5 * sw
    scy = py1 + 0.5 * sh
    tw = tx2 - tx1
    th = ty2 - ty1
    tcx = tx1 + 0.5 * tw
    tcy = ty1 + 0.5 * th
    dx = 10.0 * (tcx - scx) / jnp.maximum(sw, 1e-6)
    dy = 10.0 * (tcy - scy) / jnp.maximum(sh, 1e-6)
    dw = 5.0 * jnp.log(jnp.maximum(tw, 1e-6) / jnp.maximum(sw, 1e-6))
    dh = 5.0 * jnp.log(jnp.maximum(th, 1e-6) / jnp.maximum(sh, 1e-6))
    cls = jnp.where(fg, tcls, float(NUM_CLASSES))

    zero = jnp.zeros((1, P), f32)
    feats_ref[0] = jnp.concatenate(
        [dx, dy, dw, dh, cls, px1, py1, px2, py2,
         zero, zero, zero, zero, zero, zero, zero], axis=0)


def _sc_sort_body(keys_hbm, out_hbm, ka, kb, va, vb, off):
    wid = lax.axis_index("s") * 2 + lax.axis_index("c")
    lane = lax.iota(jnp.int32, 16)
    seg_base = lane * 256
    ones = jnp.ones((16,), jnp.int32)
    zeros = jnp.zeros((16,), jnp.int32)

    pltpu.sync_copy(keys_hbm.at[wid], ka)

    def init_body(t, _):
        for u in range(8):
            va[pl.ds((t * 8 + u) * 16, 16)] = lane + (t * 8 + u) * 16
        return 0
    lax.fori_loop(0, 32, init_body, 0)

    for p in range(4):
        src_k, src_v, dst_k, dst_v = (
            (ka, va, kb, vb) if p % 2 == 0 else (kb, vb, ka, va))
        shift = 8 * p

        def zbody(t, _):
            for u in range(8):
                off[pl.ds((t * 8 + u) * 16, 16)] = zeros
            return 0
        lax.fori_loop(0, 32, zbody, 0)

        def hbody(t, _):
            for u in range(4):
                k = plsc.load_gather(src_k, [seg_base + (t * 4 + u)])
                d = (jnp.right_shift(k, shift) & 255)
                plsc.addupdate_scatter(off, [d * 16 + lane], ones)
            return 0
        lax.fori_loop(0, 64, hbody, 0)

        def obody(d, carry):
            for u in range(4):
                sl = pl.ds((d * 4 + u) * 16, 16)
                row = off[sl]
                incl = plsc.cumsum(row)
                off[sl] = incl - row + carry
                carry = carry + incl[15]
            return carry
        lax.fori_loop(0, 64, obody, jnp.int32(0))

        def pbody(t, _):
            for u in range(2):
                idxv = seg_base + (t * 2 + u)
                k = plsc.load_gather(src_k, [idxv])
                v = plsc.load_gather(src_v, [idxv])
                slot = (jnp.right_shift(k, shift) & 255) * 16 + lane
                dst = plsc.load_gather(off, [slot])
                plsc.store_scatter(dst_k, [dst], k)
                plsc.store_scatter(dst_v, [dst], v)
                plsc.addupdate_scatter(off, [slot], ones)
            return 0
        lax.fori_loop(0, 128, pbody, 0)

    pltpu.sync_copy(va.at[pl.ds(0, NS)], out_hbm.at[wid])


def _sc_topk(keys2):
    mesh = plsc.VectorSubcoreMesh(core_axis_name="c", subcore_axis_name="s")
    fn = functools.partial(
        pl.kernel, mesh=mesh,
        compiler_params=pltpu.CompilerParams(needs_layout_passes=False),
        out_type=jax.ShapeDtypeStruct((32, NS), jnp.int32),
        scratch_types=[
            pltpu.VMEM((P,), jnp.int32),
            pltpu.VMEM((P,), jnp.int32),
            pltpu.VMEM((P,), jnp.int32),
            pltpu.VMEM((P,), jnp.int32),
            pltpu.VMEM((P,), jnp.int32),
        ],
    )(_sc_sort_body)
    return fn(keys2)


def _stage_c(feats_ref, sidx_ref, out_ref):
    f32 = jnp.float32
    feats = feats_ref[0]
    sidx = sidx_ref[0]
    p_iota = jax.lax.broadcasted_iota(jnp.int32, (P, 128), 0)
    for c in range(4):
        chunk = sidx[:, c * 128:(c + 1) * 128]
        oh = (p_iota == chunk).astype(f32)
        sm = _dot3(feats, oh)
        out_ref[0, :, c * 128:(c + 1) * 128] = sm


def kernel(proposal_boxes, gt_boxes, gt_classes):
    n = proposal_boxes.shape[0]
    pb = proposal_boxes.astype(jnp.float32)
    gb = gt_boxes.astype(jnp.float32)
    gc = gt_classes.astype(jnp.float32)

    propT = jnp.pad(jnp.transpose(pb, (0, 2, 1)),
                    ((0, 0), (0, 4), (0, P - NPROP)))
    gt_cols = jnp.concatenate([gb, gc[..., None]], axis=-1)
    gt_cols = jnp.pad(gt_cols, ((0, 0), (0, G - NG), (0, 3)))
    gt_rows = jnp.transpose(gt_cols, (0, 2, 1))

    keys, feats = pl.pallas_call(
        _stage_a,
        grid=(n,),
        in_specs=[
            pl.BlockSpec((1, 8, P), lambda i: (i, 0, 0)),
            pl.BlockSpec((1, G, 8), lambda i: (i, 0, 0)),
            pl.BlockSpec((1, 8, G), lambda i: (i, 0, 0)),
        ],
        out_specs=[
            pl.BlockSpec((1, 2, P), lambda i: (i, 0, 0)),
            pl.BlockSpec((1, 16, P), lambda i: (i, 0, 0)),
        ],
        out_shape=[
            jax.ShapeDtypeStruct((n, 2, P), jnp.int32),
            jax.ShapeDtypeStruct((n, 16, P), jnp.float32),
        ],
    )(propT, gt_cols, gt_rows)

    sorted512 = _sc_topk(keys.reshape(2 * n, P))
    s3 = sorted512.reshape(n, 2, NS)
    sidx = jnp.concatenate([s3[:, 0, 0:NFG], s3[:, 1, 0:NBG]], axis=1)
    sidx = sidx[:, None, :]

    out = pl.pallas_call(
        _stage_c,
        grid=(n,),
        in_specs=[
            pl.BlockSpec((1, 16, P), lambda i: (i, 0, 0)),
            pl.BlockSpec((1, 1, NS), lambda i: (i, 0, 0)),
        ],
        out_specs=pl.BlockSpec((1, 16, NS), lambda i: (i, 0, 0)),
        out_shape=jax.ShapeDtypeStruct((n, 16, NS), jnp.float32),
    )(feats, sidx)

    deltas = jnp.transpose(out[:, 0:4, :], (0, 2, 1))
    classes = jnp.round(out[:, 4, :]).astype(jnp.int32)
    boxes = jnp.transpose(out[:, 5:9, :], (0, 2, 1))
    return deltas, classes, boxes

# --- scband reference (transcript-rebuilt; emitter-appended) ---
"""Pipeline reference for scband-roiheads-2267742732667 (READ-ONLY COPY).

The authoritative reference and input builder live on the scoring server;
editing this copy changes nothing except your own understanding.
"""

import jax, jax.numpy as jnp
import numpy as np

BATCH_PER_IMAGE = 512
POS_FRACTION = 0.25
NUM_CLASSES = 80
IOU_THRESH = 0.5
BBOX_REG_WEIGHTS = (10.0, 10.0, 5.0, 5.0)
N_IMAGES = 16
N_PROPOSALS = 4000
N_GT = 100


def _make_boxes(key, n_img, n_box, max_coord=1024.0, max_wh=128.0):
    k1, k2 = jax.random.split(key)
    xy = jax.random.uniform(k1, (n_img, n_box, 2)) * max_coord
    wh = jax.random.uniform(k2, (n_img, n_box, 2)) * max_wh + 1.0
    return jnp.concatenate([xy, xy + wh], axis=-1)  # [x1, y1, x2, y2]


def setup_inputs(seed: int = 0) -> dict:
    key = jax.random.key(seed)
    kp, kg, kc = jax.random.split(key, 3)
    proposal_boxes = _make_boxes(kp, N_IMAGES, N_PROPOSALS)
    gt_boxes = _make_boxes(kg, N_IMAGES, N_GT)
    gt_classes = jax.random.randint(kc, (N_IMAGES, N_GT), 0, NUM_CLASSES).astype(jnp.int64)
    return {"proposal_boxes": proposal_boxes, "gt_boxes": gt_boxes, "gt_classes": gt_classes}


def _pairwise_iou(boxes1, boxes2):
    # boxes1: [G, 4], boxes2: [P, 4]
    area1 = (boxes1[:, 2] - boxes1[:, 0]) * (boxes1[:, 3] - boxes1[:, 1])
    area2 = (boxes2[:, 2] - boxes2[:, 0]) * (boxes2[:, 3] - boxes2[:, 1])
    lt = jnp.maximum(boxes1[:, None, :2], boxes2[None, :, :2])
    rb = jnp.minimum(boxes1[:, None, 2:], boxes2[None, :, 2:])
    wh = jnp.clip(rb - lt, 0.0)
    inter = wh[..., 0] * wh[..., 1]
    union = area1[:, None] + area2[None, :] - inter
    return inter / jnp.maximum(union, 1e-8)


def _get_deltas(src_boxes, target_boxes):
    wx, wy, ww, wh = BBOX_REG_WEIGHTS
    sw = src_boxes[..., 2] - src_boxes[..., 0]
    sh = src_boxes[..., 3] - src_boxes[..., 1]
    scx = src_boxes[..., 0] + 0.5 * sw
    scy = src_boxes[..., 1] + 0.5 * sh
    tw = target_boxes[..., 2] - target_boxes[..., 0]
    th = target_boxes[..., 3] - target_boxes[..., 1]
    tcx = target_boxes[..., 0] + 0.5 * tw
    tcy = target_boxes[..., 1] + 0.5 * th
    dx = wx * (tcx - scx) / jnp.maximum(sw, 1e-6)
    dy = wy * (tcy - scy) / jnp.maximum(sh, 1e-6)
    dw = ww * jnp.log(jnp.maximum(tw, 1e-6) / jnp.maximum(sw, 1e-6))
    dh = wh * jnp.log(jnp.maximum(th, 1e-6) / jnp.maximum(sh, 1e-6))
    return jnp.stack([dx, dy, dw, dh], axis=-1)


def _label_and_sample_single(prop_boxes, gt_bx, gt_cls):
    num_fg = int(BATCH_PER_IMAGE * POS_FRACTION)   # 128
    num_bg = BATCH_PER_IMAGE - num_fg              # 384
    iou = _pairwise_iou(gt_bx, prop_boxes)         # [G, P]
    matched_vals = jnp.max(iou, axis=0)            # [P]
    matched_idxs = jnp.argmax(iou, axis=0)         # [P]
    fg_mask = matched_vals >= IOU_THRESH
    # deterministic subsampling: highest-IoU foregrounds, then backgrounds
    fg_score = jnp.where(fg_mask, matched_vals, -1.0)
    _, fg_inds = jax.lax.top_k(fg_score, num_fg)
    bg_score = jnp.where(fg_mask, -1e9, -matched_vals)
    _, bg_inds = jax.lax.top_k(bg_score, num_bg)
    sampled_inds = jnp.concatenate([fg_inds, bg_inds], axis=0)  # [512]
    sampled_boxes = jnp.take(prop_boxes, sampled_inds, axis=0)
    sampled_matched = jnp.take(matched_idxs, sampled_inds, axis=0)
    sampled_gt_boxes = jnp.take(gt_bx, sampled_matched, axis=0)
    sampled_fg = jnp.take(fg_mask, sampled_inds, axis=0)
    sampled_classes = jnp.where(sampled_fg,
                                jnp.take(gt_cls, sampled_matched, axis=0),
                                jnp.full_like(sampled_matched, NUM_CLASSES))
    deltas = _get_deltas(sampled_boxes, sampled_gt_boxes)
    return deltas, sampled_classes, sampled_boxes


def reference(proposal_boxes, gt_boxes, gt_classes):
    deltas, classes, boxes = jax.vmap(_label_and_sample_single)(
        proposal_boxes, gt_boxes, gt_classes)
    return deltas, classes, boxes

if __name__ == "__main__":
    import jax
    _d = setup_inputs()
    print(jax.jit(kernel)(*tuple(_d.values())))

</pallas_src>

<mosaic_0001>
#map = affine_map<(d0, d1) -> (0, 0)>
module attributes {stable_mosaic.version = 14 : i64} {
  func.func @_sc_sort_body(%arg0: i32, %arg1: i32, %arg2: memref<32x4096xi32, #tpu.memory_space<hbm>>, %arg3: memref<32x512xi32, #tpu.memory_space<hbm>>, %arg4: memref<4096xi32, #tpu.memory_space<vmem>>, %arg5: memref<4096xi32, #tpu.memory_space<vmem>>, %arg6: memref<4096xi32, #tpu.memory_space<vmem>>, %arg7: memref<4096xi32, #tpu.memory_space<vmem>>, %arg8: memref<4096xi32, #tpu.memory_space<vmem>>) attributes {dimension_semantics = [#tpu.dimension_semantics<core_parallel>, #tpu.dimension_semantics<subcore_parallel>], iteration_bounds = array<i64: 2, 16>, scalar_prefetch = 0 : i64, scratch_operands = 5 : i64, tpu.core_type = #tpu.core_type<sc_vector_subcore>, window_params = [{transform_indices = #map}, {transform_indices = #map}]} {
    %mul3A = arith.constant 2 : i32
    %mul3A_0 = arith.muli %arg1, %mul3A : i32
    %add3A = arith.addi %mul3A_0, %arg0 : i32
    %iota3A = tpu.iota {dimensions = array<i32: 0>} : vector<16xi32>
    %mul3A_1 = arith.constant 256 : i32
    %mul3A_2 = vector.broadcast %mul3A_1 : i32 to vector<16xi32>
    %mul3A_3 = arith.muli %iota3A, %mul3A_2 : vector<16xi32>
    %broadcast_in_dim3A = arith.constant 1 : i32
    %broadcast_in_dim3A_4 = vector.broadcast %broadcast_in_dim3A : i32 to vector<16xi32>
    %broadcast_in_dim3A_5 = arith.constant 0 : i32
    %broadcast_in_dim3A_6 = vector.broadcast %broadcast_in_dim3A_5 : i32 to vector<16xi32>
    "tpu.region"() ({
      %run_scoped3A = tpu.sem_alloc : memref<!tpu.dma_semaphore, #tpu.memory_space<semaphore_mem>>
      %dma_start3A = arith.constant 0 : i32
      %dma_start3A_125 = tpu.memref_slice %arg2[%add3A, %dma_start3A] : memref<32x4096xi32, #tpu.memory_space<hbm>> -> memref<1x4096xi32, #tpu.memory_space<hbm>>
      %dma_start3A_126 = tpu.memref_squeeze %dma_start3A_125 : memref<1x4096xi32, #tpu.memory_space<hbm>> -> memref<4096xi32, #tpu.memory_space<hbm>>
      %dma_start3A_127 = arith.constant 0 : i32
      %dma_start3A_128 = tpu.memref_slice %arg2[%add3A, %dma_start3A_127] : memref<32x4096xi32, #tpu.memory_space<hbm>> -> memref<1x4096xi32, #tpu.memory_space<hbm>>
      %dma_start3A_129 = tpu.memref_squeeze %dma_start3A_128 : memref<1x4096xi32, #tpu.memory_space<hbm>> -> memref<4096xi32, #tpu.memory_space<hbm>>
      tpu.enqueue_dma source(%dma_start3A_129 : memref<4096xi32, #tpu.memory_space<hbm>>) target(%arg4 : memref<4096xi32, #tpu.memory_space<vmem>>) target_semaphore(%run_scoped3A : memref<!tpu.dma_semaphore, #tpu.memory_space<semaphore_mem>>)
      %dma_wait3A = arith.constant 0 : i32
      %dma_wait3A_130 = tpu.memref_slice %arg2[%add3A, %dma_wait3A] : memref<32x4096xi32, #tpu.memory_space<hbm>> -> memref<1x4096xi32, #tpu.memory_space<hbm>>
      %dma_wait3A_131 = tpu.memref_squeeze %dma_wait3A_130 : memref<1x4096xi32, #tpu.memory_space<hbm>> -> memref<4096xi32, #tpu.memory_space<hbm>>
      %dma_wait3A_132 = arith.constant 0 : i32
      %dma_wait3A_133 = tpu.memref_slice %arg2[%add3A, %dma_wait3A_132] : memref<32x4096xi32, #tpu.memory_space<hbm>> -> memref<1x4096xi32, #tpu.memory_space<hbm>>
      %dma_wait3A_134 = tpu.memref_squeeze %dma_wait3A_133 : memref<1x4096xi32, #tpu.memory_space<hbm>> -> memref<4096xi32, #tpu.memory_space<hbm>>
      tpu.wait_dma2 semaphore(%run_scoped3A : memref<!tpu.dma_semaphore, #tpu.memory_space<semaphore_mem>>) src(%dma_wait3A_134 : memref<4096xi32, #tpu.memory_space<hbm>>) dst(%arg4 : memref<4096xi32, #tpu.memory_space<vmem>>)
      tpu.yield
    }) : () -> ()
    %scan3A = arith.constant 0 : i32
    %scan3A_7 = arith.constant 0 : i32
    %scan3A_8 = arith.constant 32 : i32
    %scan3A_9 = arith.addi %scan3A_7, %scan3A_8 : i32
    %scan3A_10 = arith.constant 1 : i32
    %scan3A_11 = scf.for %scan3A_125 = %scan3A_7 to %scan3A_9 step %scan3A_10 iter_args(%scan3A_126 = %scan3A) -> (i32)  : i32 {
      %mul3A_127 = arith.constant 8 : i32
      %mul3A_128 = arith.muli %scan3A_125, %mul3A_127 : i32
      %add3A_129 = arith.constant 0 : i32
      %add3A_130 = arith.addi %mul3A_128, %add3A_129 : i32
      %mul3A_131 = arith.constant 16 : i32
      %mul3A_132 = arith.muli %add3A_130, %mul3A_131 : i32
      %add3A_133 = vector.broadcast %mul3A_132 : i32 to vector<16xi32>
      %add3A_134 = arith.addi %iota3A, %add3A_133 : vector<16xi32>
      %mul3A_135 = arith.constant 8 : i32
      %mul3A_136 = arith.muli %scan3A_125, %mul3A_135 : i32
      %add3A_137 = arith.constant 0 : i32
      %add3A_138 = arith.addi %mul3A_136, %add3A_137 : i32
      %mul3A_139 = arith.constant 16 : i32
      %mul3A_140 = arith.muli %add3A_138, %mul3A_139 : i32
      %swap3A = arith.index_cast %mul3A_140 : i32 to index
      %swap3A_141 = tpu.vector_load %arg6[%swap3A] {strides = array<i32>} : memref<4096xi32, #tpu.memory_space<vmem>>, vector<16xi32>,
      tpu.vector_store %arg6[%swap3A], %add3A_134 {strides = array<i32>} : memref<4096xi32, #tpu.memory_space<vmem>>, vector<16xi32>,
      %mul3A_142 = arith.constant 8 : i32
      %mul3A_143 = arith.muli %scan3A_125, %mul3A_142 : i32
      %add3A_144 = arith.constant 1 : i32
      %add3A_145 = arith.addi %mul3A_143, %add3A_144 : i32
      %mul3A_146 = arith.constant 16 : i32
      %mul3A_147 = arith.muli %add3A_145, %mul3A_146 : i32
      %add3A_148 = vector.broadcast %mul3A_147 : i32 to vector<16xi32>
      %add3A_149 = arith.addi %iota3A, %add3A_148 : vector<16xi32>
      %mul3A_150 = arith.constant 8 : i32
      %mul3A_151 = arith.muli %scan3A_125, %mul3A_150 : i32
      %add3A_152 = arith.constant 1 : i32
      %add3A_153 = arith.addi %mul3A_151, %add3A_152 : i32
      %mul3A_154 = arith.constant 16 : i32
      %mul3A_155 = arith.muli %add3A_153, %mul3A_154 : i32
      %swap3A_156 = arith.index_cast %mul3A_155 : i32 to index
      %swap3A_157 = tpu.vector_load %arg6[%swap3A_156] {strides = array<i32>} : memref<4096xi32, #tpu.memory_space<vmem>>, vector<16xi32>,
      tpu.vector_store %arg6[%swap3A_156], %add3A_149 {strides = array<i32>} : memref<4096xi32, #tpu.memory_space<vmem>>, vector<16xi32>,
      %mul3A_158 = arith.constant 8 : i32
      %mul3A_159 = arith.muli %scan3A_125, %mul3A_158 : i32
      %add3A_160 = arith.constant 2 : i32
      %add3A_161 = arith.addi %mul3A_159, %add3A_160 : i32
      %mul3A_162 = arith.constant 16 : i32
      %mul3A_163 = arith.muli %add3A_161, %mul3A_162 : i32
      %add3A_164 = vector.broadcast %mul3A_163 : i32 to vector<16xi32>
      %add3A_165 = arith.addi %iota3A, %add3A_164 : vector<16xi32>
      %mul3A_166 = arith.constant 8 : i32
      %mul3A_167 = arith.muli %scan3A_125, %mul3A_166 : i32
      %add3A_168 = arith.constant 2 : i32
      %add3A_169 = arith.addi %mul3A_167, %add3A_168 : i32
      %mul3A_170 = arith.constant 16 : i32
      %mul3A_171 = arith.muli %add3A_169, %mul3A_170 : i32
      %swap3A_172 = arith.index_cast %mul3A_171 : i32 to index
      %swap3A_173 = tpu.vector_load %arg6[%swap3A_172] {strides = array<i32>} : memref<4096xi32, #tpu.memory_space<vmem>>, vector<16xi32>,
      tpu.vector_store %arg6[%swap3A_172], %add3A_165 {strides = array<i32>} : memref<4096xi32, #tpu.memory_space<vmem>>, vector<16xi32>,
      %mul3A_174 = arith.constant 8 : i32
      %mul3A_175 = arith.muli %scan3A_125, %mul3A_174 : i32
      %add3A_176 = arith.constant 3 : i32
      %add3A_177 = arith.addi %mul3A_175, %add3A_176 : i32
      %mul3A_178 = arith.constant 16 : i32
      %mul3A_179 = arith.muli %add3A_177, %mul3A_178 : i32
      %add3A_180 = vector.broadcast %mul3A_179 : i32 to vector<16xi32>
      %add3A_181 = arith.addi %iota3A, %add3A_180 : vector<16xi32>
      %mul3A_182 = arith.constant 8 : i32
      %mul3A_183 = arith.muli %scan3A_125, %mul3A_182 : i32
      %add3A_184 = arith.constant 3 : i32
      %add3A_185 = arith.addi %mul3A_183, %add3A_184 : i32
      %mul3A_186 = arith.constant 16 : i32
      %mul3A_187 = arith.muli %add3A_185, %mul3A_186 : i32
      %swap3A_188 = arith.index_cast %mul3A_187 : i32 to index
      %swap3A_189 = tpu.vector_load %arg6[%swap3A_188] {strides = array<i32>} : memref<4096xi32, #tpu.memory_space<vmem>>, vector<16xi32>,
      tpu.vector_store %arg6[%swap3A_188], %add3A_181 {strides = array<i32>} : memref<4096xi32, #tpu.memory_space<vmem>>, vector<16xi32>,
      %mul3A_190 = arith.constant 8 : i32
      %mul3A_191 = arith.muli %scan3A_125, %mul3A_190 : i32
      %add3A_192 = arith.constant 4 : i32
      %add3A_193 = arith.addi %mul3A_191, %add3A_192 : i32
      %mul3A_194 = arith.constant 16 : i32
      %mul3A_195 = arith.muli %add3A_193, %mul3A_194 : i32
      %add3A_196 = vector.broadcast %mul3A_195 : i32 to vector<16xi32>
      %add3A_197 = arith.addi %iota3A, %add3A_196 : vector<16xi32>
      %mul3A_198 = arith.constant 8 : i32
      %mul3A_199 = arith.muli %scan3A_125, %mul3A_198 : i32
      %add3A_200 = arith.constant 4 : i32
      %add3A_201 = arith.addi %mul3A_199, %add3A_200 : i32
      %mul3A_202 = arith.constant 16 : i32
      %mul3A_203 = arith.muli %add3A_201, %mul3A_202 : i32
      %swap3A_204 = arith.index_cast %mul3A_203 : i32 to index
      %swap3A_205 = tpu.vector_load %arg6[%swap3A_204] {strides = array<i32>} : memref<4096xi32, #tpu.memory_space<vmem>>, vector<16xi32>,
      tpu.vector_store %arg6[%swap3A_204], %add3A_197 {strides = array<i32>} : memref<4096xi32, #tpu.memory_space<vmem>>, vector<16xi32>,
      %mul3A_206 = arith.constant 8 : i32
      %mul3A_207 = arith.muli %scan3A_125, %mul3A_206 : i32
      %add3A_208 = arith.constant 5 : i32
      %add3A_209 = arith.addi %mul3A_207, %add3A_208 : i32
      %mul3A_210 = arith.constant 16 : i32
      %mul3A_211 = arith.muli %add3A_209, %mul3A_210 : i32
      %add3A_212 = vector.broadcast %mul3A_211 : i32 to vector<16xi32>
      %add3A_213 = arith.addi %iota3A, %add3A_212 : vector<16xi32>
      %mul3A_214 = arith.constant 8 : i32
      %mul3A_215 = arith.muli %scan3A_125, %mul3A_214 : i32
      %add3A_216 = arith.constant 5 : i32
      %add3A_217 = arith.addi %mul3A_215, %add3A_216 : i32
      %mul3A_218 = arith.constant 16 : i32
      %mul3A_219 = arith.muli %add3A_217, %mul3A_218 : i32
      %swap3A_220 = arith.index_cast %mul3A_219 : i32 to index
      %swap3A_221 = tpu.vector_load %arg6[%swap3A_220] {strides = array<i32>} : memref<4096xi32, #tpu.memory_space<vmem>>, vector<16xi32>,
      tpu.vector_store %arg6[%swap3A_220], %add3A_213 {strides = array<i32>} : memref<4096xi32, #tpu.memory_space<vmem>>, vector<16xi32>,
      %mul3A_222 = arith.constant 8 : i32
      %mul3A_223 = arith.muli %scan3A_125, %mul3A_222 : i32
      %add3A_224 = arith.constant 6 : i32
      %add3A_225 = arith.addi %mul3A_223, %add3A_224 : i32
      %mul3A_226 = arith.constant 16 : i32
      %mul3A_227 = arith.muli %add3A_225, %mul3A_226 : i32
      %add3A_228 = vector.broadcast %mul3A_227 : i32 to vector<16xi32>
      %add3A_229 = arith.addi %iota3A, %add3A_228 : vector<16xi32>
      %mul3A_230 = arith.constant 8 : i32
      %mul3A_231 = arith.muli %scan3A_125, %mul3A_230 : i32
      %add3A_232 = arith.constant 6 : i32
      %add3A_233 = arith.addi %mul3A_231, %add3A_232 : i32
      %mul3A_234 = arith.constant 16 : i32
      %mul3A_235 = arith.muli %add3A_233, %mul3A_234 : i32
      %swap3A_236 = arith.index_cast %mul3A_235 : i32 to index
      %swap3A_237 = tpu.vector_load %arg6[%swap3A_236] {strides = array<i32>} : memref<4096xi32, #tpu.memory_space<vmem>>, vector<16xi32>,
      tpu.vector_store %arg6[%swap3A_236], %add3A_229 {strides = array<i32>} : memref<4096xi32, #tpu.memory_space<vmem>>, vector<16xi32>,
      %mul3A_238 = arith.constant 8 : i32
      %mul3A_239 = arith.muli %scan3A_125, %mul3A_238 : i32
      %add3A_240 = arith.constant 7 : i32
      %add3A_241 = arith.addi %mul3A_239, %add3A_240 : i32
      %mul3A_242 = arith.constant 16 : i32
      %mul3A_243 = arith.muli %add3A_241, %mul3A_242 : i32
      %add3A_244 = vector.broadcast %mul3A_243 : i32 to vector<16xi32>
      %add3A_245 = arith.addi %iota3A, %add3A_244 : vector<16xi32>
      %mul3A_246 = arith.constant 8 : i32
      %mul3A_247 = arith.muli %scan3A_125, %mul3A_246 : i32
      %add3A_248 = arith.constant 7 : i32
      %add3A_249 = arith.addi %mul3A_247, %add3A_248 : i32
      %mul3A_250 = arith.constant 16 : i32
      %mul3A_251 = arith.muli %add3A_249, %mul3A_250 : i32
      %swap3A_252 = arith.index_cast %mul3A_251 : i32 to index
      %swap3A_253 = tpu.vector_load %arg6[%swap3A_252] {strides = array<i32>} : memref<4096xi32, #tpu.memory_space<vmem>>, vector<16xi32>,
      tpu.vector_store %arg6[%swap3A_252], %add3A_245 {strides = array<i32>} : memref<4096xi32, #tpu.memory_space<vmem>>, vector<16xi32>,
      %scan3A_254 = arith.constant 0 : i32
      scf.yield %scan3A_254 : i32
    }
    %scan3A_12 = arith.constant 32 : i32
    %scan3A_13 = arith.constant 0 : i32
    %scan3A_14 = arith.constant 0 : i32
    %scan3A_15 = arith.constant 32 : i32
    %scan3A_16 = arith.addi %scan3A_14, %scan3A_15 : i32
    %scan3A_17 = arith.constant 1 : i32
    %scan3A_18 = scf.for %scan3A_125 = %scan3A_14 to %scan3A_16 step %scan3A_17 iter_args(%scan3A_126 = %scan3A_13) -> (i32)  : i32 {
      %mul3A_127 = arith.constant 8 : i32
      %mul3A_128 = arith.muli %scan3A_125, %mul3A_127 : i32
      %add3A_129 = arith.constant 0 : i32
      %add3A_130 = arith.addi %mul3A_128, %add3A_129 : i32
      %mul3A_131 = arith.constant 16 : i32
      %mul3A_132 = arith.muli %add3A_130, %mul3A_131 : i32
      %swap3A = arith.index_cast %mul3A_132 : i32 to index
      %swap3A_133 = tpu.vector_load %arg8[%swap3A] {strides = array<i32>} : memref<4096xi32, #tpu.memory_space<vmem>>, vector<16xi32>,
      tpu.vector_store %arg8[%swap3A], %broadcast_in_dim3A_6 {strides = array<i32>} : memref<4096xi32, #tpu.memory_space<vmem>>, vector<16xi32>,
      %mul3A_134 = arith.constant 8 : i32
      %mul3A_135 = arith.muli %scan3A_125, %mul3A_134 : i32
      %add3A_136 = arith.constant 1 : i32
      %add3A_137 = arith.addi %mul3A_135, %add3A_136 : i32
      %mul3A_138 = arith.constant 16 : i32
      %mul3A_139 = arith.muli %add3A_137, %mul3A_138 : i32
      %swap3A_140 = arith.index_cast %mul3A_139 : i32 to index
      %swap3A_141 = tpu.vector_load %arg8[%swap3A_140] {strides = array<i32>} : memref<4096xi32, #tpu.memory_space<vmem>>, vector<16xi32>,
      tpu.vector_store %arg8[%swap3A_140], %broadcast_in_dim3A_6 {strides = array<i32>} : memref<4096xi32, #tpu.memory_space<vmem>>, vector<16xi32>,
      %mul3A_142 = arith.constant 8 : i32
      %mul3A_143 = arith.muli %scan3A_125, %mul3A_142 : i32
      %add3A_144 = arith.constant 2 : i32
      %add3A_145 = arith.addi %mul3A_143, %add3A_144 : i32
      %mul3A_146 = arith.constant 16 : i32
      %mul3A_147 = arith.muli %add3A_145, %mul3A_146 : i32
      %swap3A_148 = arith.index_cast %mul3A_147 : i32 to index
      %swap3A_149 = tpu.vector_load %arg8[%swap3A_148] {strides = array<i32>} : memref<4096xi32, #tpu.memory_space<vmem>>, vector<16xi32>,
      tpu.vector_store %arg8[%swap3A_148], %broadcast_in_dim3A_6 {strides = array<i32>} : memref<4096xi32, #tpu.memory_space<vmem>>, vector<16xi32>,
      %mul3A_150 = arith.constant 8 : i32
      %mul3A_151 = arith.muli %scan3A_125, %mul3A_150 : i32
      %add3A_152 = arith.constant 3 : i32
      %add3A_153 = arith.addi %mul3A_151, %add3A_152 : i32
      %mul3A_154 = arith.constant 16 : i32
      %mul3A_155 = arith.muli %add3A_153, %mul3A_154 : i32
      %swap3A_156 = arith.index_cast %mul3A_155 : i32 to index
      %swap3A_157 = tpu.vector_load %arg8[%swap3A_156] {strides = array<i32>} : memref<4096xi32, #tpu.memory_space<vmem>>, vector<16xi32>,
      tpu.vector_store %arg8[%swap3A_156], %broadcast_in_dim3A_6 {strides = array<i32>} : memref<4096xi32, #tpu.memory_space<vmem>>, vector<16xi32>,
      %mul3A_158 = arith.constant 8 : i32
      %mul3A_159 = arith.muli %scan3A_125, %mul3A_158 : i32
      %add3A_160 = arith.constant 4 : i32
      %add3A_161 = arith.addi %mul3A_159, %add3A_160 : i32
      %mul3A_162 = arith.constant 16 : i32
      %mul3A_163 = arith.muli %add3A_161, %mul3A_162 : i32
      %swap3A_164 = arith.index_cast %mul3A_163 : i32 to index
      %swap3A_165 = tpu.vector_load %arg8[%swap3A_164] {strides = array<i32>} : memref<4096xi32, #tpu.memory_space<vmem>>, vector<16xi32>,
      tpu.vector_store %arg8[%swap3A_164], %broadcast_in_dim3A_6 {strides = array<i32>} : memref<4096xi32, #tpu.memory_space<vmem>>, vector<16xi32>,
      %mul3A_166 = arith.constant 8 : i32
      %mul3A_167 = arith.muli %scan3A_125, %mul3A_166 : i32
      %add3A_168 = arith.constant 5 : i32
      %add3A_169 = arith.addi %mul3A_167, %add3A_168 : i32
      %mul3A_170 = arith.constant 16 : i32
      %mul3A_171 = arith.muli %add3A_169, %mul3A_170 : i32
      %swap3A_172 = arith.index_cast %mul3A_171 : i32 to index
      %swap3A_173 = tpu.vector_load %arg8[%swap3A_172] {strides = array<i32>} : memref<4096xi32, #tpu.memory_space<vmem>>, vector<16xi32>,
      tpu.vector_store %arg8[%swap3A_172], %broadcast_in_dim3A_6 {strides = array<i32>} : memref<4096xi32, #tpu.memory_space<vmem>>, vector<16xi32>,
      %mul3A_174 = arith.constant 8 : i32
      %mul3A_175 = arith.muli %scan3A_125, %mul3A_174 : i32
      %add3A_176 = arith.constant 6 : i32
      %add3A_177 = arith.addi %mul3A_175, %add3A_176 : i32
      %mul3A_178 = arith.constant 16 : i32
      %mul3A_179 = arith.muli %add3A_177, %mul3A_178 : i32
      %swap3A_180 = arith.index_cast %mul3A_179 : i32 to index
      %swap3A_181 = tpu.vector_load %arg8[%swap3A_180] {strides = array<i32>} : memref<4096xi32, #tpu.memory_space<vmem>>, vector<16xi32>,
      tpu.vector_store %arg8[%swap3A_180], %broadcast_in_dim3A_6 {strides = array<i32>} : memref<4096xi32, #tpu.memory_space<vmem>>, vector<16xi32>,
      %mul3A_182 = arith.constant 8 : i32
      %mul3A_183 = arith.muli %scan3A_125, %mul3A_182 : i32
      %add3A_184 = arith.constant 7 : i32
      %add3A_185 = arith.addi %mul3A_183, %add3A_184 : i32
      %mul3A_186 = arith.constant 16 : i32
      %mul3A_187 = arith.muli %add3A_185, %mul3A_186 : i32
      %swap3A_188 = arith.index_cast %mul3A_187 : i32 to index
      %swap3A_189 = tpu.vector_load %arg8[%swap3A_188] {strides = array<i32>} : memref<4096xi32, #tpu.memory_space<vmem>>, vector<16xi32>,
      tpu.vector_store %arg8[%swap3A_188], %broadcast_in_dim3A_6 {strides = array<i32>} : memref<4096xi32, #tpu.memory_space<vmem>>, vector<16xi32>,
      %scan3A_190 = arith.constant 0 : i32
      scf.yield %scan3A_190 : i32
    }
    %scan3A_19 = arith.constant 32 : i32
    %scan3A_20 = arith.constant 0 : i32
    %scan3A_21 = arith.constant 0 : i32
    %scan3A_22 = arith.constant 64 : i32
    %scan3A_23 = arith.addi %scan3A_21, %scan3A_22 : i32
    %scan3A_24 = arith.constant 1 : i32
    %scan3A_25 = scf.for %scan3A_125 = %scan3A_21 to %scan3A_23 step %scan3A_24 iter_args(%scan3A_126 = %scan3A_20) -> (i32)  : i32 {
      %mul3A_127 = arith.constant 4 : i32
      %mul3A_128 = arith.muli %scan3A_125, %mul3A_127 : i32
      %add3A_129 = arith.constant 0 : i32
      %add3A_130 = arith.addi %mul3A_128, %add3A_129 : i32
      %add3A_131 = vector.broadcast %add3A_130 : i32 to vector<16xi32>
      %add3A_132 = arith.addi %mul3A_3, %add3A_131 : vector<16xi32>
      %gather3A = tpu.vector_load_idx %arg4[%add3A_132] : memref<4096xi32, #tpu.memory_space<vmem>>[vector<16xi32>], vector<16xi32>,
      %shift_right_arithmetic3A = arith.constant 0 : i32
      %shift_right_arithmetic3A_133 = vector.broadcast %shift_right_arithmetic3A : i32 to vector<16xi32>
      %shift_right_arithmetic3A_134 = arith.shrsi %gather3A, %shift_right_arithmetic3A_133 : vector<16xi32>
      %and3A = arith.constant 255 : i32
      %and3A_135 = vector.broadcast %and3A : i32 to vector<16xi32>
      %and3A_136 = arith.andi %shift_right_arithmetic3A_134, %and3A_135 : vector<16xi32>
      %mul3A_137 = arith.constant 16 : i32
      %mul3A_138 = vector.broadcast %mul3A_137 : i32 to vector<16xi32>
      %mul3A_139 = arith.muli %and3A_136, %mul3A_138 : vector<16xi32>
      %add3A_140 = arith.addi %mul3A_139, %iota3A : vector<16xi32>
      tpu.vector_store_idx %arg8[%add3A_140], %broadcast_in_dim3A_4 {add = true} : memref<4096xi32, #tpu.memory_space<vmem>>[vector<16xi32>], vector<16xi32>,
      %mul3A_141 = arith.constant 4 : i32
      %mul3A_142 = arith.muli %scan3A_125, %mul3A_141 : i32
      %add3A_143 = arith.constant 1 : i32
      %add3A_144 = arith.addi %mul3A_142, %add3A_143 : i32
      %add3A_145 = vector.broadcast %add3A_144 : i32 to vector<16xi32>
      %add3A_146 = arith.addi %mul3A_3, %add3A_145 : vector<16xi32>
      %gather3A_147 = tpu.vector_load_idx %arg4[%add3A_146] : memref<4096xi32, #tpu.memory_space<vmem>>[vector<16xi32>], vector<16xi32>,
      %shift_right_arithmetic3A_148 = arith.constant 0 : i32
      %shift_right_arithmetic3A_149 = vector.broadcast %shift_right_arithmetic3A_148 : i32 to vector<16xi32>
      %shift_right_arithmetic3A_150 = arith.shrsi %gather3A_147, %shift_right_arithmetic3A_149 : vector<16xi32>
      %and3A_151 = arith.constant 255 : i32
      %and3A_152 = vector.broadcast %and3A_151 : i32 to vector<16xi32>
      %and3A_153 = arith.andi %shift_right_arithmetic3A_150, %and3A_152 : vector<16xi32>
      %mul3A_154 = arith.constant 16 : i32
      %mul3A_155 = vector.broadcast %mul3A_154 : i32 to vector<16xi32>
      %mul3A_156 = arith.muli %and3A_153, %mul3A_155 : vector<16xi32>
      %add3A_157 = arith.addi %mul3A_156, %iota3A : vector<16xi32>
      tpu.vector_store_idx %arg8[%add3A_157], %broadcast_in_dim3A_4 {add = true} : memref<4096xi32, #tpu.memory_space<vmem>>[vector<16xi32>], vector<16xi32>,
      %mul3A_158 = arith.constant 4 : i32
      %mul3A_159 = arith.muli %scan3A_125, %mul3A_158 : i32
      %add3A_160 = arith.constant 2 : i32
      %add3A_161 = arith.addi %mul3A_159, %add3A_160 : i32
      %add3A_162 = vector.broadcast %add3A_161 : i32 to vector<16xi32>
      %add3A_163 = arith.addi %mul3A_3, %add3A_162 : vector<16xi32>
      %gather3A_164 = tpu.vector_load_idx %arg4[%add3A_163] : memref<4096xi32, #tpu.memory_space<vmem>>[vector<16xi32>], vector<16xi32>,
      %shift_right_arithmetic3A_165 = arith.constant 0 : i32
      %shift_right_arithmetic3A_166 = vector.broadcast %shift_right_arithmetic3A_165 : i32 to vector<16xi32>
      %shift_right_arithmetic3A_167 = arith.shrsi %gather3A_164, %shift_right_arithmetic3A_166 : vector<16xi32>
      %and3A_168 = arith.constant 255 : i32
      %and3A_169 = vector.broadcast %and3A_168 : i32 to vector<16xi32>
      %and3A_170 = arith.andi %shift_right_arithmetic3A_167, %and3A_169 : vector<16xi32>
      %mul3A_171 = arith.constant 16 : i32
      %mul3A_172 = vector.broadcast %mul3A_171 : i32 to vector<16xi32>
      %mul3A_173 = arith.muli %and3A_170, %mul3A_172 : vector<16xi32>
      %add3A_174 = arith.addi %mul3A_173, %iota3A : vector<16xi32>
      tpu.vector_store_idx %arg8[%add3A_174], %broadcast_in_dim3A_4 {add = true} : memref<4096xi32, #tpu.memory_space<vmem>>[vector<16xi32>], vector<16xi32>,
      %mul3A_175 = arith.constant 4 : i32
      %mul3A_176 = arith.muli %scan3A_125, %mul3A_175 : i32
      %add3A_177 = arith.constant 3 : i32
      %add3A_178 = arith.addi %mul3A_176, %add3A_177 : i32
      %add3A_179 = vector.broadcast %add3A_178 : i32 to vector<16xi32>
      %add3A_180 = arith.addi %mul3A_3, %add3A_179 : vector<16xi32>
      %gather3A_181 = tpu.vector_load_idx %arg4[%add3A_180] : memref<4096xi32, #tpu.memory_space<vmem>>[vector<16xi32>], vector<16xi32>,
      %shift_right_arithmetic3A_182 = arith.constant 0 : i32
      %shift_right_arithmetic3A_183 = vector.broadcast %shift_right_arithmetic3A_182 : i32 to vector<16xi32>
      %shift_right_arithmetic3A_184 = arith.shrsi %gather3A_181, %shift_right_arithmetic3A_183 : vector<16xi32>
      %and3A_185 = arith.constant 255 : i32
      %and3A_186 = vector.broadcast %and3A_185 : i32 to vector<16xi32>
      %and3A_187 = arith.andi %shift_right_arithmetic3A_184, %and3A_186 : vector<16xi32>
      %mul3A_188 = arith.constant 16 : i32
      %mul3A_189 = vector.broadcast %mul3A_188 : i32 to vector<16xi32>
      %mul3A_190 = arith.muli %and3A_187, %mul3A_189 : vector<16xi32>
      %add3A_191 = arith.addi %mul3A_190, %iota3A : vector<16xi32>
      tpu.vector_store_idx %arg8[%add3A_191], %broadcast_in_dim3A_4 {add = true} : memref<4096xi32, #tpu.memory_space<vmem>>[vector<16xi32>], vector<16xi32>,
      %scan3A_192 = arith.constant 0 : i32
      scf.yield %scan3A_192 : i32
    }
    %scan3A_26 = arith.constant 64 : i32
    %scan3A_27 = arith.constant 0 : i32
    %scan3A_28 = arith.constant 0 : i32
    %scan3A_29 = arith.constant 64 : i32
    %scan3A_30 = arith.addi %scan3A_28, %scan3A_29 : i32
    %scan3A_31 = arith.constant 1 : i32
    %scan3A_32 = scf.for %scan3A_125 = %scan3A_28 to %scan3A_30 step %scan3A_31 iter_args(%scan3A_126 = %scan3A_27) -> (i32)  : i32 {
      %mul3A_127 = arith.constant 4 : i32
      %mul3A_128 = arith.muli %scan3A_125, %mul3A_127 : i32
      %add3A_129 = arith.constant 0 : i32
      %add3A_130 = arith.addi %mul3A_128, %add3A_129 : i32
      %mul3A_131 = arith.constant 16 : i32
      %mul3A_132 = arith.muli %add3A_130, %mul3A_131 : i32
      %get3A = arith.index_cast %mul3A_132 : i32 to index
      %get3A_133 = tpu.vector_load %arg8[%get3A] {strides = array<i32>} : memref<4096xi32, #tpu.memory_space<vmem>>, vector<16xi32>,
      %broadcast_in_dim3A_134 = arith.constant true
      %broadcast_in_dim3A_135 = vector.broadcast %broadcast_in_dim3A_134 : i1 to vector<16xi1>
      %masked_cumsum3A = tpu.scan <sum>, %get3A_133 masked %broadcast_in_dim3A_135 : vector<16xi32>, vector<16xi1> -> vector<16xi32>
      %sub3A = arith.subi %masked_cumsum3A, %get3A_133 : vector<16xi32>
      %add3A_136 = vector.broadcast %scan3A_126 : i32 to vector<16xi32>
      %add3A_137 = arith.addi %sub3A, %add3A_136 : vector<16xi32>
      %swap3A = arith.index_cast %mul3A_132 : i32 to index
      %swap3A_138 = tpu.vector_load %arg8[%swap3A] {strides = array<i32>} : memref<4096xi32, #tpu.memory_space<vmem>>, vector<16xi32>,
      tpu.vector_store %arg8[%swap3A], %add3A_137 {strides = array<i32>} : memref<4096xi32, #tpu.memory_space<vmem>>, vector<16xi32>,
      %slice3A = vector.extract_strided_slice %masked_cumsum3A {offsets = [15], sizes = [1], strides = [1]} : vector<16xi32> to vector<1xi32>
      %squeeze3A = vector.extract %slice3A[0] : i32 from vector<1xi32>
      %add3A_139 = arith.addi %scan3A_126, %squeeze3A : i32
      %mul3A_140 = arith.constant 4 : i32
      %mul3A_141 = arith.muli %scan3A_125, %mul3A_140 : i32
      %add3A_142 = arith.constant 1 : i32
      %add3A_143 = arith.addi %mul3A_141, %add3A_142 : i32
      %mul3A_144 = arith.constant 16 : i32
      %mul3A_145 = arith.muli %add3A_143, %mul3A_144 : i32
      %get3A_146 = arith.index_cast %mul3A_145 : i32 to index
      %get3A_147 = tpu.vector_load %arg8[%get3A_146] {strides = array<i32>} : memref<4096xi32, #tpu.memory_space<vmem>>, vector<16xi32>,
      %broadcast_in_dim3A_148 = arith.constant true
      %broadcast_in_dim3A_149 = vector.broadcast %broadcast_in_dim3A_148 : i1 to vector<16xi1>
      %masked_cumsum3A_150 = tpu.scan <sum>, %get3A_147 masked %broadcast_in_dim3A_149 : vector<16xi32>, vector<16xi1> -> vector<16xi32>
      %sub3A_151 = arith.subi %masked_cumsum3A_150, %get3A_147 : vector<16xi32>
      %add3A_152 = vector.broadcast %add3A_139 : i32 to vector<16xi32>
      %add3A_153 = arith.addi %sub3A_151, %add3A_152 : vector<16xi32>
      %swap3A_154 = arith.index_cast %mul3A_145 : i32 to index
      %swap3A_155 = tpu.vector_load %arg8[%swap3A_154] {strides = array<i32>} : memref<4096xi32, #tpu.memory_space<vmem>>, vector<16xi32>,
      tpu.vector_store %arg8[%swap3A_154], %add3A_153 {strides = array<i32>} : memref<4096xi32, #tpu.memory_space<vmem>>, vector<16xi32>,
      %slice3A_156 = vector.extract_strided_slice %masked_cumsum3A_150 {offsets = [15], sizes = [1], strides = [1]} : vector<16xi32> to vector<1xi32>
      %squeeze3A_157 = vector.extract %slice3A_156[0] : i32 from vector<1xi32>
      %add3A_158 = arith.addi %add3A_139, %squeeze3A_157 : i32
      %mul3A_159 = arith.constant 4 : i32
      %mul3A_160 = arith.muli %scan3A_125, %mul3A_159 : i32
      %add3A_161 = arith.constant 2 : i32
      %add3A_162 = arith.addi %mul3A_160, %add3A_161 : i32
      %mul3A_163 = arith.constant 16 : i32
      %mul3A_164 = arith.muli %add3A_162, %mul3A_163 : i32
      %get3A_165 = arith.index_cast %mul3A_164 : i32 to index
      %get3A_166 = tpu.vector_load %arg8[%get3A_165] {strides = array<i32>} : memref<4096xi32, #tpu.memory_space<vmem>>, vector<16xi32>,
      %broadcast_in_dim3A_167 = arith.constant true
      %broadcast_in_dim3A_168 = vector.broadcast %broadcast_in_dim3A_167 : i1 to vector<16xi1>
      %masked_cumsum3A_169 = tpu.scan <sum>, %get3A_166 masked %broadcast_in_dim3A_168 : vector<16xi32>, vector<16xi1> -> vector<16xi32>
      %sub3A_170 = arith.subi %masked_cumsum3A_169, %get3A_166 : vector<16xi32>
      %add3A_171 = vector.broadcast %add3A_158 : i32 to vector<16xi32>
      %add3A_172 = arith.addi %sub3A_170, %add3A_171 : vector<16xi32>
      %swap3A_173 = arith.index_cast %mul3A_164 : i32 to index
      %swap3A_174 = tpu.vector_load %arg8[%swap3A_173] {strides = array<i32>} : memref<4096xi32, #tpu.memory_space<vmem>>, vector<16xi32>,
      tpu.vector_store %arg8[%swap3A_173], %add3A_172 {strides = array<i32>} : memref<4096xi32, #tpu.memory_space<vmem>>, vector<16xi32>,
      %slice3A_175 = vector.extract_strided_slice %masked_cumsum3A_169 {offsets = [15], sizes = [1], strides = [1]} : vector<16xi32> to vector<1xi32>
      %squeeze3A_176 = vector.extract %slice3A_175[0] : i32 from vector<1xi32>
      %add3A_177 = arith.addi %add3A_158, %squeeze3A_176 : i32
      %mul3A_178 = arith.constant 4 : i32
      %mul3A_179 = arith.muli %scan3A_125, %mul3A_178 : i32
      %add3A_180 = arith.constant 3 : i32
      %add3A_181 = arith.addi %mul3A_179, %add3A_180 : i32
      %mul3A_182 = arith.constant 16 : i32
      %mul3A_183 = arith.muli %add3A_181, %mul3A_182 : i32
      %get3A_184 = arith.index_cast %mul3A_183 : i32 to index
      %get3A_185 = tpu.vector_load %arg8[%get3A_184] {strides = array<i32>} : memref<4096xi32, #tpu.memory_space<vmem>>, vector<16xi32>,
      %broadcast_in_dim3A_186 = arith.constant true
      %broadcast_in_dim3A_187 = vector.broadcast %broadcast_in_dim3A_186 : i1 to vector<16xi1>
      %masked_cumsum3A_188 = tpu.scan <sum>, %get3A_185 masked %broadcast_in_dim3A_187 : vector<16xi32>, vector<16xi1> -> vector<16xi32>
      %sub3A_189 = arith.subi %masked_cumsum3A_188, %get3A_185 : vector<16xi32>
      %add3A_190 = vector.broadcast %add3A_177 : i32 to vector<16xi32>
      %add3A_191 = arith.addi %sub3A_189, %add3A_190 : vector<16xi32>
      %swap3A_192 = arith.index_cast %mul3A_183 : i32 to index
      %swap3A_193 = tpu.vector_load %arg8[%swap3A_192] {strides = array<i32>} : memref<4096xi32, #tpu.memory_space<vmem>>, vector<16xi32>,
      tpu.vector_store %arg8[%swap3A_192], %add3A_191 {strides = array<i32>} : memref<4096xi32, #tpu.memory_space<vmem>>, vector<16xi32>,
      %slice3A_194 = vector.extract_strided_slice %masked_cumsum3A_188 {offsets = [15], sizes = [1], strides = [1]} : vector<16xi32> to vector<1xi32>
      %squeeze3A_195 = vector.extract %slice3A_194[0] : i32 from vector<1xi32>
      %add3A_196 = arith.addi %add3A_177, %squeeze3A_195 : i32
      scf.yield %add3A_196 : i32
    }
    %scan3A_33 = arith.constant 64 : i32
    %scan3A_34 = arith.constant 0 : i32
    %scan3A_35 = arith.constant 0 : i32
    %scan3A_36 = arith.constant 128 : i32
    %scan3A_37 = arith.addi %scan3A_35, %scan3A_36 : i32
    %scan3A_38 = arith.constant 1 : i32
    %scan3A_39 = scf.for %scan3A_125 = %scan3A_35 to %scan3A_37 step %scan3A_38 iter_args(%scan3A_126 = %scan3A_34) -> (i32)  : i32 {
      %mul3A_127 = arith.constant 2 : i32
      %mul3A_128 = arith.muli %scan3A_125, %mul3A_127 : i32
      %add3A_129 = arith.constant 0 : i32
      %add3A_130 = arith.addi %mul3A_128, %add3A_129 : i32
      %add3A_131 = vector.broadcast %add3A_130 : i32 to vector<16xi32>
      %add3A_132 = arith.addi %mul3A_3, %add3A_131 : vector<16xi32>
      %gather3A = tpu.vector_load_idx %arg4[%add3A_132] : memref<4096xi32, #tpu.memory_space<vmem>>[vector<16xi32>], vector<16xi32>,
      %gather3A_133 = tpu.vector_load_idx %arg6[%add3A_132] : memref<4096xi32, #tpu.memory_space<vmem>>[vector<16xi32>], vector<16xi32>,
      %shift_right_arithmetic3A = arith.constant 0 : i32
      %shift_right_arithmetic3A_134 = vector.broadcast %shift_right_arithmetic3A : i32 to vector<16xi32>
      %shift_right_arithmetic3A_135 = arith.shrsi %gather3A, %shift_right_arithmetic3A_134 : vector<16xi32>
      %and3A = arith.constant 255 : i32
      %and3A_136 = vector.broadcast %and3A : i32 to vector<16xi32>
      %and3A_137 = arith.andi %shift_right_arithmetic3A_135, %and3A_136 : vector<16xi32>
      %mul3A_138 = arith.constant 16 : i32
      %mul3A_139 = vector.broadcast %mul3A_138 : i32 to vector<16xi32>
      %mul3A_140 = arith.muli %and3A_137, %mul3A_139 : vector<16xi32>
      %add3A_141 = arith.addi %mul3A_140, %iota3A : vector<16xi32>
      %gather3A_142 = tpu.vector_load_idx %arg8[%add3A_141] : memref<4096xi32, #tpu.memory_space<vmem>>[vector<16xi32>], vector<16xi32>,
      tpu.vector_store_idx %arg5[%gather3A_142], %gather3A : memref<4096xi32, #tpu.memory_space<vmem>>[vector<16xi32>], vector<16xi32>,
      tpu.vector_store_idx %arg7[%gather3A_142], %gather3A_133 : memref<4096xi32, #tpu.memory_space<vmem>>[vector<16xi32>], vector<16xi32>,
      tpu.vector_store_idx %arg8[%add3A_141], %broadcast_in_dim3A_4 {add = true} : memref<4096xi32, #tpu.memory_space<vmem>>[vector<16xi32>], vector<16xi32>,
      %mul3A_143 = arith.constant 2 : i32
      %mul3A_144 = arith.muli %scan3A_125, %mul3A_143 : i32
      %add3A_145 = arith.constant 1 : i32
      %add3A_146 = arith.addi %mul3A_144, %add3A_145 : i32
      %add3A_147 = vector.broadcast %add3A_146 : i32 to vector<16xi32>
      %add3A_148 = arith.addi %mul3A_3, %add3A_147 : vector<16xi32>
      %gather3A_149 = tpu.vector_load_idx %arg4[%add3A_148] : memref<4096xi32, #tpu.memory_space<vmem>>[vector<16xi32>], vector<16xi32>,
      %gather3A_150 = tpu.vector_load_idx %arg6[%add3A_148] : memref<4096xi32, #tpu.memory_space<vmem>>[vector<16xi32>], vector<16xi32>,
      %shift_right_arithmetic3A_151 = arith.constant 0 : i32
      %shift_right_arithmetic3A_152 = vector.broadcast %shift_right_arithmetic3A_151 : i32 to vector<16xi32>
      %shift_right_arithmetic3A_153 = arith.shrsi %gather3A_149, %shift_right_arithmetic3A_152 : vector<16xi32>
      %and3A_154 = arith.constant 255 : i32
      %and3A_155 = vector.broadcast %and3A_154 : i32 to vector<16xi32>
      %and3A_156 = arith.andi %shift_right_arithmetic3A_153, %and3A_155 : vector<16xi32>
      %mul3A_157 = arith.constant 16 : i32
      %mul3A_158 = vector.broadcast %mul3A_157 : i32 to vector<16xi32>
      %mul3A_159 = arith.muli %and3A_156, %mul3A_158 : vector<16xi32>
      %add3A_160 = arith.addi %mul3A_159, %iota3A : vector<16xi32>
      %gather3A_161 = tpu.vector_load_idx %arg8[%add3A_160] : memref<4096xi32, #tpu.memory_space<vmem>>[vector<16xi32>], vector<16xi32>,
      tpu.vector_store_idx %arg5[%gather3A_161], %gather3A_149 : memref<4096xi32, #tpu.memory_space<vmem>>[vector<16xi32>], vector<16xi32>,
      tpu.vector_store_idx %arg7[%gather3A_161], %gather3A_150 : memref<4096xi32, #tpu.memory_space<vmem>>[vector<16xi32>], vector<16xi32>,
      tpu.vector_store_idx %arg8[%add3A_160], %broadcast_in_dim3A_4 {add = true} : memref<4096xi32, #tpu.memory_space<vmem>>[vector<16xi32>], vector<16xi32>,
      %scan3A_162 = arith.constant 0 : i32
      scf.yield %scan3A_162 : i32
    }
    %scan3A_40 = arith.constant 128 : i32
    %scan3A_41 = arith.constant 0 : i32
    %scan3A_42 = arith.constant 0 : i32
    %scan3A_43 = arith.constant 32 : i32
    %scan3A_44 = arith.addi %scan3A_42, %scan3A_43 : i32
    %scan3A_45 = arith.constant 1 : i32
    %scan3A_46 = scf.for %scan3A_125 = %scan3A_42 to %scan3A_44 step %scan3A_45 iter_args(%scan3A_126 = %scan3A_41) -> (i32)  : i32 {
      %mul3A_127 = arith.constant 8 : i32
      %mul3A_128 = arith.muli %scan3A_125, %mul3A_127 : i32
      %add3A_129 = arith.constant 0 : i32
      %add3A_130 = arith.addi %mul3A_128, %add3A_129 : i32
      %mul3A_131 = arith.constant 16 : i32
      %mul3A_132 = arith.muli %add3A_130, %mul3A_131 : i32
      %swap3A = arith.index_cast %mul3A_132 : i32 to index
      %swap3A_133 = tpu.vector_load %arg8[%swap3A] {strides = array<i32>} : memref<4096xi32, #tpu.memory_space<vmem>>, vector<16xi32>,
      tpu.vector_store %arg8[%swap3A], %broadcast_in_dim3A_6 {strides = array<i32>} : memref<4096xi32, #tpu.memory_space<vmem>>, vector<16xi32>,
      %mul3A_134 = arith.constant 8 : i32
      %mul3A_135 = arith.muli %scan3A_125, %mul3A_134 : i32
      %add3A_136 = arith.constant 1 : i32
      %add3A_137 = arith.addi %mul3A_135, %add3A_136 : i32
      %mul3A_138 = arith.constant 16 : i32
      %mul3A_139 = arith.muli %add3A_137, %mul3A_138 : i32
      %swap3A_140 = arith.index_cast %mul3A_139 : i32 to index
      %swap3A_141 = tpu.vector_load %arg8[%swap3A_140] {strides = array<i32>} : memref<4096xi32, #tpu.memory_space<vmem>>, vector<16xi32>,
      tpu.vector_store %arg8[%swap3A_140], %broadcast_in_dim3A_6 {strides = array<i32>} : memref<4096xi32, #tpu.memory_space<vmem>>, vector<16xi32>,
      %mul3A_142 = arith.constant 8 : i32
      %mul3A_143 = arith.muli %scan3A_125, %mul3A_142 : i32
      %add3A_144 = arith.constant 2 : i32
      %add3A_145 = arith.addi %mul3A_143, %add3A_144 : i32
      %mul3A_146 = arith.constant 16 : i32
      %mul3A_147 = arith.muli %add3A_145, %mul3A_146 : i32
      %swap3A_148 = arith.index_cast %mul3A_147 : i32 to index
      %swap3A_149 = tpu.vector_load %arg8[%swap3A_148] {strides = array<i32>} : memref<4096xi32, #tpu.memory_space<vmem>>, vector<16xi32>,
      tpu.vector_store %arg8[%swap3A_148], %broadcast_in_dim3A_6 {strides = array<i32>} : memref<4096xi32, #tpu.memory_space<vmem>>, vector<16xi32>,
      %mul3A_150 = arith.constant 8 : i32
      %mul3A_151 = arith.muli %scan3A_125, %mul3A_150 : i32
      %add3A_152 = arith.constant 3 : i32
      %add3A_153 = arith.addi %mul3A_151, %add3A_152 : i32
      %mul3A_154 = arith.constant 16 : i32
      %mul3A_155 = arith.muli %add3A_153, %mul3A_154 : i32
      %swap3A_156 = arith.index_cast %mul3A_155 : i32 to index
      %swap3A_157 = tpu.vector_load %arg8[%swap3A_156] {strides = array<i32>} : memref<4096xi32, #tpu.memory_space<vmem>>, vector<16xi32>,
      tpu.vector_store %arg8[%swap3A_156], %broadcast_in_dim3A_6 {strides = array<i32>} : memref<4096xi32, #tpu.memory_space<vmem>>, vector<16xi32>,
      %mul3A_158 = arith.constant 8 : i32
      %mul3A_159 = arith.muli %scan3A_125, %mul3A_158 : i32
      %add3A_160 = arith.constant 4 : i32
      %add3A_161 = arith.addi %mul3A_159, %add3A_160 : i32
      %mul3A_162 = arith.constant 16 : i32
      %mul3A_163 = arith.muli %add3A_161, %mul3A_162 : i32
      %swap3A_164 = arith.index_cast %mul3A_163 : i32 to index
      %swap3A_165 = tpu.vector_load %arg8[%swap3A_164] {strides = array<i32>} : memref<4096xi32, #tpu.memory_space<vmem>>, vector<16xi32>,
      tpu.vector_store %arg8[%swap3A_164], %broadcast_in_dim3A_6 {strides = array<i32>} : memref<4096xi32, #tpu.memory_space<vmem>>, vector<16xi32>,
      %mul3A_166 = arith.constant 8 : i32
      %mul3A_167 = arith.muli %scan3A_125, %mul3A_166 : i32
      %add3A_168 = arith.constant 5 : i32
      %add3A_169 = arith.addi %mul3A_167, %add3A_168 : i32
      %mul3A_170 = arith.constant 16 : i32
      %mul3A_171 = arith.muli %add3A_169, %mul3A_170 : i32
      %swap3A_172 = arith.index_cast %mul3A_171 : i32 to index
      %swap3A_173 = tpu.vector_load %arg8[%swap3A_172] {strides = array<i32>} : memref<4096xi32, #tpu.memory_space<vmem>>, vector<16xi32>,
      tpu.vector_store %arg8[%swap3A_172], %broadcast_in_dim3A_6 {strides = array<i32>} : memref<4096xi32, #tpu.memory_space<vmem>>, vector<16xi32>,
      %mul3A_174 = arith.constant 8 : i32
      %mul3A_175 = arith.muli %scan3A_125, %mul3A_174 : i32
      %add3A_176 = arith.constant 6 : i32
      %add3A_177 = arith.addi %mul3A_175, %add3A_176 : i32
      %mul3A_178 = arith.constant 16 : i32
      %mul3A_179 = arith.muli %add3A_177, %mul3A_178 : i32
      %swap3A_180 = arith.index_cast %mul3A_179 : i32 to index
      %swap3A_181 = tpu.vector_load %arg8[%swap3A_180] {strides = array<i32>} : memref<4096xi32, #tpu.memory_space<vmem>>, vector<16xi32>,
      tpu.vector_store %arg8[%swap3A_180], %broadcast_in_dim3A_6 {strides = array<i32>} : memref<4096xi32, #tpu.memory_space<vmem>>, vector<16xi32>,
      %mul3A_182 = arith.constant 8 : i32
      %mul3A_183 = arith.muli %scan3A_125, %mul3A_182 : i32
      %add3A_184 = arith.constant 7 : i32
      %add3A_185 = arith.addi %mul3A_183, %add3A_184 : i32
      %mul3A_186 = arith.constant 16 : i32
      %mul3A_187 = arith.muli %add3A_185, %mul3A_186 : i32
      %swap3A_188 = arith.index_cast %mul3A_187 : i32 to index
      %swap3A_189 = tpu.vector_load %arg8[%swap3A_188] {strides = array<i32>} : memref<4096xi32, #tpu.memory_space<vmem>>, vector<16xi32>,
      tpu.vector_store %arg8[%swap3A_188], %broadcast_in_dim3A_6 {strides = array<i32>} : memref<4096xi32, #tpu.memory_space<vmem>>, vector<16xi32>,
      %scan3A_190 = arith.constant 0 : i32
      scf.yield %scan3A_190 : i32
    }
    %scan3A_47 = arith.constant 32 : i32
    %scan3A_48 = arith.constant 0 : i32
    %scan3A_49 = arith.constant 0 : i32
    %scan3A_50 = arith.constant 64 : i32
    %scan3A_51 = arith.addi %scan3A_49, %scan3A_50 : i32
    %scan3A_52 = arith.constant 1 : i32
    %scan3A_53 = scf.for %scan3A_125 = %scan3A_49 to %scan3A_51 step %scan3A_52 iter_args(%scan3A_126 = %scan3A_48) -> (i32)  : i32 {
      %mul3A_127 = arith.constant 4 : i32
      %mul3A_128 = arith.muli %scan3A_125, %mul3A_127 : i32
      %add3A_129 = arith.constant 0 : i32
      %add3A_130 = arith.addi %mul3A_128, %add3A_129 : i32
      %add3A_131 = vector.broadcast %add3A_130 : i32 to vector<16xi32>
      %add3A_132 = arith.addi %mul3A_3, %add3A_131 : vector<16xi32>
      %gather3A = tpu.vector_load_idx %arg5[%add3A_132] : memref<4096xi32, #tpu.memory_space<vmem>>[vector<16xi32>], vector<16xi32>,
      %shift_right_arithmetic3A = arith.constant 8 : i32
      %shift_right_arithmetic3A_133 = vector.broadcast %shift_right_arithmetic3A : i32 to vector<16xi32>
      %shift_right_arithmetic3A_134 = arith.shrsi %gather3A, %shift_right_arithmetic3A_133 : vector<16xi32>
      %and3A = arith.constant 255 : i32
      %and3A_135 = vector.broadcast %and3A : i32 to vector<16xi32>
      %and3A_136 = arith.andi %shift_right_arithmetic3A_134, %and3A_135 : vector<16xi32>
      %mul3A_137 = arith.constant 16 : i32
      %mul3A_138 = vector.broadcast %mul3A_137 : i32 to vector<16xi32>
      %mul3A_139 = arith.muli %and3A_136, %mul3A_138 : vector<16xi32>
      %add3A_140 = arith.addi %mul3A_139, %iota3A : vector<16xi32>
      tpu.vector_store_idx %arg8[%add3A_140], %broadcast_in_dim3A_4 {add = true} : memref<4096xi32, #tpu.memory_space<vmem>>[vector<16xi32>], vector<16xi32>,
      %mul3A_141 = arith.constant 4 : i32
      %mul3A_142 = arith.muli %scan3A_125, %mul3A_141 : i32
      %add3A_143 = arith.constant 1 : i32
      %add3A_144 = arith.addi %mul3A_142, %add3A_143 : i32
      %add3A_145 = vector.broadcast %add3A_144 : i32 to vector<16xi32>
      %add3A_146 = arith.addi %mul3A_3, %add3A_145 : vector<16xi32>
      %gather3A_147 = tpu.vector_load_idx %arg5[%add3A_146] : memref<4096xi32, #tpu.memory_space<vmem>>[vector<16xi32>], vector<16xi32>,
      %shift_right_arithmetic3A_148 = arith.constant 8 : i32
      %shift_right_arithmetic3A_149 = vector.broadcast %shift_right_arithmetic3A_148 : i32 to vector<16xi32>
      %shift_right_arithmetic3A_150 = arith.shrsi %gather3A_147, %shift_right_arithmetic3A_149 : vector<16xi32>
      %and3A_151 = arith.constant 255 : i32
      %and3A_152 = vector.broadcast %and3A_151 : i32 to vector<16xi32>
      %and3A_153 = arith.andi %shift_right_arithmetic3A_150, %and3A_152 : vector<16xi32>
      %mul3A_154 = arith.constant 16 : i32
      %mul3A_155 = vector.broadcast %mul3A_154 : i32 to vector<16xi32>
      %mul3A_156 = arith.muli %and3A_153, %mul3A_155 : vector<16xi32>
      %add3A_157 = arith.addi %mul3A_156, %iota3A : vector<16xi32>
      tpu.vector_store_idx %arg8[%add3A_157], %broadcast_in_dim3A_4 {add = true} : memref<4096xi32, #tpu.memory_space<vmem>>[vector<16xi32>], vector<16xi32>,
      %mul3A_158 = arith.constant 4 : i32
      %mul3A_159 = arith.muli %scan3A_125, %mul3A_158 : i32
      %add3A_160 = arith.constant 2 : i32
      %add3A_161 = arith.addi %mul3A_159, %add3A_160 : i32
      %add3A_162 = vector.broadcast %add3A_161 : i32 to vector<16xi32>
      %add3A_163 = arith.addi %mul3A_3, %add3A_162 : vector<16xi32>
      %gather3A_164 = tpu.vector_load_idx %arg5[%add3A_163] : memref<4096xi32, #tpu.memory_space<vmem>>[vector<16xi32>], vector<16xi32>,
      %shift_right_arithmetic3A_165 = arith.constant 8 : i32
      %shift_right_arithmetic3A_166 = vector.broadcast %shift_right_arithmetic3A_165 : i32 to vector<16xi32>
      %shift_right_arithmetic3A_167 = arith.shrsi %gather3A_164, %shift_right_arithmetic3A_166 : vector<16xi32>
      %and3A_168 = arith.constant 255 : i32
      %and3A_169 = vector.broadcast %and3A_168 : i32 to vector<16xi32>
      %and3A_170 = arith.andi %shift_right_arithmetic3A_167, %and3A_169 : vector<16xi32>
      %mul3A_171 = arith.constant 16 : i32
      %mul3A_172 = vector.broadcast %mul3A_171 : i32 to vector<16xi32>
      %mul3A_173 = arith.muli %and3A_170, %mul3A_172 : vector<16xi32>
      %add3A_174 = arith.addi %mul3A_173, %iota3A : vector<16xi32>
      tpu.vector_store_idx %arg8[%add3A_174], %broadcast_in_dim3A_4 {add = true} : memref<4096xi32, #tpu.memory_space<vmem>>[vector<16xi32>], vector<16xi32>,
      %mul3A_175 = arith.constant 4 : i32
      %mul3A_176 = arith.muli %scan3A_125, %mul3A_175 : i32
      %add3A_177 = arith.constant 3 : i32
      %add3A_178 = arith.addi %mul3A_176, %add3A_177 : i32
      %add3A_179 = vector.broadcast %add3A_178 : i32 to vector<16xi32>
      %add3A_180 = arith.addi %mul3A_3, %add3A_179 : vector<16xi32>
      %gather3A_181 = tpu.vector_load_idx %arg5[%add3A_180] : memref<4096xi32, #tpu.memory_space<vmem>>[vector<16xi32>], vector<16xi32>,
      %shift_right_arithmetic3A_182 = arith.constant 8 : i32
      %shift_right_arithmetic3A_183 = vector.broadcast %shift_right_arithmetic3A_182 : i32 to vector<16xi32>
      %shift_right_arithmetic3A_184 = arith.shrsi %gather3A_181, %shift_right_arithmetic3A_183 : vector<16xi32>
      %and3A_185 = arith.constant 255 : i32
      %and3A_186 = vector.broadcast %and3A_185 : i32 to vector<16xi32>
      %and3A_187 = arith.andi %shift_right_arithmetic3A_184, %and3A_186 : vector<16xi32>
      %mul3A_188 = arith.constant 16 : i32
      %mul3A_189 = vector.broadcast %mul3A_188 : i32 to vector<16xi32>
      %mul3A_190 = arith.muli %and3A_187, %mul3A_189 : vector<16xi32>
      %add3A_191 = arith.addi %mul3A_190, %iota3A : vector<16xi32>
      tpu.vector_store_idx %arg8[%add3A_191], %broadcast_in_dim3A_4 {add = true} : memref<4096xi32, #tpu.memory_space<vmem>>[vector<16xi32>], vector<16xi32>,
      %scan3A_192 = arith.constant 0 : i32
      scf.yield %scan3A_192 : i32
    }
    %scan3A_54 = arith.constant 64 : i32
    %scan3A_55 = arith.constant 0 : i32
    %scan3A_56 = arith.constant 0 : i32
    %scan3A_57 = arith.constant 64 : i32
    %scan3A_58 = arith.addi %scan3A_56, %scan3A_57 : i32
    %scan3A_59 = arith.constant 1 : i32
    %scan3A_60 = scf.for %scan3A_125 = %scan3A_56 to %scan3A_58 step %scan3A_59 iter_args(%scan3A_126 = %scan3A_55) -> (i32)  : i32 {
      %mul3A_127 = arith.constant 4 : i32
      %mul3A_128 = arith.muli %scan3A_125, %mul3A_127 : i32
      %add3A_129 = arith.constant 0 : i32
      %add3A_130 = arith.addi %mul3A_128, %add3A_129 : i32
      %mul3A_131 = arith.constant 16 : i32
      %mul3A_132 = arith.muli %add3A_130, %mul3A_131 : i32
      %get3A = arith.index_cast %mul3A_132 : i32 to index
      %get3A_133 = tpu.vector_load %arg8[%get3A] {strides = array<i32>} : memref<4096xi32, #tpu.memory_space<vmem>>, vector<16xi32>,
      %broadcast_in_dim3A_134 = arith.constant true
      %broadcast_in_dim3A_135 = vector.broadcast %broadcast_in_dim3A_134 : i1 to vector<16xi1>
      %masked_cumsum3A = tpu.scan <sum>, %get3A_133 masked %broadcast_in_dim3A_135 : vector<16xi32>, vector<16xi1> -> vector<16xi32>
      %sub3A = arith.subi %masked_cumsum3A, %get3A_133 : vector<16xi32>
      %add3A_136 = vector.broadcast %scan3A_126 : i32 to vector<16xi32>
      %add3A_137 = arith.addi %sub3A, %add3A_136 : vector<16xi32>
      %swap3A = arith.index_cast %mul3A_132 : i32 to index
      %swap3A_138 = tpu.vector_load %arg8[%swap3A] {strides = array<i32>} : memref<4096xi32, #tpu.memory_space<vmem>>, vector<16xi32>,
      tpu.vector_store %arg8[%swap3A], %add3A_137 {strides = array<i32>} : memref<4096xi32, #tpu.memory_space<vmem>>, vector<16xi32>,
      %slice3A = vector.extract_strided_slice %masked_cumsum3A {offsets = [15], sizes = [1], strides = [1]} : vector<16xi32> to vector<1xi32>
      %squeeze3A = vector.extract %slice3A[0] : i32 from vector<1xi32>
      %add3A_139 = arith.addi %scan3A_126, %squeeze3A : i32
      %mul3A_140 = arith.constant 4 : i32
      %mul3A_141 = arith.muli %scan3A_125, %mul3A_140 : i32
      %add3A_142 = arith.constant 1 : i32
      %add3A_143 = arith.addi %mul3A_141, %add3A_142 : i32
      %mul3A_144 = arith.constant 16 : i32
      %mul3A_145 = arith.muli %add3A_143, %mul3A_144 : i32
      %get3A_146 = arith.index_cast %mul3A_145 : i32 to index
      %get3A_147 = tpu.vector_load %arg8[%get3A_146] {strides = array<i32>} : memref<4096xi32, #tpu.memory_space<vmem>>, vector<16xi32>,
      %broadcast_in_dim3A_148 = arith.constant true
      %broadcast_in_dim3A_149 = vector.broadcast %broadcast_in_dim3A_148 : i1 to vector<16xi1>
      %masked_cumsum3A_150 = tpu.scan <sum>, %get3A_147 masked %broadcast_in_dim3A_149 : vector<16xi32>, vector<16xi1> -> vector<16xi32>
      %sub3A_151 = arith.subi %masked_cumsum3A_150, %get3A_147 : vector<16xi32>
      %add3A_152 = vector.broadcast %add3A_139 : i32 to vector<16xi32>
      %add3A_153 = arith.addi %sub3A_151, %add3A_152 : vector<16xi32>
      %swap3A_154 = arith.index_cast %mul3A_145 : i32 to index
      %swap3A_155 = tpu.vector_load %arg8[%swap3A_154] {strides = array<i32>} : memref<4096xi32, #tpu.memory_space<vmem>>, vector<16xi32>,
      tpu.vector_store %arg8[%swap3A_154], %add3A_153 {strides = array<i32>} : memref<4096xi32, #tpu.memory_space<vmem>>, vector<16xi32>,
      %slice3A_156 = vector.extract_strided_slice %masked_cumsum3A_150 {offsets = [15], sizes = [1], strides = [1]} : vector<16xi32> to vector<1xi32>
      %squeeze3A_157 = vector.extract %slice3A_156[0] : i32 from vector<1xi32>
      %add3A_158 = arith.addi %add3A_139, %squeeze3A_157 : i32
      %mul3A_159 = arith.constant 4 : i32
      %mul3A_160 = arith.muli %scan3A_125, %mul3A_159 : i32
      %add3A_161 = arith.constant 2 : i32
      %add3A_162 = arith.addi %mul3A_160, %add3A_161 : i32
      %mul3A_163 = arith.constant 16 : i32
      %mul3A_164 = arith.muli %add3A_162, %mul3A_163 : i32
      %get3A_165 = arith.index_cast %mul3A_164 : i32 to index
      %get3A_166 = tpu.vector_load %arg8[%get3A_165] {strides = array<i32>} : memref<4096xi32, #tpu.memory_space<vmem>>, vector<16xi32>,
      %broadcast_in_dim3A_167 = arith.constant true
      %broadcast_in_dim3A_168 = vector.broadcast %broadcast_in_dim3A_167 : i1 to vector<16xi1>
      %masked_cumsum3A_169 = tpu.scan <sum>, %get3A_166 masked %broadcast_in_dim3A_168 : vector<16xi32>, vector<16xi1> -> vector<16xi32>
      %sub3A_170 = arith.subi %masked_cumsum3A_169, %get3A_166 : vector<16xi32>
      %add3A_171 = vector.broadcast %add3A_158 : i32 to vector<16xi32>
      %add3A_172 = arith.addi %sub3A_170, %add3A_171 : vector<16xi32>
      %swap3A_173 = arith.index_cast %mul3A_164 : i32 to index
      %swap3A_174 = tpu.vector_load %arg8[%swap3A_173] {strides = array<i32>} : memref<4096xi32, #tpu.memory_space<vmem>>, vector<16xi32>,
      tpu.vector_store %arg8[%swap3A_173], %add3A_172 {strides = array<i32>} : memref<4096xi32, #tpu.memory_space<vmem>>, vector<16xi32>,
      %slice3A_175 = vector.extract_strided_slice %masked_cumsum3A_169 {offsets = [15], sizes = [1], strides = [1]} : vector<16xi32> to vector<1xi32>
      %squeeze3A_176 = vector.extract %slice3A_175[0] : i32 from vector<1xi32>
      %add3A_177 = arith.addi %add3A_158, %squeeze3A_176 : i32
      %mul3A_178 = arith.constant 4 : i32
      %mul3A_179 = arith.muli %scan3A_125, %mul3A_178 : i32
      %add3A_180 = arith.constant 3 : i32
      %add3A_181 = arith.addi %mul3A_179, %add3A_180 : i32
      %mul3A_182 = arith.constant 16 : i32
      %mul3A_183 = arith.muli %add3A_181, %mul3A_182 : i32
      %get3A_184 = arith.index_cast %mul3A_183 : i32 to index
      %get3A_185 = tpu.vector_load %arg8[%get3A_184] {strides = array<i32>} : memref<4096xi32, #tpu.memory_space<vmem>>, vector<16xi32>,
      %broadcast_in_dim3A_186 = arith.constant true
      %broadcast_in_dim3A_187 = vector.broadcast %broadcast_in_dim3A_186 : i1 to vector<16xi1>
      %masked_cumsum3A_188 = tpu.scan <sum>, %get3A_185 masked %broadcast_in_dim3A_187 : vector<16xi32>, vector<16xi1> -> vector<16xi32>
      %sub3A_189 = arith.subi %masked_cumsum3A_188, %get3A_185 : vector<16xi32>
      %add3A_190 = vector.broadcast %add3A_177 : i32 to vector<16xi32>
      %add3A_191 = arith.addi %sub3A_189, %add3A_190 : vector<16xi32>
      %swap3A_192 = arith.index_cast %mul3A_183 : i32 to index
      %swap3A_193 = tpu.vector_load %arg8[%swap3A_192] {strides = array<i32>} : memref<4096xi32, #tpu.memory_space<vmem>>, vector<16xi32>,
      tpu.vector_store %arg8[%swap3A_192], %add3A_191 {strides = array<i32>} : memref<4096xi32, #tpu.memory_space<vmem>>, vector<16xi32>,
      %slice3A_194 = vector.extract_strided_slice %masked_cumsum3A_188 {offsets = [15], sizes = [1], strides = [1]} : vector<16xi32> to vector<1xi32>
      %squeeze3A_195 = vector.extract %slice3A_194[0] : i32 from vector<1xi32>
      %add3A_196 = arith.addi %add3A_177, %squeeze3A_195 : i32
      scf.yield %add3A_196 : i32
    }
    %scan3A_61 = arith.constant 64 : i32
    %scan3A_62 = arith.constant 0 : i32
    %scan3A_63 = arith.constant 0 : i32
    %scan3A_64 = arith.constant 128 : i32
    %scan3A_65 = arith.addi %scan3A_63, %scan3A_64 : i32
    %scan3A_66 = arith.constant 1 : i32
    %scan3A_67 = scf.for %scan3A_125 = %scan3A_63 to %scan3A_65 step %scan3A_66 iter_args(%scan3A_126 = %scan3A_62) -> (i32)  : i32 {
      %mul3A_127 = arith.constant 2 : i32
      %mul3A_128 = arith.muli %scan3A_125, %mul3A_127 : i32
      %add3A_129 = arith.constant 0 : i32
      %add3A_130 = arith.addi %mul3A_128, %add3A_129 : i32
      %add3A_131 = vector.broadcast %add3A_130 : i32 to vector<16xi32>
      %add3A_132 = arith.addi %mul3A_3, %add3A_131 : vector<16xi32>
      %gather3A = tpu.vector_load_idx %arg5[%add3A_132] : memref<4096xi32, #tpu.memory_space<vmem>>[vector<16xi32>], vector<16xi32>,
      %gather3A_133 = tpu.vector_load_idx %arg7[%add3A_132] : memref<4096xi32, #tpu.memory_space<vmem>>[vector<16xi32>], vector<16xi32>,
      %shift_right_arithmetic3A = arith.constant 8 : i32
      %shift_right_arithmetic3A_134 = vector.broadcast %shift_right_arithmetic3A : i32 to vector<16xi32>
      %shift_right_arithmetic3A_135 = arith.shrsi %gather3A, %shift_right_arithmetic3A_134 : vector<16xi32>
      %and3A = arith.constant 255 : i32
      %and3A_136 = vector.broadcast %and3A : i32 to vector<16xi32>
      %and3A_137 = arith.andi %shift_right_arithmetic3A_135, %and3A_136 : vector<16xi32>
      %mul3A_138 = arith.constant 16 : i32
      %mul3A_139 = vector.broadcast %mul3A_138 : i32 to vector<16xi32>
      %mul3A_140 = arith.muli %and3A_137, %mul3A_139 : vector<16xi32>
      %add3A_141 = arith.addi %mul3A_140, %iota3A : vector<16xi32>
      %gather3A_142 = tpu.vector_load_idx %arg8[%add3A_141] : memref<4096xi32, #tpu.memory_space<vmem>>[vector<16xi32>], vector<16xi32>,
      tpu.vector_store_idx %arg4[%gather3A_142], %gather3A : memref<4096xi32, #tpu.memory_space<vmem>>[vector<16xi32>], vector<16xi32>,
      tpu.vector_store_idx %arg6[%gather3A_142], %gather3A_133 : memref<4096xi32, #tpu.memory_space<vmem>>[vector<16xi32>], vector<16xi32>,
      tpu.vector_store_idx %arg8[%add3A_141], %broadcast_in_dim3A_4 {add = true} : memref<4096xi32, #tpu.memory_space<vmem>>[vector<16xi32>], vector<16xi32>,
      %mul3A_143 = arith.constant 2 : i32
      %mul3A_144 = arith.muli %scan3A_125, %mul3A_143 : i32
      %add3A_145 = arith.constant 1 : i32
      %add3A_146 = arith.addi %mul3A_144, %add3A_145 : i32
      %add3A_147 = vector.broadcast %add3A_146 : i32 to vector<16xi32>
      %add3A_148 = arith.addi %mul3A_3, %add3A_147 : vector<16xi32>
      %gather3A_149 = tpu.vector_load_idx %arg5[%add3A_148] : memref<4096xi32, #tpu.memory_space<vmem>>[vector<16xi32>], vector<16xi32>,
      %gather3A_150 = tpu.vector_load_idx %arg7[%add3A_148] : memref<4096xi32, #tpu.memory_space<vmem>>[vector<16xi32>], vector<16xi32>,
      %shift_right_arithmetic3A_151 = arith.constant 8 : i32
      %shift_right_arithmetic3A_152 = vector.broadcast %shift_right_arithmetic3A_151 : i32 to vector<16xi32>
      %shift_right_arithmetic3A_153 = arith.shrsi %gather3A_149, %shift_right_arithmetic3A_152 : vector<16xi32>
      %and3A_154 = arith.constant 255 : i32
      %and3A_155 = vector.broadcast %and3A_154 : i32 to vector<16xi32>
      %and3A_156 = arith.andi %shift_right_arithmetic3A_153, %and3A_155 : vector<16xi32>
      %mul3A_157 = arith.constant 16 : i32
      %mul3A_158 = vector.broadcast %mul3A_157 : i32 to vector<16xi32>
      %mul3A_159 = arith.muli %and3A_156, %mul3A_158 : vector<16xi32>
      %add3A_160 = arith.addi %mul3A_159, %iota3A : vector<16xi32>
      %gather3A_161 = tpu.vector_load_idx %arg8[%add3A_160] : memref<4096xi32, #tpu.memory_space<vmem>>[vector<16xi32>], vector<16xi32>,
      tpu.vector_store_idx %arg4[%gather3A_161], %gather3A_149 : memref<4096xi32, #tpu.memory_space<vmem>>[vector<16xi32>], vector<16xi32>,
      tpu.vector_store_idx %arg6[%gather3A_161], %gather3A_150 : memref<4096xi32, #tpu.memory_space<vmem>>[vector<16xi32>], vector<16xi32>,
      tpu.vector_store_idx %arg8[%add3A_160], %broadcast_in_dim3A_4 {add = true} : memref<4096xi32, #tpu.memory_space<vmem>>[vector<16xi32>], vector<16xi32>,
      %scan3A_162 = arith.constant 0 : i32
      scf.yield %scan3A_162 : i32
    }
    %scan3A_68 = arith.constant 128 : i32
    %scan3A_69 = arith.constant 0 : i32
    %scan3A_70 = arith.constant 0 : i32
    %scan3A_71 = arith.constant 32 : i32
    %scan3A_72 = arith.addi %scan3A_70, %scan3A_71 : i32
    %scan3A_73 = arith.constant 1 : i32
    %scan3A_74 = scf.for %scan3A_125 = %scan3A_70 to %scan3A_72 step %scan3A_73 iter_args(%scan3A_126 = %scan3A_69) -> (i32)  : i32 {
      %mul3A_127 = arith.constant 8 : i32
      %mul3A_128 = arith.muli %scan3A_125, %mul3A_127 : i32
      %add3A_129 = arith.constant 0 : i32
      %add3A_130 = arith.addi %mul3A_128, %add3A_129 : i32
      %mul3A_131 = arith.constant 16 : i32
      %mul3A_132 = arith.muli %add3A_130, %mul3A_131 : i32
      %swap3A = arith.index_cast %mul3A_132 : i32 to index
      %swap3A_133 = tpu.vector_load %arg8[%swap3A] {strides = array<i32>} : memref<4096xi32, #tpu.memory_space<vmem>>, vector<16xi32>,
      tpu.vector_store %arg8[%swap3A], %broadcast_in_dim3A_6 {strides = array<i32>} : memref<4096xi32, #tpu.memory_space<vmem>>, vector<16xi32>,
      %mul3A_134 = arith.constant 8 : i32
      %mul3A_135 = arith.muli %scan3A_125, %mul3A_134 : i32
      %add3A_136 = arith.constant 1 : i32
      %add3A_137 = arith.addi %mul3A_135, %add3A_136 : i32
      %mul3A_138 = arith.constant 16 : i32
      %mul3A_139 = arith.muli %add3A_137, %mul3A_138 : i32
      %swap3A_140 = arith.index_cast %mul3A_139 : i32 to index
      %swap3A_141 = tpu.vector_load %arg8[%swap3A_140] {strides = array<i32>} : memref<4096xi32, #tpu.memory_space<vmem>>, vector<16xi32>,
      tpu.vector_store %arg8[%swap3A_140], %broadcast_in_dim3A_6 {strides = array<i32>} : memref<4096xi32, #tpu.memory_space<vmem>>, vector<16xi32>,
      %mul3A_142 = arith.constant 8 : i32
      %mul3A_143 = arith.muli %scan3A_125, %mul3A_142 : i32
      %add3A_144 = arith.constant 2 : i32
      %add3A_145 = arith.addi %mul3A_143, %add3A_144 : i32
      %mul3A_146 = arith.constant 16 : i32
      %mul3A_147 = arith.muli %add3A_145, %mul3A_146 : i32
      %swap3A_148 = arith.index_cast %mul3A_147 : i32 to index
      %swap3A_149 = tpu.vector_load %arg8[%swap3A_148] {strides = array<i32>} : memref<4096xi32, #tpu.memory_space<vmem>>, vector<16xi32>,
      tpu.vector_store %arg8[%swap3A_148], %broadcast_in_dim3A_6 {strides = array<i32>} : memref<4096xi32, #tpu.memory_space<vmem>>, vector<16xi32>,
      %mul3A_150 = arith.constant 8 : i32
      %mul3A_151 = arith.muli %scan3A_125, %mul3A_150 : i32
      %add3A_152 = arith.constant 3 : i32
      %add3A_153 = arith.addi %mul3A_151, %add3A_152 : i32
      %mul3A_154 = arith.constant 16 : i32
      %mul3A_155 = arith.muli %add3A_153, %mul3A_154 : i32
      %swap3A_156 = arith.index_cast %mul3A_155 : i32 to index
      %swap3A_157 = tpu.vector_load %arg8[%swap3A_156] {strides = array<i32>} : memref<4096xi32, #tpu.memory_space<vmem>>, vector<16xi32>,
      tpu.vector_store %arg8[%swap3A_156], %broadcast_in_dim3A_6 {strides = array<i32>} : memref<4096xi32, #tpu.memory_space<vmem>>, vector<16xi32>,
      %mul3A_158 = arith.constant 8 : i32
      %mul3A_159 = arith.muli %scan3A_125, %mul3A_158 : i32
      %add3A_160 = arith.constant 4 : i32
      %add3A_161 = arith.addi %mul3A_159, %add3A_160 : i32
      %mul3A_162 = arith.constant 16 : i32
      %mul3A_163 = arith.muli %add3A_161, %mul3A_162 : i32
      %swap3A_164 = arith.index_cast %mul3A_163 : i32 to index
      %swap3A_165 = tpu.vector_load %arg8[%swap3A_164] {strides = array<i32>} : memref<4096xi32, #tpu.memory_space<vmem>>, vector<16xi32>,
      tpu.vector_store %arg8[%swap3A_164], %broadcast_in_dim3A_6 {strides = array<i32>} : memref<4096xi32, #tpu.memory_space<vmem>>, vector<16xi32>,
      %mul3A_166 = arith.constant 8 : i32
      %mul3A_167 = arith.muli %scan3A_125, %mul3A_166 : i32
      %add3A_168 = arith.constant 5 : i32
      %add3A_169 = arith.addi %mul3A_167, %add3A_168 : i32
      %mul3A_170 = arith.constant 16 : i32
      %mul3A_171 = arith.muli %add3A_169, %mul3A_170 : i32
      %swap3A_172 = arith.index_cast %mul3A_171 : i32 to index
      %swap3A_173 = tpu.vector_load %arg8[%swap3A_172] {strides = array<i32>} : memref<4096xi32, #tpu.memory_space<vmem>>, vector<16xi32>,
      tpu.vector_store %arg8[%swap3A_172], %broadcast_in_dim3A_6 {strides = array<i32>} : memref<4096xi32, #tpu.memory_space<vmem>>, vector<16xi32>,
      %mul3A_174 = arith.constant 8 : i32
      %mul3A_175 = arith.muli %scan3A_125, %mul3A_174 : i32
      %add3A_176 = arith.constant 6 : i32
      %add3A_177 = arith.addi %mul3A_175, %add3A_176 : i32
      %mul3A_178 = arith.constant 16 : i32
      %mul3A_179 = arith.muli %add3A_177, %mul3A_178 : i32
      %swap3A_180 = arith.index_cast %mul3A_179 : i32 to index
      %swap3A_181 = tpu.vector_load %arg8[%swap3A_180] {strides = array<i32>} : memref<4096xi32, #tpu.memory_space<vmem>>, vector<16xi32>,
      tpu.vector_store %arg8[%swap3A_180], %broadcast_in_dim3A_6 {strides = array<i32>} : memref<4096xi32, #tpu.memory_space<vmem>>, vector<16xi32>,
      %mul3A_182 = arith.constant 8 : i32
      %mul3A_183 = arith.muli %scan3A_125, %mul3A_182 : i32
      %add3A_184 = arith.constant 7 : i32
      %add3A_185 = arith.addi %mul3A_183, %add3A_184 : i32
      %mul3A_186 = arith.constant 16 : i32
      %mul3A_187 = arith.muli %add3A_185, %mul3A_186 : i32
      %swap3A_188 = arith.index_cast %mul3A_187 : i32 to index
      %swap3A_189 = tpu.vector_load %arg8[%swap3A_188] {strides = array<i32>} : memref<4096xi32, #tpu.memory_space<vmem>>, vector<16xi32>,
      tpu.vector_store %arg8[%swap3A_188], %broadcast_in_dim3A_6 {strides = array<i32>} : memref<4096xi32, #tpu.memory_space<vmem>>, vector<16xi32>,
      %scan3A_190 = arith.constant 0 : i32
      scf.yield %scan3A_190 : i32
    }
    %scan3A_75 = arith.constant 32 : i32
    %scan3A_76 = arith.constant 0 : i32
    %scan3A_77 = arith.constant 0 : i32
    %scan3A_78 = arith.constant 64 : i32
    %scan3A_79 = arith.addi %scan3A_77, %scan3A_78 : i32
    %scan3A_80 = arith.constant 1 : i32
    %scan3A_81 = scf.for %scan3A_125 = %scan3A_77 to %scan3A_79 step %scan3A_80 iter_args(%scan3A_126 = %scan3A_76) -> (i32)  : i32 {
      %mul3A_127 = arith.constant 4 : i32
      %mul3A_128 = arith.muli %scan3A_125, %mul3A_127 : i32
      %add3A_129 = arith.constant 0 : i32
      %add3A_130 = arith.addi %mul3A_128, %add3A_129 : i32
      %add3A_131 = vector.broadcast %add3A_130 : i32 to vector<16xi32>
      %add3A_132 = arith.addi %mul3A_3, %add3A_131 : vector<16xi32>
      %gather3A = tpu.vector_load_idx %arg4[%add3A_132] : memref<4096xi32, #tpu.memory_space<vmem>>[vector<16xi32>], vector<16xi32>,
      %shift_right_arithmetic3A = arith.constant 16 : i32
      %shift_right_arithmetic3A_133 = vector.broadcast %shift_right_arithmetic3A : i32 to vector<16xi32>
      %shift_right_arithmetic3A_134 = arith.shrsi %gather3A, %shift_right_arithmetic3A_133 : vector<16xi32>
      %and3A = arith.constant 255 : i32
      %and3A_135 = vector.broadcast %and3A : i32 to vector<16xi32>
      %and3A_136 = arith.andi %shift_right_arithmetic3A_134, %and3A_135 : vector<16xi32>
      %mul3A_137 = arith.constant 16 : i32
      %mul3A_138 = vector.broadcast %mul3A_137 : i32 to vector<16xi32>
      %mul3A_139 = arith.muli %and3A_136, %mul3A_138 : vector<16xi32>
      %add3A_140 = arith.addi %mul3A_139, %iota3A : vector<16xi32>
      tpu.vector_store_idx %arg8[%add3A_140], %broadcast_in_dim3A_4 {add = true} : memref<4096xi32, #tpu.memory_space<vmem>>[vector<16xi32>], vector<16xi32>,
      %mul3A_141 = arith.constant 4 : i32
      %mul3A_142 = arith.muli %scan3A_125, %mul3A_141 : i32
      %add3A_143 = arith.constant 1 : i32
      %add3A_144 = arith.addi %mul3A_142, %add3A_143 : i32
      %add3A_145 = vector.broadcast %add3A_144 : i32 to vector<16xi32>
      %add3A_146 = arith.addi %mul3A_3, %add3A_145 : vector<16xi32>
      %gather3A_147 = tpu.vector_load_idx %arg4[%add3A_146] : memref<4096xi32, #tpu.memory_space<vmem>>[vector<16xi32>], vector<16xi32>,
      %shift_right_arithmetic3A_148 = arith.constant 16 : i32
      %shift_right_arithmetic3A_149 = vector.broadcast %shift_right_arithmetic3A_148 : i32 to vector<16xi32>
      %shift_right_arithmetic3A_150 = arith.shrsi %gather3A_147, %shift_right_arithmetic3A_149 : vector<16xi32>
      %and3A_151 = arith.constant 255 : i32
      %and3A_152 = vector.broadcast %and3A_151 : i32 to vector<16xi32>
      %and3A_153 = arith.andi %shift_right_arithmetic3A_150, %and3A_152 : vector<16xi32>
      %mul3A_154 = arith.constant 16 : i32
      %mul3A_155 = vector.broadcast %mul3A_154 : i32 to vector<16xi32>
      %mul3A_156 = arith.muli %and3A_153, %mul3A_155 : vector<16xi32>
      %add3A_157 = arith.addi %mul3A_156, %iota3A : vector<16xi32>
      tpu.vector_store_idx %arg8[%add3A_157], %broadcast_in_dim3A_4 {add = true} : memref<4096xi32, #tpu.memory_space<vmem>>[vector<16xi32>], vector<16xi32>,
      %mul3A_158 = arith.constant 4 : i32
      %mul3A_159 = arith.muli %scan3A_125, %mul3A_158 : i32
      %add3A_160 = arith.constant 2 : i32
      %add3A_161 = arith.addi %mul3A_159, %add3A_160 : i32
      %add3A_162 = vector.broadcast %add3A_161 : i32 to vector<16xi32>
      %add3A_163 = arith.addi %mul3A_3, %add3A_162 : vector<16xi32>
      %gather3A_164 = tpu.vector_load_idx %arg4[%add3A_163] : memref<4096xi32, #tpu.memory_space<vmem>>[vector<16xi32>], vector<16xi32>,
      %shift_right_arithmetic3A_165 = arith.constant 16 : i32
      %shift_right_arithmetic3A_166 = vector.broadcast %shift_right_arithmetic3A_165 : i32 to vector<16xi32>
      %shift_right_arithmetic3A_167 = arith.shrsi %gather3A_164, %shift_right_arithmetic3A_166 : vector<16xi32>
      %and3A_168 = arith.constant 255 : i32
      %and3A_169 = vector.broadcast %and3A_168 : i32 to vector<16xi32>
      %and3A_170 = arith.andi %shift_right_arithmetic3A_167, %and3A_169 : vector<16xi32>
      %mul3A_171 = arith.constant 16 : i32
      %mul3A_172 = vector.broadcast %mul3A_171 : i32 to vector<16xi32>
      %mul3A_173 = arith.muli %and3A_170, %mul3A_172 : vector<16xi32>
      %add3A_174 = arith.addi %mul3A_173, %iota3A : vector<16xi32>
      tpu.vector_store_idx %arg8[%add3A_174], %broadcast_in_dim3A_4 {add = true} : memref<4096xi32, #tpu.memory_space<vmem>>[vector<16xi32>], vector<16xi32>,
      %mul3A_175 = arith.constant 4 : i32
      %mul3A_176 = arith.muli %scan3A_125, %mul3A_175 : i32
      %add3A_177 = arith.constant 3 : i32
      %add3A_178 = arith.addi %mul3A_176, %add3A_177 : i32
      %add3A_179 = vector.broadcast %add3A_178 : i32 to vector<16xi32>
      %add3A_180 = arith.addi %mul3A_3, %add3A_179 : vector<16xi32>
      %gather3A_181 = tpu.vector_load_idx %arg4[%add3A_180] : memref<4096xi32, #tpu.memory_space<vmem>>[vector<16xi32>], vector<16xi32>,
      %shift_right_arithmetic3A_182 = arith.constant 16 : i32
      %shift_right_arithmetic3A_183 = vector.broadcast %shift_right_arithmetic3A_182 : i32 to vector<16xi32>
      %shift_right_arithmetic3A_184 = arith.shrsi %gather3A_181, %shift_right_arithmetic3A_183 : vector<16xi32>
      %and3A_185 = arith.constant 255 : i32
      %and3A_186 = vector.broadcast %and3A_185 : i32 to vector<16xi32>
      %and3A_187 = arith.andi %shift_right_arithmetic3A_184, %and3A_186 : vector<16xi32>
      %mul3A_188 = arith.constant 16 : i32
      %mul3A_189 = vector.broadcast %mul3A_188 : i32 to vector<16xi32>
      %mul3A_190 = arith.muli %and3A_187, %mul3A_189 : vector<16xi32>
      %add3A_191 = arith.addi %mul3A_190, %iota3A : vector<16xi32>
      tpu.vector_store_idx %arg8[%add3A_191], %broadcast_in_dim3A_4 {add = true} : memref<4096xi32, #tpu.memory_space<vmem>>[vector<16xi32>], vector<16xi32>,
      %scan3A_192 = arith.constant 0 : i32
      scf.yield %scan3A_192 : i32
    }
    %scan3A_82 = arith.constant 64 : i32
    %scan3A_83 = arith.constant 0 : i32
    %scan3A_84 = arith.constant 0 : i32
    %scan3A_85 = arith.constant 64 : i32
    %scan3A_86 = arith.addi %scan3A_84, %scan3A_85 : i32
    %scan3A_87 = arith.constant 1 : i32
    %scan3A_88 = scf.for %scan3A_125 = %scan3A_84 to %scan3A_86 step %scan3A_87 iter_args(%scan3A_126 = %scan3A_83) -> (i32)  : i32 {
      %mul3A_127 = arith.constant 4 : i32
      %mul3A_128 = arith.muli %scan3A_125, %mul3A_127 : i32
      %add3A_129 = arith.constant 0 : i32
      %add3A_130 = arith.addi %mul3A_128, %add3A_129 : i32
      %mul3A_131 = arith.constant 16 : i32
      %mul3A_132 = arith.muli %add3A_130, %mul3A_131 : i32
      %get3A = arith.index_cast %mul3A_132 : i32 to index
      %get3A_133 = tpu.vector_load %arg8[%get3A] {strides = array<i32>} : memref<4096xi32, #tpu.memory_space<vmem>>, vector<16xi32>,
      %broadcast_in_dim3A_134 = arith.constant true
      %broadcast_in_dim3A_135 = vector.broadcast %broadcast_in_dim3A_134 : i1 to vector<16xi1>
      %masked_cumsum3A = tpu.scan <sum>, %get3A_133 masked %broadcast_in_dim3A_135 : vector<16xi32>, vector<16xi1> -> vector<16xi32>
      %sub3A = arith.subi %masked_cumsum3A, %get3A_133 : vector<16xi32>
      %add3A_136 = vector.broadcast %scan3A_126 : i32 to vector<16xi32>
      %add3A_137 = arith.addi %sub3A, %add3A_136 : vector<16xi32>
      %swap3A = arith.index_cast %mul3A_132 : i32 to index
      %swap3A_138 = tpu.vector_load %arg8[%swap3A] {strides = array<i32>} : memref<4096xi32, #tpu.memory_space<vmem>>, vector<16xi32>,
      tpu.vector_store %arg8[%swap3A], %add3A_137 {strides = array<i32>} : memref<4096xi32, #tpu.memory_space<vmem>>, vector<16xi32>,
      %slice3A = vector.extract_strided_slice %masked_cumsum3A {offsets = [15], sizes = [1], strides = [1]} : vector<16xi32> to vector<1xi32>
      %squeeze3A = vector.extract %slice3A[0] : i32 from vector<1xi32>
      %add3A_139 = arith.addi %scan3A_126, %squeeze3A : i32
      %mul3A_140 = arith.constant 4 : i32
      %mul3A_141 = arith.muli %scan3A_125, %mul3A_140 : i32
      %add3A_142 = arith.constant 1 : i32
      %add3A_143 = arith.addi %mul3A_141, %add3A_142 : i32
      %mul3A_144 = arith.constant 16 : i32
      %mul3A_145 = arith.muli %add3A_143, %mul3A_144 : i32
      %get3A_146 = arith.index_cast %mul3A_145 : i32 to index
      %get3A_147 = tpu.vector_load %arg8[%get3A_146] {strides = array<i32>} : memref<4096xi32, #tpu.memory_space<vmem>>, vector<16xi32>,
      %broadcast_in_dim3A_148 = arith.constant true
      %broadcast_in_dim3A_149 = vector.broadcast %broadcast_in_dim3A_148 : i1 to vector<16xi1>
      %masked_cumsum3A_150 = tpu.scan <sum>, %get3A_147 masked %broadcast_in_dim3A_149 : vector<16xi32>, vector<16xi1> -> vector<16xi32>
      %sub3A_151 = arith.subi %masked_cumsum3A_150, %get3A_147 : vector<16xi32>
      %add3A_152 = vector.broadcast %add3A_139 : i32 to vector<16xi32>
      %add3A_153 = arith.addi %sub3A_151, %add3A_152 : vector<16xi32>
      %swap3A_154 = arith.index_cast %mul3A_145 : i32 to index
      %swap3A_155 = tpu.vector_load %arg8[%swap3A_154] {strides = array<i32>} : memref<4096xi32, #tpu.memory_space<vmem>>, vector<16xi32>,
      tpu.vector_store %arg8[%swap3A_154], %add3A_153 {strides = array<i32>} : memref<4096xi32, #tpu.memory_space<vmem>>, vector<16xi32>,
      %slice3A_156 = vector.extract_strided_slice %masked_cumsum3A_150 {offsets = [15], sizes = [1], strides = [1]} : vector<16xi32> to vector<1xi32>
      %squeeze3A_157 = vector.extract %slice3A_156[0] : i32 from vector<1xi32>
      %add3A_158 = arith.addi %add3A_139, %squeeze3A_157 : i32
      %mul3A_159 = arith.constant 4 : i32
      %mul3A_160 = arith.muli %scan3A_125, %mul3A_159 : i32
      %add3A_161 = arith.constant 2 : i32
      %add3A_162 = arith.addi %mul3A_160, %add3A_161 : i32
      %mul3A_163 = arith.constant 16 : i32
      %mul3A_164 = arith.muli %add3A_162, %mul3A_163 : i32
      %get3A_165 = arith.index_cast %mul3A_164 : i32 to index
      %get3A_166 = tpu.vector_load %arg8[%get3A_165] {strides = array<i32>} : memref<4096xi32, #tpu.memory_space<vmem>>, vector<16xi32>,
      %broadcast_in_dim3A_167 = arith.constant true
      %broadcast_in_dim3A_168 = vector.broadcast %broadcast_in_dim3A_167 : i1 to vector<16xi1>
      %masked_cumsum3A_169 = tpu.scan <sum>, %get3A_166 masked %broadcast_in_dim3A_168 : vector<16xi32>, vector<16xi1> -> vector<16xi32>
      %sub3A_170 = arith.subi %masked_cumsum3A_169, %get3A_166 : vector<16xi32>
      %add3A_171 = vector.broadcast %add3A_158 : i32 to vector<16xi32>
      %add3A_172 = arith.addi %sub3A_170, %add3A_171 : vector<16xi32>
      %swap3A_173 = arith.index_cast %mul3A_164 : i32 to index
      %swap3A_174 = tpu.vector_load %arg8[%swap3A_173] {strides = array<i32>} : memref<4096xi32, #tpu.memory_space<vmem>>, vector<16xi32>,
      tpu.vector_store %arg8[%swap3A_173], %add3A_172 {strides = array<i32>} : memref<4096xi32, #tpu.memory_space<vmem>>, vector<16xi32>,
      %slice3A_175 = vector.extract_strided_slice %masked_cumsum3A_169 {offsets = [15], sizes = [1], strides = [1]} : vector<16xi32> to vector<1xi32>
      %squeeze3A_176 = vector.extract %slice3A_175[0] : i32 from vector<1xi32>
      %add3A_177 = arith.addi %add3A_158, %squeeze3A_176 : i32
      %mul3A_178 = arith.constant 4 : i32
      %mul3A_179 = arith.muli %scan3A_125, %mul3A_178 : i32
      %add3A_180 = arith.constant 3 : i32
      %add3A_181 = arith.addi %mul3A_179, %add3A_180 : i32
      %mul3A_182 = arith.constant 16 : i32
      %mul3A_183 = arith.muli %add3A_181, %mul3A_182 : i32
      %get3A_184 = arith.index_cast %mul3A_183 : i32 to index
      %get3A_185 = tpu.vector_load %arg8[%get3A_184] {strides = array<i32>} : memref<4096xi32, #tpu.memory_space<vmem>>, vector<16xi32>,
      %broadcast_in_dim3A_186 = arith.constant true
      %broadcast_in_dim3A_187 = vector.broadcast %broadcast_in_dim3A_186 : i1 to vector<16xi1>
      %masked_cumsum3A_188 = tpu.scan <sum>, %get3A_185 masked %broadcast_in_dim3A_187 : vector<16xi32>, vector<16xi1> -> vector<16xi32>
      %sub3A_189 = arith.subi %masked_cumsum3A_188, %get3A_185 : vector<16xi32>
      %add3A_190 = vector.broadcast %add3A_177 : i32 to vector<16xi32>
      %add3A_191 = arith.addi %sub3A_189, %add3A_190 : vector<16xi32>
      %swap3A_192 = arith.index_cast %mul3A_183 : i32 to index
      %swap3A_193 = tpu.vector_load %arg8[%swap3A_192] {strides = array<i32>} : memref<4096xi32, #tpu.memory_space<vmem>>, vector<16xi32>,
      tpu.vector_store %arg8[%swap3A_192], %add3A_191 {strides = array<i32>} : memref<4096xi32, #tpu.memory_space<vmem>>, vector<16xi32>,
      %slice3A_194 = vector.extract_strided_slice %masked_cumsum3A_188 {offsets = [15], sizes = [1], strides = [1]} : vector<16xi32> to vector<1xi32>
      %squeeze3A_195 = vector.extract %slice3A_194[0] : i32 from vector<1xi32>
      %add3A_196 = arith.addi %add3A_177, %squeeze3A_195 : i32
      scf.yield %add3A_196 : i32
    }
    %scan3A_89 = arith.constant 64 : i32
    %scan3A_90 = arith.constant 0 : i32
    %scan3A_91 = arith.constant 0 : i32
    %scan3A_92 = arith.constant 128 : i32
    %scan3A_93 = arith.addi %scan3A_91, %scan3A_92 : i32
    %scan3A_94 = arith.constant 1 : i32
    %scan3A_95 = scf.for %scan3A_125 = %scan3A_91 to %scan3A_93 step %scan3A_94 iter_args(%scan3A_126 = %scan3A_90) -> (i32)  : i32 {
      %mul3A_127 = arith.constant 2 : i32
      %mul3A_128 = arith.muli %scan3A_125, %mul3A_127 : i32
      %add3A_129 = arith.constant 0 : i32
      %add3A_130 = arith.addi %mul3A_128, %add3A_129 : i32
      %add3A_131 = vector.broadcast %add3A_130 : i32 to vector<16xi32>
      %add3A_132 = arith.addi %mul3A_3, %add3A_131 : vector<16xi32>
      %gather3A = tpu.vector_load_idx %arg4[%add3A_132] : memref<4096xi32, #tpu.memory_space<vmem>>[vector<16xi32>], vector<16xi32>,
      %gather3A_133 = tpu.vector_load_idx %arg6[%add3A_132] : memref<4096xi32, #tpu.memory_space<vmem>>[vector<16xi32>], vector<16xi32>,
      %shift_right_arithmetic3A = arith.constant 16 : i32
      %shift_right_arithmetic3A_134 = vector.broadcast %shift_right_arithmetic3A : i32 to vector<16xi32>
      %shift_right_arithmetic3A_135 = arith.shrsi %gather3A, %shift_right_arithmetic3A_134 : vector<16xi32>
      %and3A = arith.constant 255 : i32
      %and3A_136 = vector.broadcast %and3A : i32 to vector<16xi32>
      %and3A_137 = arith.andi %shift_right_arithmetic3A_135, %and3A_136 : vector<16xi32>
      %mul3A_138 = arith.constant 16 : i32
      %mul3A_139 = vector.broadcast %mul3A_138 : i32 to vector<16xi32>
      %mul3A_140 = arith.muli %and3A_137, %mul3A_139 : vector<16xi32>
      %add3A_141 = arith.addi %mul3A_140, %iota3A : vector<16xi32>
      %gather3A_142 = tpu.vector_load_idx %arg8[%add3A_141] : memref<4096xi32, #tpu.memory_space<vmem>>[vector<16xi32>], vector<16xi32>,
      tpu.vector_store_idx %arg5[%gather3A_142], %gather3A : memref<4096xi32, #tpu.memory_space<vmem>>[vector<16xi32>], vector<16xi32>,
      tpu.vector_store_idx %arg7[%gather3A_142], %gather3A_133 : memref<4096xi32, #tpu.memory_space<vmem>>[vector<16xi32>], vector<16xi32>,
      tpu.vector_store_idx %arg8[%add3A_141], %broadcast_in_dim3A_4 {add = true} : memref<4096xi32, #tpu.memory_space<vmem>>[vector<16xi32>], vector<16xi32>,
      %mul3A_143 = arith.constant 2 : i32
      %mul3A_144 = arith.muli %scan3A_125, %mul3A_143 : i32
      %add3A_145 = arith.constant 1 : i32
      %add3A_146 = arith.addi %mul3A_144, %add3A_145 : i32
      %add3A_147 = vector.broadcast %add3A_146 : i32 to vector<16xi32>
      %add3A_148 = arith.addi %mul3A_3, %add3A_147 : vector<16xi32>
      %gather3A_149 = tpu.vector_load_idx %arg4[%add3A_148] : memref<4096xi32, #tpu.memory_space<vmem>>[vector<16xi32>], vector<16xi32>,
      %gather3A_150 = tpu.vector_load_idx %arg6[%add3A_148] : memref<4096xi32, #tpu.memory_space<vmem>>[vector<16xi32>], vector<16xi32>,
      %shift_right_arithmetic3A_151 = arith.constant 16 : i32
      %shift_right_arithmetic3A_152 = vector.broadcast %shift_right_arithmetic3A_151 : i32 to vector<16xi32>
      %shift_right_arithmetic3A_153 = arith.shrsi %gather3A_149, %shift_right_arithmetic3A_152 : vector<16xi32>
      %and3A_154 = arith.constant 255 : i32
      %and3A_155 = vector.broadcast %and3A_154 : i32 to vector<16xi32>
      %and3A_156 = arith.andi %shift_right_arithmetic3A_153, %and3A_155 : vector<16xi32>
      %mul3A_157 = arith.constant 16 : i32
      %mul3A_158 = vector.broadcast %mul3A_157 : i32 to vector<16xi32>
      %mul3A_159 = arith.muli %and3A_156, %mul3A_158 : vector<16xi32>
      %add3A_160 = arith.addi %mul3A_159, %iota3A : vector<16xi32>
      %gather3A_161 = tpu.vector_load_idx %arg8[%add3A_160] : memref<4096xi32, #tpu.memory_space<vmem>>[vector<16xi32>], vector<16xi32>,
      tpu.vector_store_idx %arg5[%gather3A_161], %gather3A_149 : memref<4096xi32, #tpu.memory_space<vmem>>[vector<16xi32>], vector<16xi32>,
      tpu.vector_store_idx %arg7[%gather3A_161], %gather3A_150 : memref<4096xi32, #tpu.memory_space<vmem>>[vector<16xi32>], vector<16xi32>,
      tpu.vector_store_idx %arg8[%add3A_160], %broadcast_in_dim3A_4 {add = true} : memref<4096xi32, #tpu.memory_space<vmem>>[vector<16xi32>], vector<16xi32>,
      %scan3A_162 = arith.constant 0 : i32
      scf.yield %scan3A_162 : i32
    }
    %scan3A_96 = arith.constant 128 : i32
    %scan3A_97 = arith.constant 0 : i32
    %scan3A_98 = arith.constant 0 : i32
    %scan3A_99 = arith.constant 32 : i32
    %scan3A_100 = arith.addi %scan3A_98, %scan3A_99 : i32
    %scan3A_101 = arith.constant 1 : i32
    %scan3A_102 = scf.for %scan3A_125 = %scan3A_98 to %scan3A_100 step %scan3A_101 iter_args(%scan3A_126 = %scan3A_97) -> (i32)  : i32 {
      %mul3A_127 = arith.constant 8 : i32
      %mul3A_128 = arith.muli %scan3A_125, %mul3A_127 : i32
      %add3A_129 = arith.constant 0 : i32
      %add3A_130 = arith.addi %mul3A_128, %add3A_129 : i32
      %mul3A_131 = arith.constant 16 : i32
      %mul3A_132 = arith.muli %add3A_130, %mul3A_131 : i32
      %swap3A = arith.index_cast %mul3A_132 : i32 to index
      %swap3A_133 = tpu.vector_load %arg8[%swap3A] {strides = array<i32>} : memref<4096xi32, #tpu.memory_space<vmem>>, vector<16xi32>,
      tpu.vector_store %arg8[%swap3A], %broadcast_in_dim3A_6 {strides = array<i32>} : memref<4096xi32, #tpu.memory_space<vmem>>, vector<16xi32>,
      %mul3A_134 = arith.constant 8 : i32
      %mul3A_135 = arith.muli %scan3A_125, %mul3A_134 : i32
      %add3A_136 = arith.constant 1 : i32
      %add3A_137 = arith.addi %mul3A_135, %add3A_136 : i32
      %mul3A_138 = arith.constant 16 : i32
      %mul3A_139 = arith.muli %add3A_137, %mul3A_138 : i32
      %swap3A_140 = arith.index_cast %mul3A_139 : i32 to index
      %swap3A_141 = tpu.vector_load %arg8[%swap3A_140] {strides = array<i32>} : memref<4096xi32, #tpu.memory_space<vmem>>, vector<16xi32>,
      tpu.vector_store %arg8[%swap3A_140], %broadcast_in_dim3A_6 {strides = array<i32>} : memref<4096xi32, #tpu.memory_space<vmem>>, vector<16xi32>,
      %mul3A_142 = arith.constant 8 : i32
      %mul3A_143 = arith.muli %scan3A_125, %mul3A_142 : i32
      %add3A_144 = arith.constant 2 : i32
      %add3A_145 = arith.addi %mul3A_143, %add3A_144 : i32
      %mul3A_146 = arith.constant 16 : i32
      %mul3A_147 = arith.muli %add3A_145, %mul3A_146 : i32
      %swap3A_148 = arith.index_cast %mul3A_147 : i32 to index
      %swap3A_149 = tpu.vector_load %arg8[%swap3A_148] {strides = array<i32>} : memref<4096xi32, #tpu.memory_space<vmem>>, vector<16xi32>,
      tpu.vector_store %arg8[%swap3A_148], %broadcast_in_dim3A_6 {strides = array<i32>} : memref<4096xi32, #tpu.memory_space<vmem>>, vector<16xi32>,
      %mul3A_150 = arith.constant 8 : i32
      %mul3A_151 = arith.muli %scan3A_125, %mul3A_150 : i32
      %add3A_152 = arith.constant 3 : i32
      %add3A_153 = arith.addi %mul3A_151, %add3A_152 : i32
      %mul3A_154 = arith.constant 16 : i32
      %mul3A_155 = arith.muli %add3A_153, %mul3A_154 : i32
      %swap3A_156 = arith.index_cast %mul3A_155 : i32 to index
      %swap3A_157 = tpu.vector_load %arg8[%swap3A_156] {strides = array<i32>} : memref<4096xi32, #tpu.memory_space<vmem>>, vector<16xi32>,
      tpu.vector_store %arg8[%swap3A_156], %broadcast_in_dim3A_6 {strides = array<i32>} : memref<4096xi32, #tpu.memory_space<vmem>>, vector<16xi32>,
      %mul3A_158 = arith.constant 8 : i32
      %mul3A_159 = arith.muli %scan3A_125, %mul3A_158 : i32
      %add3A_160 = arith.constant 4 : i32
      %add3A_161 = arith.addi %mul3A_159, %add3A_160 : i32
      %mul3A_162 = arith.constant 16 : i32
      %mul3A_163 = arith.muli %add3A_161, %mul3A_162 : i32
      %swap3A_164 = arith.index_cast %mul3A_163 : i32 to index
      %swap3A_165 = tpu.vector_load %arg8[%swap3A_164] {strides = array<i32>} : memref<4096xi32, #tpu.memory_space<vmem>>, vector<16xi32>,
      tpu.vector_store %arg8[%swap3A_164], %broadcast_in_dim3A_6 {strides = array<i32>} : memref<4096xi32, #tpu.memory_space<vmem>>, vector<16xi32>,
      %mul3A_166 = arith.constant 8 : i32
      %mul3A_167 = arith.muli %scan3A_125, %mul3A_166 : i32
      %add3A_168 = arith.constant 5 : i32
      %add3A_169 = arith.addi %mul3A_167, %add3A_168 : i32
      %mul3A_170 = arith.constant 16 : i32
      %mul3A_171 = arith.muli %add3A_169, %mul3A_170 : i32
      %swap3A_172 = arith.index_cast %mul3A_171 : i32 to index
      %swap3A_173 = tpu.vector_load %arg8[%swap3A_172] {strides = array<i32>} : memref<4096xi32, #tpu.memory_space<vmem>>, vector<16xi32>,
      tpu.vector_store %arg8[%swap3A_172], %broadcast_in_dim3A_6 {strides = array<i32>} : memref<4096xi32, #tpu.memory_space<vmem>>, vector<16xi32>,
      %mul3A_174 = arith.constant 8 : i32
      %mul3A_175 = arith.muli %scan3A_125, %mul3A_174 : i32
      %add3A_176 = arith.constant 6 : i32
      %add3A_177 = arith.addi %mul3A_175, %add3A_176 : i32
      %mul3A_178 = arith.constant 16 : i32
      %mul3A_179 = arith.muli %add3A_177, %mul3A_178 : i32
      %swap3A_180 = arith.index_cast %mul3A_179 : i32 to index
      %swap3A_181 = tpu.vector_load %arg8[%swap3A_180] {strides = array<i32>} : memref<4096xi32, #tpu.memory_space<vmem>>, vector<16xi32>,
      tpu.vector_store %arg8[%swap3A_180], %broadcast_in_dim3A_6 {strides = array<i32>} : memref<4096xi32, #tpu.memory_space<vmem>>, vector<16xi32>,
      %mul3A_182 = arith.constant 8 : i32
      %mul3A_183 = arith.muli %scan3A_125, %mul3A_182 : i32
      %add3A_184 = arith.constant 7 : i32
      %add3A_185 = arith.addi %mul3A_183, %add3A_184 : i32
      %mul3A_186 = arith.constant 16 : i32
      %mul3A_187 = arith.muli %add3A_185, %mul3A_186 : i32
      %swap3A_188 = arith.index_cast %mul3A_187 : i32 to index
      %swap3A_189 = tpu.vector_load %arg8[%swap3A_188] {strides = array<i32>} : memref<4096xi32, #tpu.memory_space<vmem>>, vector<16xi32>,
      tpu.vector_store %arg8[%swap3A_188], %broadcast_in_dim3A_6 {strides = array<i32>} : memref<4096xi32, #tpu.memory_space<vmem>>, vector<16xi32>,
      %scan3A_190 = arith.constant 0 : i32
      scf.yield %scan3A_190 : i32
    }
    %scan3A_103 = arith.constant 32 : i32
    %scan3A_104 = arith.constant 0 : i32
    %scan3A_105 = arith.constant 0 : i32
    %scan3A_106 = arith.constant 64 : i32
    %scan3A_107 = arith.addi %scan3A_105, %scan3A_106 : i32
    %scan3A_108 = arith.constant 1 : i32
    %scan3A_109 = scf.for %scan3A_125 = %scan3A_105 to %scan3A_107 step %scan3A_108 iter_args(%scan3A_126 = %scan3A_104) -> (i32)  : i32 {
      %mul3A_127 = arith.constant 4 : i32
      %mul3A_128 = arith.muli %scan3A_125, %mul3A_127 : i32
      %add3A_129 = arith.constant 0 : i32
      %add3A_130 = arith.addi %mul3A_128, %add3A_129 : i32
      %add3A_131 = vector.broadcast %add3A_130 : i32 to vector<16xi32>
      %add3A_132 = arith.addi %mul3A_3, %add3A_131 : vector<16xi32>
      %gather3A = tpu.vector_load_idx %arg5[%add3A_132] : memref<4096xi32, #tpu.memory_space<vmem>>[vector<16xi32>], vector<16xi32>,
      %shift_right_arithmetic3A = arith.constant 24 : i32
      %shift_right_arithmetic3A_133 = vector.broadcast %shift_right_arithmetic3A : i32 to vector<16xi32>
      %shift_right_arithmetic3A_134 = arith.shrsi %gather3A, %shift_right_arithmetic3A_133 : vector<16xi32>
      %and3A = arith.constant 255 : i32
      %and3A_135 = vector.broadcast %and3A : i32 to vector<16xi32>
      %and3A_136 = arith.andi %shift_right_arithmetic3A_134, %and3A_135 : vector<16xi32>
      %mul3A_137 = arith.constant 16 : i32
      %mul3A_138 = vector.broadcast %mul3A_137 : i32 to vector<16xi32>
      %mul3A_139 = arith.muli %and3A_136, %mul3A_138 : vector<16xi32>
      %add3A_140 = arith.addi %mul3A_139, %iota3A : vector<16xi32>
      tpu.vector_store_idx %arg8[%add3A_140], %broadcast_in_dim3A_4 {add = true} : memref<4096xi32, #tpu.memory_space<vmem>>[vector<16xi32>], vector<16xi32>,
      %mul3A_141 = arith.constant 4 : i32
      %mul3A_142 = arith.muli %scan3A_125, %mul3A_141 : i32
      %add3A_143 = arith.constant 1 : i32
      %add3A_144 = arith.addi %mul3A_142, %add3A_143 : i32
      %add3A_145 = vector.broadcast %add3A_144 : i32 to vector<16xi32>
      %add3A_146 = arith.addi %mul3A_3, %add3A_145 : vector<16xi32>
      %gather3A_147 = tpu.vector_load_idx %arg5[%add3A_146] : memref<4096xi32, #tpu.memory_space<vmem>>[vector<16xi32>], vector<16xi32>,
      %shift_right_arithmetic3A_148 = arith.constant 24 : i32
      %shift_right_arithmetic3A_149 = vector.broadcast %shift_right_arithmetic3A_148 : i32 to vector<16xi32>
      %shift_right_arithmetic3A_150 = arith.shrsi %gather3A_147, %shift_right_arithmetic3A_149 : vector<16xi32>
      %and3A_151 = arith.constant 255 : i32
      %and3A_152 = vector.broadcast %and3A_151 : i32 to vector<16xi32>
      %and3A_153 = arith.andi %shift_right_arithmetic3A_150, %and3A_152 : vector<16xi32>
      %mul3A_154 = arith.constant 16 : i32
      %mul3A_155 = vector.broadcast %mul3A_154 : i32 to vector<16xi32>
      %mul3A_156 = arith.muli %and3A_153, %mul3A_155 : vector<16xi32>
      %add3A_157 = arith.addi %mul3A_156, %iota3A : vector<16xi32>
      tpu.vector_store_idx %arg8[%add3A_157], %broadcast_in_dim3A_4 {add = true} : memref<4096xi32, #tpu.memory_space<vmem>>[vector<16xi32>], vector<16xi32>,
      %mul3A_158 = arith.constant 4 : i32
      %mul3A_159 = arith.muli %scan3A_125, %mul3A_158 : i32
      %add3A_160 = arith.constant 2 : i32
      %add3A_161 = arith.addi %mul3A_159, %add3A_160 : i32
      %add3A_162 = vector.broadcast %add3A_161 : i32 to vector<16xi32>
      %add3A_163 = arith.addi %mul3A_3, %add3A_162 : vector<16xi32>
      %gather3A_164 = tpu.vector_load_idx %arg5[%add3A_163] : memref<4096xi32, #tpu.memory_space<vmem>>[vector<16xi32>], vector<16xi32>,
      %shift_right_arithmetic3A_165 = arith.constant 24 : i32
      %shift_right_arithmetic3A_166 = vector.broadcast %shift_right_arithmetic3A_165 : i32 to vector<16xi32>
      %shift_right_arithmetic3A_167 = arith.shrsi %gather3A_164, %shift_right_arithmetic3A_166 : vector<16xi32>
      %and3A_168 = arith.constant 255 : i32
      %and3A_169 = vector.broadcast %and3A_168 : i32 to vector<16xi32>
      %and3A_170 = arith.andi %shift_right_arithmetic3A_167, %and3A_169 : vector<16xi32>
      %mul3A_171 = arith.constant 16 : i32
      %mul3A_172 = vector.broadcast %mul3A_171 : i32 to vector<16xi32>
      %mul3A_173 = arith.muli %and3A_170, %mul3A_172 : vector<16xi32>
      %add3A_174 = arith.addi %mul3A_173, %iota3A : vector<16xi32>
      tpu.vector_store_idx %arg8[%add3A_174], %broadcast_in_dim3A_4 {add = true} : memref<4096xi32, #tpu.memory_space<vmem>>[vector<16xi32>], vector<16xi32>,
      %mul3A_175 = arith.constant 4 : i32
      %mul3A_176 = arith.muli %scan3A_125, %mul3A_175 : i32
      %add3A_177 = arith.constant 3 : i32
      %add3A_178 = arith.addi %mul3A_176, %add3A_177 : i32
      %add3A_179 = vector.broadcast %add3A_178 : i32 to vector<16xi32>
      %add3A_180 = arith.addi %mul3A_3, %add3A_179 : vector<16xi32>
      %gather3A_181 = tpu.vector_load_idx %arg5[%add3A_180] : memref<4096xi32, #tpu.memory_space<vmem>>[vector<16xi32>], vector<16xi32>,
      %shift_right_arithmetic3A_182 = arith.constant 24 : i32
      %shift_right_arithmetic3A_183 = vector.broadcast %shift_right_arithmetic3A_182 : i32 to vector<16xi32>
      %shift_right_arithmetic3A_184 = arith.shrsi %gather3A_181, %shift_right_arithmetic3A_183 : vector<16xi32>
      %and3A_185 = arith.constant 255 : i32
      %and3A_186 = vector.broadcast %and3A_185 : i32 to vector<16xi32>
      %and3A_187 = arith.andi %shift_right_arithmetic3A_184, %and3A_186 : vector<16xi32>
      %mul3A_188 = arith.constant 16 : i32
      %mul3A_189 = vector.broadcast %mul3A_188 : i32 to vector<16xi32>
      %mul3A_190 = arith.muli %and3A_187, %mul3A_189 : vector<16xi32>
      %add3A_191 = arith.addi %mul3A_190, %iota3A : vector<16xi32>
      tpu.vector_store_idx %arg8[%add3A_191], %broadcast_in_dim3A_4 {add = true} : memref<4096xi32, #tpu.memory_space<vmem>>[vector<16xi32>], vector<16xi32>,
      %scan3A_192 = arith.constant 0 : i32
      scf.yield %scan3A_192 : i32
    }
    %scan3A_110 = arith.constant 64 : i32
    %scan3A_111 = arith.constant 0 : i32
    %scan3A_112 = arith.constant 0 : i32
    %scan3A_113 = arith.constant 64 : i32
    %scan3A_114 = arith.addi %scan3A_112, %scan3A_113 : i32
    %scan3A_115 = arith.constant 1 : i32
    %scan3A_116 = scf.for %scan3A_125 = %scan3A_112 to %scan3A_114 step %scan3A_115 iter_args(%scan3A_126 = %scan3A_111) -> (i32)  : i32 {
      %mul3A_127 = arith.constant 4 : i32
      %mul3A_128 = arith.muli %scan3A_125, %mul3A_127 : i32
      %add3A_129 = arith.constant 0 : i32
      %add3A_130 = arith.addi %mul3A_128, %add3A_129 : i32
      %mul3A_131 = arith.constant 16 : i32
      %mul3A_132 = arith.muli %add3A_130, %mul3A_131 : i32
      %get3A = arith.index_cast %mul3A_132 : i32 to index
      %get3A_133 = tpu.vector_load %arg8[%get3A] {strides = array<i32>} : memref<4096xi32, #tpu.memory_space<vmem>>, vector<16xi32>,
      %broadcast_in_dim3A_134 = arith.constant true
      %broadcast_in_dim3A_135 = vector.broadcast %broadcast_in_dim3A_134 : i1 to vector<16xi1>
      %masked_cumsum3A = tpu.scan <sum>, %get3A_133 masked %broadcast_in_dim3A_135 : vector<16xi32>, vector<16xi1> -> vector<16xi32>
      %sub3A = arith.subi %masked_cumsum3A, %get3A_133 : vector<16xi32>
      %add3A_136 = vector.broadcast %scan3A_126 : i32 to vector<16xi32>
      %add3A_137 = arith.addi %sub3A, %add3A_136 : vector<16xi32>
      %swap3A = arith.index_cast %mul3A_132 : i32 to index
      %swap3A_138 = tpu.vector_load %arg8[%swap3A] {strides = array<i32>} : memref<4096xi32, #tpu.memory_space<vmem>>, vector<16xi32>,
      tpu.vector_store %arg8[%swap3A], %add3A_137 {strides = array<i32>} : memref<4096xi32, #tpu.memory_space<vmem>>, vector<16xi32>,
      %slice3A = vector.extract_strided_slice %masked_cumsum3A {offsets = [15], sizes = [1], strides = [1]} : vector<16xi32> to vector<1xi32>
      %squeeze3A = vector.extract %slice3A[0] : i32 from vector<1xi32>
      %add3A_139 = arith.addi %scan3A_126, %squeeze3A : i32
      %mul3A_140 = arith.constant 4 : i32
      %mul3A_141 = arith.muli %scan3A_125, %mul3A_140 : i32
      %add3A_142 = arith.constant 1 : i32
      %add3A_143 = arith.addi %mul3A_141, %add3A_142 : i32
      %mul3A_144 = arith.constant 16 : i32
      %mul3A_145 = arith.muli %add3A_143, %mul3A_144 : i32
      %get3A_146 = arith.index_cast %mul3A_145 : i32 to index
      %get3A_147 = tpu.vector_load %arg8[%get3A_146] {strides = array<i32>} : memref<4096xi32, #tpu.memory_space<vmem>>, vector<16xi32>,
      %broadcast_in_dim3A_148 = arith.constant true
      %broadcast_in_dim3A_149 = vector.broadcast %broadcast_in_dim3A_148 : i1 to vector<16xi1>
      %masked_cumsum3A_150 = tpu.scan <sum>, %get3A_147 masked %broadcast_in_dim3A_149 : vector<16xi32>, vector<16xi1> -> vector<16xi32>
      %sub3A_151 = arith.subi %masked_cumsum3A_150, %get3A_147 : vector<16xi32>
      %add3A_152 = vector.broadcast %add3A_139 : i32 to vector<16xi32>
      %add3A_153 = arith.addi %sub3A_151, %add3A_152 : vector<16xi32>
      %swap3A_154 = arith.index_cast %mul3A_145 : i32 to index
      %swap3A_155 = tpu.vector_load %arg8[%swap3A_154] {strides = array<i32>} : memref<4096xi32, #tpu.memory_space<vmem>>, vector<16xi32>,
      tpu.vector_store %arg8[%swap3A_154], %add3A_153 {strides = array<i32>} : memref<4096xi32, #tpu.memory_space<vmem>>, vector<16xi32>,
      %slice3A_156 = vector.extract_strided_slice %masked_cumsum3A_150 {offsets = [15], sizes = [1], strides = [1]} : vector<16xi32> to vector<1xi32>
      %squeeze3A_157 = vector.extract %slice3A_156[0] : i32 from vector<1xi32>
      %add3A_158 = arith.addi %add3A_139, %squeeze3A_157 : i32
      %mul3A_159 = arith.constant 4 : i32
      %mul3A_160 = arith.muli %scan3A_125, %mul3A_159 : i32
      %add3A_161 = arith.constant 2 : i32
      %add3A_162 = arith.addi %mul3A_160, %add3A_161 : i32
      %mul3A_163 = arith.constant 16 : i32
      %mul3A_164 = arith.muli %add3A_162, %mul3A_163 : i32
      %get3A_165 = arith.index_cast %mul3A_164 : i32 to index
      %get3A_166 = tpu.vector_load %arg8[%get3A_165] {strides = array<i32>} : memref<4096xi32, #tpu.memory_space<vmem>>, vector<16xi32>,
      %broadcast_in_dim3A_167 = arith.constant true
      %broadcast_in_dim3A_168 = vector.broadcast %broadcast_in_dim3A_167 : i1 to vector<16xi1>
      %masked_cumsum3A_169 = tpu.scan <sum>, %get3A_166 masked %broadcast_in_dim3A_168 : vector<16xi32>, vector<16xi1> -> vector<16xi32>
      %sub3A_170 = arith.subi %masked_cumsum3A_169, %get3A_166 : vector<16xi32>
      %add3A_171 = vector.broadcast %add3A_158 : i32 to vector<16xi32>
      %add3A_172 = arith.addi %sub3A_170, %add3A_171 : vector<16xi32>
      %swap3A_173 = arith.index_cast %mul3A_164 : i32 to index
      %swap3A_174 = tpu.vector_load %arg8[%swap3A_173] {strides = array<i32>} : memref<4096xi32, #tpu.memory_space<vmem>>, vector<16xi32>,
      tpu.vector_store %arg8[%swap3A_173], %add3A_172 {strides = array<i32>} : memref<4096xi32, #tpu.memory_space<vmem>>, vector<16xi32>,
      %slice3A_175 = vector.extract_strided_slice %masked_cumsum3A_169 {offsets = [15], sizes = [1], strides = [1]} : vector<16xi32> to vector<1xi32>
      %squeeze3A_176 = vector.extract %slice3A_175[0] : i32 from vector<1xi32>
      %add3A_177 = arith.addi %add3A_158, %squeeze3A_176 : i32
      %mul3A_178 = arith.constant 4 : i32
      %mul3A_179 = arith.muli %scan3A_125, %mul3A_178 : i32
      %add3A_180 = arith.constant 3 : i32
      %add3A_181 = arith.addi %mul3A_179, %add3A_180 : i32
      %mul3A_182 = arith.constant 16 : i32
      %mul3A_183 = arith.muli %add3A_181, %mul3A_182 : i32
      %get3A_184 = arith.index_cast %mul3A_183 : i32 to index
      %get3A_185 = tpu.vector_load %arg8[%get3A_184] {strides = array<i32>} : memref<4096xi32, #tpu.memory_space<vmem>>, vector<16xi32>,
      %broadcast_in_dim3A_186 = arith.constant true
      %broadcast_in_dim3A_187 = vector.broadcast %broadcast_in_dim3A_186 : i1 to vector<16xi1>
      %masked_cumsum3A_188 = tpu.scan <sum>, %get3A_185 masked %broadcast_in_dim3A_187 : vector<16xi32>, vector<16xi1> -> vector<16xi32>
      %sub3A_189 = arith.subi %masked_cumsum3A_188, %get3A_185 : vector<16xi32>
      %add3A_190 = vector.broadcast %add3A_177 : i32 to vector<16xi32>
      %add3A_191 = arith.addi %sub3A_189, %add3A_190 : vector<16xi32>
      %swap3A_192 = arith.index_cast %mul3A_183 : i32 to index
      %swap3A_193 = tpu.vector_load %arg8[%swap3A_192] {strides = array<i32>} : memref<4096xi32, #tpu.memory_space<vmem>>, vector<16xi32>,
      tpu.vector_store %arg8[%swap3A_192], %add3A_191 {strides = array<i32>} : memref<4096xi32, #tpu.memory_space<vmem>>, vector<16xi32>,
      %slice3A_194 = vector.extract_strided_slice %masked_cumsum3A_188 {offsets = [15], sizes = [1], strides = [1]} : vector<16xi32> to vector<1xi32>
      %squeeze3A_195 = vector.extract %slice3A_194[0] : i32 from vector<1xi32>
      %add3A_196 = arith.addi %add3A_177, %squeeze3A_195 : i32
      scf.yield %add3A_196 : i32
    }
    %scan3A_117 = arith.constant 64 : i32
    %scan3A_118 = arith.constant 0 : i32
    %scan3A_119 = arith.constant 0 : i32
    %scan3A_120 = arith.constant 128 : i32
    %scan3A_121 = arith.addi %scan3A_119, %scan3A_120 : i32
    %scan3A_122 = arith.constant 1 : i32
    %scan3A_123 = scf.for %scan3A_125 = %scan3A_119 to %scan3A_121 step %scan3A_122 iter_args(%scan3A_126 = %scan3A_118) -> (i32)  : i32 {
      %mul3A_127 = arith.constant 2 : i32
      %mul3A_128 = arith.muli %scan3A_125, %mul3A_127 : i32
      %add3A_129 = arith.constant 0 : i32
      %add3A_130 = arith.addi %mul3A_128, %add3A_129 : i32
      %add3A_131 = vector.broadcast %add3A_130 : i32 to vector<16xi32>
      %add3A_132 = arith.addi %mul3A_3, %add3A_131 : vector<16xi32>
      %gather3A = tpu.vector_load_idx %arg5[%add3A_132] : memref<4096xi32, #tpu.memory_space<vmem>>[vector<16xi32>], vector<16xi32>,
      %gather3A_133 = tpu.vector_load_idx %arg7[%add3A_132] : memref<4096xi32, #tpu.memory_space<vmem>>[vector<16xi32>], vector<16xi32>,
      %shift_right_arithmetic3A = arith.constant 24 : i32
      %shift_right_arithmetic3A_134 = vector.broadcast %shift_right_arithmetic3A : i32 to vector<16xi32>
      %shift_right_arithmetic3A_135 = arith.shrsi %gather3A, %shift_right_arithmetic3A_134 : vector<16xi32>
      %and3A = arith.constant 255 : i32
      %and3A_136 = vector.broadcast %and3A : i32 to vector<16xi32>
      %and3A_137 = arith.andi %shift_right_arithmetic3A_135, %and3A_136 : vector<16xi32>
      %mul3A_138 = arith.constant 16 : i32
      %mul3A_139 = vector.broadcast %mul3A_138 : i32 to vector<16xi32>
      %mul3A_140 = arith.muli %and3A_137, %mul3A_139 : vector<16xi32>
      %add3A_141 = arith.addi %mul3A_140, %iota3A : vector<16xi32>
      %gather3A_142 = tpu.vector_load_idx %arg8[%add3A_141] : memref<4096xi32, #tpu.memory_space<vmem>>[vector<16xi32>], vector<16xi32>,
      tpu.vector_store_idx %arg4[%gather3A_142], %gather3A : memref<4096xi32, #tpu.memory_space<vmem>>[vector<16xi32>], vector<16xi32>,
      tpu.vector_store_idx %arg6[%gather3A_142], %gather3A_133 : memref<4096xi32, #tpu.memory_space<vmem>>[vector<16xi32>], vector<16xi32>,
      tpu.vector_store_idx %arg8[%add3A_141], %broadcast_in_dim3A_4 {add = true} : memref<4096xi32, #tpu.memory_space<vmem>>[vector<16xi32>], vector<16xi32>,
      %mul3A_143 = arith.constant 2 : i32
      %mul3A_144 = arith.muli %scan3A_125, %mul3A_143 : i32
      %add3A_145 = arith.constant 1 : i32
      %add3A_146 = arith.addi %mul3A_144, %add3A_145 : i32
      %add3A_147 = vector.broadcast %add3A_146 : i32 to vector<16xi32>
      %add3A_148 = arith.addi %mul3A_3, %add3A_147 : vector<16xi32>
      %gather3A_149 = tpu.vector_load_idx %arg5[%add3A_148] : memref<4096xi32, #tpu.memory_space<vmem>>[vector<16xi32>], vector<16xi32>,
      %gather3A_150 = tpu.vector_load_idx %arg7[%add3A_148] : memref<4096xi32, #tpu.memory_space<vmem>>[vector<16xi32>], vector<16xi32>,
      %shift_right_arithmetic3A_151 = arith.constant 24 : i32
      %shift_right_arithmetic3A_152 = vector.broadcast %shift_right_arithmetic3A_151 : i32 to vector<16xi32>
      %shift_right_arithmetic3A_153 = arith.shrsi %gather3A_149, %shift_right_arithmetic3A_152 : vector<16xi32>
      %and3A_154 = arith.constant 255 : i32
      %and3A_155 = vector.broadcast %and3A_154 : i32 to vector<16xi32>
      %and3A_156 = arith.andi %shift_right_arithmetic3A_153, %and3A_155 : vector<16xi32>
      %mul3A_157 = arith.constant 16 : i32
      %mul3A_158 = vector.broadcast %mul3A_157 : i32 to vector<16xi32>
      %mul3A_159 = arith.muli %and3A_156, %mul3A_158 : vector<16xi32>
      %add3A_160 = arith.addi %mul3A_159, %iota3A : vector<16xi32>
      %gather3A_161 = tpu.vector_load_idx %arg8[%add3A_160] : memref<4096xi32, #tpu.memory_space<vmem>>[vector<16xi32>], vector<16xi32>,
      tpu.vector_store_idx %arg4[%gather3A_161], %gather3A_149 : memref<4096xi32, #tpu.memory_space<vmem>>[vector<16xi32>], vector<16xi32>,
      tpu.vector_store_idx %arg6[%gather3A_161], %gather3A_150 : memref<4096xi32, #tpu.memory_space<vmem>>[vector<16xi32>], vector<16xi32>,
      tpu.vector_store_idx %arg8[%add3A_160], %broadcast_in_dim3A_4 {add = true} : memref<4096xi32, #tpu.memory_space<vmem>>[vector<16xi32>], vector<16xi32>,
      %scan3A_162 = arith.constant 0 : i32
      scf.yield %scan3A_162 : i32
    }
    %scan3A_124 = arith.constant 128 : i32
    "tpu.region"() ({
      %run_scoped3A = tpu.sem_alloc : memref<!tpu.dma_semaphore, #tpu.memory_space<semaphore_mem>>
      %dma_start3A = arith.constant 0 : i32
      %dma_start3A_125 = tpu.memref_slice %arg6[%dma_start3A] : memref<4096xi32, #tpu.memory_space<vmem>> -> memref<512xi32, #tpu.memory_space<vmem>>
      %dma_start3A_126 = arith.constant 0 : i32
      %dma_start3A_127 = tpu.memref_slice %arg3[%add3A, %dma_start3A_126] : memref<32x512xi32, #tpu.memory_space<hbm>> -> memref<1x512xi32, #tpu.memory_space<hbm>>
      %dma_start3A_128 = tpu.memref_squeeze %dma_start3A_127 : memref<1x512xi32, #tpu.memory_space<hbm>> -> memref<512xi32, #tpu.memory_space<hbm>>
      %dma_start3A_129 = arith.constant 0 : i32
      %dma_start3A_130 = tpu.memref_slice %arg3[%add3A, %dma_start3A_129] : memref<32x512xi32, #tpu.memory_space<hbm>> -> memref<1x512xi32, #tpu.memory_space<hbm>>
      %dma_start3A_131 = tpu.memref_squeeze %dma_start3A_130 : memref<1x512xi32, #tpu.memory_space<hbm>> -> memref<512xi32, #tpu.memory_space<hbm>>
      %dma_start3A_132 = arith.constant 0 : i32
      %dma_start3A_133 = tpu.memref_slice %arg6[%dma_start3A_132] : memref<4096xi32, #tpu.memory_space<vmem>> -> memref<512xi32, #tpu.memory_space<vmem>>
      tpu.enqueue_dma source(%dma_start3A_133 : memref<512xi32, #tpu.memory_space<vmem>>) target(%dma_start3A_131 : memref<512xi32, #tpu.memory_space<hbm>>) target_semaphore(%run_scoped3A : memref<!tpu.dma_semaphore, #tpu.memory_space<semaphore_mem>>)
      %dma_wait3A = arith.constant 0 : i32
      %dma_wait3A_134 = tpu.memref_slice %arg6[%dma_wait3A] : memref<4096xi32, #tpu.memory_space<vmem>> -> memref<512xi32, #tpu.memory_space<vmem>>
      %dma_wait3A_135 = arith.constant 0 : i32
      %dma_wait3A_136 = tpu.memref_slice %arg3[%add3A, %dma_wait3A_135] : memref<32x512xi32, #tpu.memory_space<hbm>> -> memref<1x512xi32, #tpu.memory_space<hbm>>
      %dma_wait3A_137 = tpu.memref_squeeze %dma_wait3A_136 : memref<1x512xi32, #tpu.memory_space<hbm>> -> memref<512xi32, #tpu.memory_space<hbm>>
      %dma_wait3A_138 = arith.constant 0 : i32
      %dma_wait3A_139 = tpu.memref_slice %arg3[%add3A, %dma_wait3A_138] : memref<32x512xi32, #tpu.memory_space<hbm>> -> memref<1x512xi32, #tpu.memory_space<hbm>>
      %dma_wait3A_140 = tpu.memref_squeeze %dma_wait3A_139 : memref<1x512xi32, #tpu.memory_space<hbm>> -> memref<512xi32, #tpu.memory_space<hbm>>
      %dma_wait3A_141 = arith.constant 0 : i32
      %dma_wait3A_142 = tpu.memref_slice %arg6[%dma_wait3A_141] : memref<4096xi32, #tpu.memory_space<vmem>> -> memref<512xi32, #tpu.memory_space<vmem>>
      tpu.wait_dma2 semaphore(%run_scoped3A : memref<!tpu.dma_semaphore, #tpu.memory_space<semaphore_mem>>) src(%dma_wait3A_142 : memref<512xi32, #tpu.memory_space<vmem>>) dst(%dma_wait3A_140 : memref<512xi32, #tpu.memory_space<hbm>>)
      tpu.yield
    }) : () -> ()
    return
  }
}

module attributes {stable_mosaic.version = 14 : i64} {
  func.func @_stage_a(%arg0: i32, %arg1: memref<1x8x4096xf32, #tpu.memory_space<vmem>>, %arg2: memref<1x104x8xf32, #tpu.memory_space<vmem>>, %arg3: memref<1x8x104xf32, #tpu.memory_space<vmem>>, %arg4: memref<1x2x4096xi32, #tpu.memory_space<vmem>>, %arg5: memref<1x16x4096xf32, #tpu.memory_space<vmem>>) attributes {dimension_semantics = [#tpu.dimension_semantics<arbitrary>], iteration_bounds = array<i64: 16>, scalar_prefetch = 0 : i64, scratch_operands = 0 : i64, tpu.core_type = #tpu.core_type<tc>, window_params = [{transform_indices = @transform_0, window_bounds = array<i64: 1, 8, 4096>}, {transform_indices = @transform_1, window_bounds = array<i64: 1, 104, 8>}, {transform_indices = @transform_2, window_bounds = array<i64: 1, 8, 104>}, {transform_indices = @transform_3, window_bounds = array<i64: 1, 2, 4096>}, {transform_indices = @transform_4, window_bounds = array<i64: 1, 16, 4096>}]} {
    %get3A = arith.constant 0 : index
    %get3A_0 = arith.constant 0 : index
    %get3A_1 = arith.constant 0 : index
    %get3A_2 = vector.load %arg1[%get3A, %get3A_0, %get3A_1] : memref<1x8x4096xf32, #tpu.memory_space<vmem>>, vector<1x8x4096xf32>
    %get3A_3 = vector.shape_cast %get3A_2 : vector<1x8x4096xf32> to vector<8x4096xf32>
    %slice3A = vector.extract_strided_slice %get3A_3 {offsets = [0, 0], sizes = [1, 4096], strides = [1, 1]} : vector<8x4096xf32> to vector<1x4096xf32>
    %slice3A_4 = vector.extract_strided_slice %get3A_3 {offsets = [1, 0], sizes = [1, 4096], strides = [1, 1]} : vector<8x4096xf32> to vector<1x4096xf32>
    %slice3A_5 = vector.extract_strided_slice %get3A_3 {offsets = [2, 0], sizes = [1, 4096], strides = [1, 1]} : vector<8x4096xf32> to vector<1x4096xf32>
    %slice3A_6 = vector.extract_strided_slice %get3A_3 {offsets = [3, 0], sizes = [1, 4096], strides = [1, 1]} : vector<8x4096xf32> to vector<1x4096xf32>
    %sub3A = arith.subf %slice3A_5, %slice3A : vector<1x4096xf32>
    %sub3A_7 = arith.subf %slice3A_6, %slice3A_4 : vector<1x4096xf32>
    %mul3A = arith.mulf %sub3A, %sub3A_7 : vector<1x4096xf32>
    %broadcast_in_dim3A = arith.constant -1.000000e+00 : f32
    %broadcast_in_dim3A_8 = vector.broadcast %broadcast_in_dim3A : f32 to vector<1x4096xf32>
    %broadcast_in_dim3A_9 = arith.constant 0 : i32
    %broadcast_in_dim3A_10 = vector.broadcast %broadcast_in_dim3A_9 : i32 to vector<1x4096xi32>
    %get3A_11 = arith.constant 0 : index
    %get3A_12 = arith.constant 0 : index
    %get3A_13 = arith.constant 0 : index
    %get3A_14 = vector.load %arg2[%get3A_11, %get3A_12, %get3A_13] : memref<1x104x8xf32, #tpu.memory_space<vmem>>, vector<1x56x8xf32>
    %get3A_15 = vector.shape_cast %get3A_14 : vector<1x56x8xf32> to vector<56x8xf32>
    %slice3A_16 = vector.extract_strided_slice %get3A_15 {offsets = [0, 0], sizes = [56, 1], strides = [1, 1]} : vector<56x8xf32> to vector<56x1xf32>
    %slice3A_17 = vector.extract_strided_slice %get3A_15 {offsets = [0, 1], sizes = [56, 1], strides = [1, 1]} : vector<56x8xf32> to vector<56x1xf32>
    %slice3A_18 = vector.extract_strided_slice %get3A_15 {offsets = [0, 2], sizes = [56, 1], strides = [1, 1]} : vector<56x8xf32> to vector<56x1xf32>
    %slice3A_19 = vector.extract_strided_slice %get3A_15 {offsets = [0, 3], sizes = [56, 1], strides = [1, 1]} : vector<56x8xf32> to vector<56x1xf32>
    %sub3A_20 = arith.subf %slice3A_18, %slice3A_16 : vector<56x1xf32>
    %sub3A_21 = arith.subf %slice3A_19, %slice3A_17 : vector<56x1xf32>
    %mul3A_22 = arith.mulf %sub3A_20, %sub3A_21 : vector<56x1xf32>
    %min3A = vector.broadcast %slice3A_18 : vector<56x1xf32> to vector<56x4096xf32>
    %min3A_23 = vector.broadcast %slice3A_5 : vector<1x4096xf32> to vector<56x4096xf32>
    %min3A_24 = arith.minimumf %min3A, %min3A_23 : vector<56x4096xf32>
    %max3A = vector.broadcast %slice3A_16 : vector<56x1xf32> to vector<56x4096xf32>
    %max3A_25 = vector.broadcast %slice3A : vector<1x4096xf32> to vector<56x4096xf32>
    %max3A_26 = arith.maximumf %max3A, %max3A_25 : vector<56x4096xf32>
    %sub3A_27 = arith.subf %min3A_24, %max3A_26 : vector<56x4096xf32>
    %max3A_28 = arith.constant 0.000000e+00 : f32
    %max3A_29 = vector.broadcast %max3A_28 : f32 to vector<56x4096xf32>
    %max3A_30 = arith.maximumf %sub3A_27, %max3A_29 : vector<56x4096xf32>
    %min3A_31 = vector.broadcast %slice3A_19 : vector<56x1xf32> to vector<56x4096xf32>
    %min3A_32 = vector.broadcast %slice3A_6 : vector<1x4096xf32> to vector<56x4096xf32>
    %min3A_33 = arith.minimumf %min3A_31, %min3A_32 : vector<56x4096xf32>
    %max3A_34 = vector.broadcast %slice3A_17 : vector<56x1xf32> to vector<56x4096xf32>
    %max3A_35 = vector.broadcast %slice3A_4 : vector<1x4096xf32> to vector<56x4096xf32>
    %max3A_36 = arith.maximumf %max3A_34, %max3A_35 : vector<56x4096xf32>
    %sub3A_37 = arith.subf %min3A_33, %max3A_36 : vector<56x4096xf32>
    %max3A_38 = arith.constant 0.000000e+00 : f32
    %max3A_39 = vector.broadcast %max3A_38 : f32 to vector<56x4096xf32>
    %max3A_40 = arith.maximumf %sub3A_37, %max3A_39 : vector<56x4096xf32>
    %mul3A_41 = arith.mulf %max3A_30, %max3A_40 : vector<56x4096xf32>
    %add3A = vector.broadcast %mul3A_22 : vector<56x1xf32> to vector<56x4096xf32>
    %add3A_42 = vector.broadcast %mul3A : vector<1x4096xf32> to vector<56x4096xf32>
    %add3A_43 = arith.addf %add3A, %add3A_42 : vector<56x4096xf32>
    %sub3A_44 = arith.subf %add3A_43, %mul3A_41 : vector<56x4096xf32>
    %max3A_45 = arith.constant 9.99999993E-9 : f32
    %max3A_46 = vector.broadcast %max3A_45 : f32 to vector<56x4096xf32>
    %max3A_47 = arith.maximumf %sub3A_44, %max3A_46 : vector<56x4096xf32>
    %div3A = arith.divf %mul3A_41, %max3A_47 : vector<56x4096xf32>
    %reduce_max3A = arith.constant dense<0xFF800000> : vector<4096xf32>
    %reduce_max3A_48 = vector.multi_reduction <maximumf>, %div3A, %reduce_max3A [0] : vector<56x4096xf32> to vector<4096xf32>
    %broadcast_in_dim3A_49 = vector.shape_cast %reduce_max3A_48 : vector<4096xf32> to vector<1x4096xf32>
    %iota3A = tpu.iota {dimensions = array<i32: 0>} : vector<56x4096xi32>
    %add3A_50 = arith.constant 0 : i32
    %add3A_51 = vector.broadcast %add3A_50 : i32 to vector<56x4096xi32>
    %add3A_52 = arith.addi %iota3A, %add3A_51 : vector<56x4096xi32>
    %eq3A = vector.broadcast %broadcast_in_dim3A_49 : vector<1x4096xf32> to vector<56x4096xf32>
    %eq3A_53 = arith.cmpf oeq, %div3A, %eq3A : vector<56x4096xf32>
    %jit3A = arith.constant 104 : i32
    %broadcast_in_dim3A_54 = vector.broadcast %jit3A : i32 to vector<56x4096xi32>
    %select_n3A = arith.select %eq3A_53, %add3A_52, %broadcast_in_dim3A_54 : vector<56x4096xi1>, vector<56x4096xi32>
    %reduce_min3A = arith.constant dense<2147483647> : vector<4096xi32>
    %reduce_min3A_55 = vector.multi_reduction <minsi>, %select_n3A, %reduce_min3A [0] : vector<56x4096xi32> to vector<4096xi32>
    %broadcast_in_dim3A_56 = vector.shape_cast %reduce_min3A_55 : vector<4096xi32> to vector<1x4096xi32>
    %gt3A = arith.cmpf ogt, %broadcast_in_dim3A_49, %broadcast_in_dim3A_8 : vector<1x4096xf32>
    %select_n3A_57 = arith.select %gt3A, %broadcast_in_dim3A_56, %broadcast_in_dim3A_10 : vector<1x4096xi1>, vector<1x4096xi32>
    %max3A_58 = arith.maximumf %broadcast_in_dim3A_8, %broadcast_in_dim3A_49 : vector<1x4096xf32>
    %get3A_59 = arith.constant 0 : index
    %get3A_60 = arith.constant 56 : index
    %get3A_61 = arith.constant 0 : index
    %get3A_62 = vector.load %arg2[%get3A_59, %get3A_60, %get3A_61] : memref<1x104x8xf32, #tpu.memory_space<vmem>>, vector<1x48x8xf32>
    %get3A_63 = vector.shape_cast %get3A_62 : vector<1x48x8xf32> to vector<48x8xf32>
    %slice3A_64 = vector.extract_strided_slice %get3A_63 {offsets = [0, 0], sizes = [48, 1], strides = [1, 1]} : vector<48x8xf32> to vector<48x1xf32>
    %slice3A_65 = vector.extract_strided_slice %get3A_63 {offsets = [0, 1], sizes = [48, 1], strides = [1, 1]} : vector<48x8xf32> to vector<48x1xf32>
    %slice3A_66 = vector.extract_strided_slice %get3A_63 {offsets = [0, 2], sizes = [48, 1], strides = [1, 1]} : vector<48x8xf32> to vector<48x1xf32>
    %slice3A_67 = vector.extract_strided_slice %get3A_63 {offsets = [0, 3], sizes = [48, 1], strides = [1, 1]} : vector<48x8xf32> to vector<48x1xf32>
    %sub3A_68 = arith.subf %slice3A_66, %slice3A_64 : vector<48x1xf32>
    %sub3A_69 = arith.subf %slice3A_67, %slice3A_65 : vector<48x1xf32>
    %mul3A_70 = arith.mulf %sub3A_68, %sub3A_69 : vector<48x1xf32>
    %min3A_71 = vector.broadcast %slice3A_66 : vector<48x1xf32> to vector<48x4096xf32>
    %min3A_72 = vector.broadcast %slice3A_5 : vector<1x4096xf32> to vector<48x4096xf32>
    %min3A_73 = arith.minimumf %min3A_71, %min3A_72 : vector<48x4096xf32>
    %max3A_74 = vector.broadcast %slice3A_64 : vector<48x1xf32> to vector<48x4096xf32>
    %max3A_75 = vector.broadcast %slice3A : vector<1x4096xf32> to vector<48x4096xf32>
    %max3A_76 = arith.maximumf %max3A_74, %max3A_75 : vector<48x4096xf32>
    %sub3A_77 = arith.subf %min3A_73, %max3A_76 : vector<48x4096xf32>
    %max3A_78 = arith.constant 0.000000e+00 : f32
    %max3A_79 = vector.broadcast %max3A_78 : f32 to vector<48x4096xf32>
    %max3A_80 = arith.maximumf %sub3A_77, %max3A_79 : vector<48x4096xf32>
    %min3A_81 = vector.broadcast %slice3A_67 : vector<48x1xf32> to vector<48x4096xf32>
    %min3A_82 = vector.broadcast %slice3A_6 : vector<1x4096xf32> to vector<48x4096xf32>
    %min3A_83 = arith.minimumf %min3A_81, %min3A_82 : vector<48x4096xf32>
    %max3A_84 = vector.broadcast %slice3A_65 : vector<48x1xf32> to vector<48x4096xf32>
    %max3A_85 = vector.broadcast %slice3A_4 : vector<1x4096xf32> to vector<48x4096xf32>
    %max3A_86 = arith.maximumf %max3A_84, %max3A_85 : vector<48x4096xf32>
    %sub3A_87 = arith.subf %min3A_83, %max3A_86 : vector<48x4096xf32>
    %max3A_88 = arith.constant 0.000000e+00 : f32
    %max3A_89 = vector.broadcast %max3A_88 : f32 to vector<48x4096xf32>
    %max3A_90 = arith.maximumf %sub3A_87, %max3A_89 : vector<48x4096xf32>
    %mul3A_91 = arith.mulf %max3A_80, %max3A_90 : vector<48x4096xf32>
    %add3A_92 = vector.broadcast %mul3A_70 : vector<48x1xf32> to vector<48x4096xf32>
    %add3A_93 = vector.broadcast %mul3A : vector<1x4096xf32> to vector<48x4096xf32>
    %add3A_94 = arith.addf %add3A_92, %add3A_93 : vector<48x4096xf32>
    %sub3A_95 = arith.subf %add3A_94, %mul3A_91 : vector<48x4096xf32>
    %max3A_96 = arith.constant 9.99999993E-9 : f32
    %max3A_97 = vector.broadcast %max3A_96 : f32 to vector<48x4096xf32>
    %max3A_98 = arith.maximumf %sub3A_95, %max3A_97 : vector<48x4096xf32>
    %div3A_99 = arith.divf %mul3A_91, %max3A_98 : vector<48x4096xf32>
    %reduce_max3A_100 = arith.constant dense<0xFF800000> : vector<4096xf32>
    %reduce_max3A_101 = vector.multi_reduction <maximumf>, %div3A_99, %reduce_max3A_100 [0] : vector<48x4096xf32> to vector<4096xf32>
    %broadcast_in_dim3A_102 = vector.shape_cast %reduce_max3A_101 : vector<4096xf32> to vector<1x4096xf32>
    %iota3A_103 = tpu.iota {dimensions = array<i32: 0>} : vector<48x4096xi32>
    %add3A_104 = arith.constant 56 : i32
    %add3A_105 = vector.broadcast %add3A_104 : i32 to vector<48x4096xi32>
    %add3A_106 = arith.addi %iota3A_103, %add3A_105 : vector<48x4096xi32>
    %eq3A_107 = vector.broadcast %broadcast_in_dim3A_102 : vector<1x4096xf32> to vector<48x4096xf32>
    %eq3A_108 = arith.cmpf oeq, %div3A_99, %eq3A_107 : vector<48x4096xf32>
    %jit3A_109 = arith.constant 104 : i32
    %broadcast_in_dim3A_110 = vector.broadcast %jit3A_109 : i32 to vector<48x4096xi32>
    %select_n3A_111 = arith.select %eq3A_108, %add3A_106, %broadcast_in_dim3A_110 : vector<48x4096xi1>, vector<48x4096xi32>
    %reduce_min3A_112 = arith.constant dense<2147483647> : vector<4096xi32>
    %reduce_min3A_113 = vector.multi_reduction <minsi>, %select_n3A_111, %reduce_min3A_112 [0] : vector<48x4096xi32> to vector<4096xi32>
    %broadcast_in_dim3A_114 = vector.shape_cast %reduce_min3A_113 : vector<4096xi32> to vector<1x4096xi32>
    %gt3A_115 = arith.cmpf ogt, %broadcast_in_dim3A_102, %max3A_58 : vector<1x4096xf32>
    %select_n3A_116 = arith.select %gt3A_115, %broadcast_in_dim3A_114, %select_n3A_57 : vector<1x4096xi1>, vector<1x4096xi32>
    %max3A_117 = arith.maximumf %max3A_58, %broadcast_in_dim3A_102 : vector<1x4096xf32>
    %iota3A_118 = tpu.iota {dimensions = array<i32: 1>} : vector<1x4096xi32>
    %lt3A = arith.constant 4000 : i32
    %lt3A_119 = vector.broadcast %lt3A : i32 to vector<1x4096xi32>
    %lt3A_120 = arith.cmpi slt, %iota3A_118, %lt3A_119 : vector<1x4096xi32>
    %ge3A = arith.constant 5.000000e-01 : f32
    %ge3A_121 = vector.broadcast %ge3A : f32 to vector<1x4096xf32>
    %ge3A_122 = arith.cmpf oge, %max3A_117, %ge3A_121 : vector<1x4096xf32>
    %jit3A_123 = arith.constant -1.000000e+00 : f32
    %broadcast_in_dim3A_124 = vector.broadcast %jit3A_123 : f32 to vector<1x4096xf32>
    %select_n3A_125 = arith.select %ge3A_122, %max3A_117, %broadcast_in_dim3A_124 : vector<1x4096xi1>, vector<1x4096xf32>
    %jit3A_126 = arith.constant -2.000000e+00 : f32
    %broadcast_in_dim3A_127 = vector.broadcast %jit3A_126 : f32 to vector<1x4096xf32>
    %select_n3A_128 = arith.select %lt3A_120, %select_n3A_125, %broadcast_in_dim3A_127 : vector<1x4096xi1>, vector<1x4096xf32>
    %neg3A = arith.constant 0.000000e+00 : f32
    %neg3A_129 = vector.broadcast %neg3A : f32 to vector<1x4096xf32>
    %neg3A_130 = arith.subf %neg3A_129, %max3A_117 : vector<1x4096xf32>
    %jit3A_131 = arith.constant -1.000000e+09 : f32
    %broadcast_in_dim3A_132 = vector.broadcast %jit3A_131 : f32 to vector<1x4096xf32>
    %select_n3A_133 = arith.select %ge3A_122, %broadcast_in_dim3A_132, %neg3A_130 : vector<1x4096xi1>, vector<1x4096xf32>
    %jit3A_134 = arith.constant -2.000000e+09 : f32
    %broadcast_in_dim3A_135 = vector.broadcast %jit3A_134 : f32 to vector<1x4096xf32>
    %select_n3A_136 = arith.select %lt3A_120, %select_n3A_133, %broadcast_in_dim3A_135 : vector<1x4096xi1>, vector<1x4096xf32>
    %bitcast_convert_type3A = tpu.bitcast %select_n3A_128 : vector<1x4096xf32> -> vector<1x4096xi32>
    %ge3A_137 = arith.constant 0 : i32
    %ge3A_138 = vector.broadcast %ge3A_137 : i32 to vector<1x4096xi32>
    %ge3A_139 = arith.cmpi sge, %bitcast_convert_type3A, %ge3A_138 : vector<1x4096xi32>
    %xor3A = arith.constant 2147483647 : i32
    %xor3A_140 = vector.broadcast %xor3A : i32 to vector<1x4096xi32>
    %xor3A_141 = arith.xori %bitcast_convert_type3A, %xor3A_140 : vector<1x4096xi32>
    %select_n3A_142 = arith.select %ge3A_139, %bitcast_convert_type3A, %xor3A_141 : vector<1x4096xi1>, vector<1x4096xi32>
    %not3A = arith.constant dense<-1> : vector<1x4096xi32>
    %not3A_143 = arith.xori %select_n3A_142, %not3A : vector<1x4096xi32>
    %xor3A_144 = arith.constant -2147483648 : i32
    %xor3A_145 = vector.broadcast %xor3A_144 : i32 to vector<1x4096xi32>
    %xor3A_146 = arith.xori %not3A_143, %xor3A_145 : vector<1x4096xi32>
    %swap3A = arith.constant 0 : index
    %swap3A_147 = arith.constant 0 : index
    %swap3A_148 = arith.constant 0 : index
    %swap3A_149 = vector.load %arg4[%swap3A, %swap3A_147, %swap3A_148] : memref<1x2x4096xi32, #tpu.memory_space<vmem>>, vector<1x1x4096xi32>
    %swap3A_150 = vector.shape_cast %swap3A_149 : vector<1x1x4096xi32> to vector<1x4096xi32>
    %swap3A_151 = vector.shape_cast %xor3A_146 : vector<1x4096xi32> to vector<1x1x4096xi32>
    tpu.vector_store %arg4[%swap3A, %swap3A_147, %swap3A_148], %swap3A_151 {strides = array<i32>} : memref<1x2x4096xi32, #tpu.memory_space<vmem>>, vector<1x1x4096xi32>,
    %bitcast_convert_type3A_152 = tpu.bitcast %select_n3A_136 : vector<1x4096xf32> -> vector<1x4096xi32>
    %ge3A_153 = arith.constant 0 : i32
    %ge3A_154 = vector.broadcast %ge3A_153 : i32 to vector<1x4096xi32>
    %ge3A_155 = arith.cmpi sge, %bitcast_convert_type3A_152, %ge3A_154 : vector<1x4096xi32>
    %xor3A_156 = arith.constant 2147483647 : i32
    %xor3A_157 = vector.broadcast %xor3A_156 : i32 to vector<1x4096xi32>
    %xor3A_158 = arith.xori %bitcast_convert_type3A_152, %xor3A_157 : vector<1x4096xi32>
    %select_n3A_159 = arith.select %ge3A_155, %bitcast_convert_type3A_152, %xor3A_158 : vector<1x4096xi1>, vector<1x4096xi32>
    %not3A_160 = arith.constant dense<-1> : vector<1x4096xi32>
    %not3A_161 = arith.xori %select_n3A_159, %not3A_160 : vector<1x4096xi32>
    %xor3A_162 = arith.constant -2147483648 : i32
    %xor3A_163 = vector.broadcast %xor3A_162 : i32 to vector<1x4096xi32>
    %xor3A_164 = arith.xori %not3A_161, %xor3A_163 : vector<1x4096xi32>
    %swap3A_165 = arith.constant 0 : index
    %swap3A_166 = arith.constant 1 : index
    %swap3A_167 = arith.constant 0 : index
    %swap3A_168 = vector.load %arg4[%swap3A_165, %swap3A_166, %swap3A_167] : memref<1x2x4096xi32, #tpu.memory_space<vmem>>, vector<1x1x4096xi32>
    %swap3A_169 = vector.shape_cast %swap3A_168 : vector<1x1x4096xi32> to vector<1x4096xi32>
    %swap3A_170 = vector.shape_cast %xor3A_164 : vector<1x4096xi32> to vector<1x1x4096xi32>
    tpu.vector_store %arg4[%swap3A_165, %swap3A_166, %swap3A_167], %swap3A_170 {strides = array<i32>} : memref<1x2x4096xi32, #tpu.memory_space<vmem>>, vector<1x1x4096xi32>,
    %get3A_171 = arith.constant 0 : index
    %get3A_172 = arith.constant 0 : index
    %get3A_173 = arith.constant 0 : index
    %get3A_174 = vector.load %arg3[%get3A_171, %get3A_172, %get3A_173] : memref<1x8x104xf32, #tpu.memory_space<vmem>>, vector<1x8x104xf32>
    %get3A_175 = vector.shape_cast %get3A_174 : vector<1x8x104xf32> to vector<8x104xf32>
    %iota3A_176 = tpu.iota {dimensions = array<i32: 0>} : vector<104x4096xi32>
    %eq3A_177 = vector.broadcast %select_n3A_116 : vector<1x4096xi32> to vector<104x4096xi32>
    %eq3A_178 = arith.cmpi eq, %iota3A_176, %eq3A_177 : vector<104x4096xi32>
    %convert_element_type3A = arith.extui %eq3A_178 : vector<104x4096xi1> to vector<104x4096xi32>
    %convert_element_type3A_179 = arith.sitofp %convert_element_type3A : vector<104x4096xi32> to vector<104x4096xf32>
    %convert_element_type3A_180 = arith.truncf %get3A_175 : vector<8x104xf32> to vector<8x104xbf16>
    %convert_element_type3A_181 = arith.extf %convert_element_type3A_180 : vector<8x104xbf16> to vector<8x104xf32>
    %sub3A_182 = arith.subf %get3A_175, %convert_element_type3A_181 : vector<8x104xf32>
    %convert_element_type3A_183 = arith.truncf %sub3A_182 : vector<8x104xf32> to vector<8x104xbf16>
    %convert_element_type3A_184 = arith.extf %convert_element_type3A_183 : vector<8x104xbf16> to vector<8x104xf32>
    %sub3A_185 = arith.subf %sub3A_182, %convert_element_type3A_184 : vector<8x104xf32>
    %convert_element_type3A_186 = arith.truncf %sub3A_185 : vector<8x104xf32> to vector<8x104xbf16>
    %convert_element_type3A_187 = arith.truncf %convert_element_type3A_179 : vector<104x4096xf32> to vector<104x4096xbf16>
    %dot_general3A = arith.constant dense<0.000000e+00> : vector<8x4096xf32>
    %dot_general3A_188 = tpu.matmul %convert_element_type3A_180, %convert_element_type3A_187, %dot_general3A {dimension_numbers = #tpu.dot_dimension_numbers<[1], [0], [0], [1], [0, 0, 1, 1], [], []>, transpose_lhs_hint = false} : vector<8x104xbf16>, vector<104x4096xbf16>, vector<8x4096xf32> -> vector<8x4096xf32>
    %dot_general3A_189 = arith.constant dense<0.000000e+00> : vector<8x4096xf32>
    %dot_general3A_190 = tpu.matmul %convert_element_type3A_183, %convert_element_type3A_187, %dot_general3A_189 {dimension_numbers = #tpu.dot_dimension_numbers<[1], [0], [0], [1], [0, 0, 1, 1], [], []>, transpose_lhs_hint = false} : vector<8x104xbf16>, vector<104x4096xbf16>, vector<8x4096xf32> -> vector<8x4096xf32>
    %add3A_191 = arith.addf %dot_general3A_188, %dot_general3A_190 : vector<8x4096xf32>
    %dot_general3A_192 = arith.constant dense<0.000000e+00> : vector<8x4096xf32>
    %dot_general3A_193 = tpu.matmul %convert_element_type3A_186, %convert_element_type3A_187, %dot_general3A_192 {dimension_numbers = #tpu.dot_dimension_numbers<[1], [0], [0], [1], [0, 0, 1, 1], [], []>, transpose_lhs_hint = false} : vector<8x104xbf16>, vector<104x4096xbf16>, vector<8x4096xf32> -> vector<8x4096xf32>
    %add3A_194 = arith.addf %add3A_191, %dot_general3A_193 : vector<8x4096xf32>
    %slice3A_195 = vector.extract_strided_slice %add3A_194 {offsets = [0, 0], sizes = [1, 4096], strides = [1, 1]} : vector<8x4096xf32> to vector<1x4096xf32>
    %slice3A_196 = vector.extract_strided_slice %add3A_194 {offsets = [1, 0], sizes = [1, 4096], strides = [1, 1]} : vector<8x4096xf32> to vector<1x4096xf32>
    %slice3A_197 = vector.extract_strided_slice %add3A_194 {offsets = [2, 0], sizes = [1, 4096], strides = [1, 1]} : vector<8x4096xf32> to vector<1x4096xf32>
    %slice3A_198 = vector.extract_strided_slice %add3A_194 {offsets = [3, 0], sizes = [1, 4096], strides = [1, 1]} : vector<8x4096xf32> to vector<1x4096xf32>
    %slice3A_199 = vector.extract_strided_slice %add3A_194 {offsets = [4, 0], sizes = [1, 4096], strides = [1, 1]} : vector<8x4096xf32> to vector<1x4096xf32>
    %sub3A_200 = arith.subf %slice3A_5, %slice3A : vector<1x4096xf32>
    %sub3A_201 = arith.subf %slice3A_6, %slice3A_4 : vector<1x4096xf32>
    %mul3A_202 = arith.constant 5.000000e-01 : f32
    %mul3A_203 = vector.broadcast %mul3A_202 : f32 to vector<1x4096xf32>
    %mul3A_204 = arith.mulf %mul3A_203, %sub3A_200 : vector<1x4096xf32>
    %add3A_205 = arith.addf %slice3A, %mul3A_204 : vector<1x4096xf32>
    %mul3A_206 = arith.constant 5.000000e-01 : f32
    %mul3A_207 = vector.broadcast %mul3A_206 : f32 to vector<1x4096xf32>
    %mul3A_208 = arith.mulf %mul3A_207, %sub3A_201 : vector<1x4096xf32>
    %add3A_209 = arith.addf %slice3A_4, %mul3A_208 : vector<1x4096xf32>
    %sub3A_210 = arith.subf %slice3A_197, %slice3A_195 : vector<1x4096xf32>
    %sub3A_211 = arith.subf %slice3A_198, %slice3A_196 : vector<1x4096xf32>
    %mul3A_212 = arith.constant 5.000000e-01 : f32
    %mul3A_213 = vector.broadcast %mul3A_212 : f32 to vector<1x4096xf32>
    %mul3A_214 = arith.mulf %mul3A_213, %sub3A_210 : vector<1x4096xf32>
    %add3A_215 = arith.addf %slice3A_195, %mul3A_214 : vector<1x4096xf32>
    %mul3A_216 = arith.constant 5.000000e-01 : f32
    %mul3A_217 = vector.broadcast %mul3A_216 : f32 to vector<1x4096xf32>
    %mul3A_218 = arith.mulf %mul3A_217, %sub3A_211 : vector<1x4096xf32>
    %add3A_219 = arith.addf %slice3A_196, %mul3A_218 : vector<1x4096xf32>
    %sub3A_220 = arith.subf %add3A_215, %add3A_205 : vector<1x4096xf32>
    %mul3A_221 = arith.constant 1.000000e+01 : f32
    %mul3A_222 = vector.broadcast %mul3A_221 : f32 to vector<1x4096xf32>
    %mul3A_223 = arith.mulf %mul3A_222, %sub3A_220 : vector<1x4096xf32>
    %max3A_224 = arith.constant 9.99999997E-7 : f32
    %max3A_225 = vector.broadcast %max3A_224 : f32 to vector<1x4096xf32>
    %max3A_226 = arith.maximumf %sub3A_200, %max3A_225 : vector<1x4096xf32>
    %div3A_227 = arith.divf %mul3A_223, %max3A_226 : vector<1x4096xf32>
    %sub3A_228 = arith.subf %add3A_219, %add3A_209 : vector<1x4096xf32>
    %mul3A_229 = arith.constant 1.000000e+01 : f32
    %mul3A_230 = vector.broadcast %mul3A_229 : f32 to vector<1x4096xf32>
    %mul3A_231 = arith.mulf %mul3A_230, %sub3A_228 : vector<1x4096xf32>
    %max3A_232 = arith.constant 9.99999997E-7 : f32
    %max3A_233 = vector.broadcast %max3A_232 : f32 to vector<1x4096xf32>
    %max3A_234 = arith.maximumf %sub3A_201, %max3A_233 : vector<1x4096xf32>
    %div3A_235 = arith.divf %mul3A_231, %max3A_234 : vector<1x4096xf32>
    %max3A_236 = arith.constant 9.99999997E-7 : f32
    %max3A_237 = vector.broadcast %max3A_236 : f32 to vector<1x4096xf32>
    %max3A_238 = arith.maximumf %sub3A_210, %max3A_237 : vector<1x4096xf32>
    %max3A_239 = arith.constant 9.99999997E-7 : f32
    %max3A_240 = vector.broadcast %max3A_239 : f32 to vector<1x4096xf32>
    %max3A_241 = arith.maximumf %sub3A_200, %max3A_240 : vector<1x4096xf32>
    %div3A_242 = arith.divf %max3A_238, %max3A_241 : vector<1x4096xf32>
    %log3A = math.log %div3A_242 : vector<1x4096xf32>
    %mul3A_243 = arith.constant 5.000000e+00 : f32
    %mul3A_244 = vector.broadcast %mul3A_243 : f32 to vector<1x4096xf32>
    %mul3A_245 = arith.mulf %mul3A_244, %log3A : vector<1x4096xf32>
    %max3A_246 = arith.constant 9.99999997E-7 : f32
    %max3A_247 = vector.broadcast %max3A_246 : f32 to vector<1x4096xf32>
    %max3A_248 = arith.maximumf %sub3A_211, %max3A_247 : vector<1x4096xf32>
    %max3A_249 = arith.constant 9.99999997E-7 : f32
    %max3A_250 = vector.broadcast %max3A_249 : f32 to vector<1x4096xf32>
    %max3A_251 = arith.maximumf %sub3A_201, %max3A_250 : vector<1x4096xf32>
    %div3A_252 = arith.divf %max3A_248, %max3A_251 : vector<1x4096xf32>
    %log3A_253 = math.log %div3A_252 : vector<1x4096xf32>
    %mul3A_254 = arith.constant 5.000000e+00 : f32
    %mul3A_255 = vector.broadcast %mul3A_254 : f32 to vector<1x4096xf32>
    %mul3A_256 = arith.mulf %mul3A_255, %log3A_253 : vector<1x4096xf32>
    %jit3A_257 = arith.constant 8.000000e+01 : f32
    %broadcast_in_dim3A_258 = vector.broadcast %jit3A_257 : f32 to vector<1x4096xf32>
    %select_n3A_259 = arith.select %ge3A_122, %slice3A_199, %broadcast_in_dim3A_258 : vector<1x4096xi1>, vector<1x4096xf32>
    %broadcast_in_dim3A_260 = arith.constant 0.000000e+00 : f32
    %broadcast_in_dim3A_261 = vector.broadcast %broadcast_in_dim3A_260 : f32 to vector<1x4096xf32>
    %concatenate3A = tpu.concatenate %div3A_227, %div3A_235, %mul3A_245, %mul3A_256, %select_n3A_259, %slice3A, %slice3A_4, %slice3A_5, %slice3A_6, %broadcast_in_dim3A_261, %broadcast_in_dim3A_261, %broadcast_in_dim3A_261, %broadcast_in_dim3A_261, %broadcast_in_dim3A_261, %broadcast_in_dim3A_261, %broadcast_in_dim3A_261 in 0 : vector<1x4096xf32>, vector<1x4096xf32>, vector<1x4096xf32>, vector<1x4096xf32>, vector<1x4096xf32>, vector<1x4096xf32>, vector<1x4096xf32>, vector<1x4096xf32>, vector<1x4096xf32>, vector<1x4096xf32>, vector<1x4096xf32>, vector<1x4096xf32>, vector<1x4096xf32>, vector<1x4096xf32>, vector<1x4096xf32>, vector<1x4096xf32> -> vector<16x4096xf32>
    %swap3A_262 = arith.constant 0 : index
    %swap3A_263 = arith.constant 0 : index
    %swap3A_264 = arith.constant 0 : index
    %swap3A_265 = vector.load %arg5[%swap3A_262, %swap3A_263, %swap3A_264] : memref<1x16x4096xf32, #tpu.memory_space<vmem>>, vector<1x16x4096xf32>
    %swap3A_266 = vector.shape_cast %swap3A_265 : vector<1x16x4096xf32> to vector<16x4096xf32>
    %swap3A_267 = vector.shape_cast %concatenate3A : vector<16x4096xf32> to vector<1x16x4096xf32>
    tpu.vector_store %arg5[%swap3A_262, %swap3A_263, %swap3A_264], %swap3A_267 {strides = array<i32>} : memref<1x16x4096xf32, #tpu.memory_space<vmem>>, vector<1x16x4096xf32>,
    return
  }
  func.func @transform_0(%arg0: i32) -> (i32, i32, i32) {
    %c0_i32 = arith.constant 0 : i32
    %c0_i32_0 = arith.constant 0 : i32
    %c0_i32_1 = arith.constant 0 : i32
    return %arg0, %c0_i32, %c0_i32_0 : i32, i32, i32
  }
  func.func @transform_1(%arg0: i32) -> (i32, i32, i32) {
    %c0_i32 = arith.constant 0 : i32
    %c0_i32_0 = arith.constant 0 : i32
    %c0_i32_1 = arith.constant 0 : i32
    return %arg0, %c0_i32, %c0_i32_0 : i32, i32, i32
  }
  func.func @transform_2(%arg0: i32) -> (i32, i32, i32) {
    %c0_i32 = arith.constant 0 : i32
    %c0_i32_0 = arith.constant 0 : i32
    %c0_i32_1 = arith.constant 0 : i32
    return %arg0, %c0_i32, %c0_i32_0 : i32, i32, i32
  }
  func.func @transform_3(%arg0: i32) -> (i32, i32, i32) {
    %c0_i32 = arith.constant 0 : i32
    %c0_i32_0 = arith.constant 0 : i32
    %c0_i32_1 = arith.constant 0 : i32
    return %arg0, %c0_i32, %c0_i32_0 : i32, i32, i32
  }
  func.func @transform_4(%arg0: i32) -> (i32, i32, i32) {
    %c0_i32 = arith.constant 0 : i32
    %c0_i32_0 = arith.constant 0 : i32
    %c0_i32_1 = arith.constant 0 : i32
    return %arg0, %c0_i32, %c0_i32_0 : i32, i32, i32
  }
}

module attributes {stable_mosaic.version = 14 : i64} {
  func.func @_stage_c(%arg0: i32, %arg1: memref<1x16x4096xf32, #tpu.memory_space<vmem>>, %arg2: memref<1x1x512xi32, #tpu.memory_space<vmem>>, %arg3: memref<1x16x512xf32, #tpu.memory_space<vmem>>) attributes {dimension_semantics = [#tpu.dimension_semantics<arbitrary>], iteration_bounds = array<i64: 16>, scalar_prefetch = 0 : i64, scratch_operands = 0 : i64, tpu.core_type = #tpu.core_type<tc>, window_params = [{transform_indices = @transform_0, window_bounds = array<i64: 1, 16, 4096>}, {transform_indices = @transform_1, window_bounds = array<i64: 1, 1, 512>}, {transform_indices = @transform_2, window_bounds = array<i64: 1, 16, 512>}]} {
    %get3A = arith.constant 0 : index
    %get3A_0 = arith.constant 0 : index
    %get3A_1 = arith.constant 0 : index
    %get3A_2 = vector.load %arg1[%get3A, %get3A_0, %get3A_1] : memref<1x16x4096xf32, #tpu.memory_space<vmem>>, vector<1x16x4096xf32>
    %get3A_3 = vector.shape_cast %get3A_2 : vector<1x16x4096xf32> to vector<16x4096xf32>
    %get3A_4 = arith.constant 0 : index
    %get3A_5 = arith.constant 0 : index
    %get3A_6 = arith.constant 0 : index
    %get3A_7 = vector.load %arg2[%get3A_4, %get3A_5, %get3A_6] : memref<1x1x512xi32, #tpu.memory_space<vmem>>, vector<1x1x512xi32>
    %get3A_8 = vector.shape_cast %get3A_7 : vector<1x1x512xi32> to vector<1x512xi32>
    %iota3A = tpu.iota {dimensions = array<i32: 0>} : vector<4096x128xi32>
    %slice3A = vector.extract_strided_slice %get3A_8 {offsets = [0, 0], sizes = [1, 128], strides = [1, 1]} : vector<1x512xi32> to vector<1x128xi32>
    %eq3A = vector.broadcast %slice3A : vector<1x128xi32> to vector<4096x128xi32>
    %eq3A_9 = arith.cmpi eq, %iota3A, %eq3A : vector<4096x128xi32>
    %convert_element_type3A = arith.extui %eq3A_9 : vector<4096x128xi1> to vector<4096x128xi32>
    %convert_element_type3A_10 = arith.sitofp %convert_element_type3A : vector<4096x128xi32> to vector<4096x128xf32>
    %convert_element_type3A_11 = arith.truncf %get3A_3 : vector<16x4096xf32> to vector<16x4096xbf16>
    %convert_element_type3A_12 = arith.extf %convert_element_type3A_11 : vector<16x4096xbf16> to vector<16x4096xf32>
    %sub3A = arith.subf %get3A_3, %convert_element_type3A_12 : vector<16x4096xf32>
    %convert_element_type3A_13 = arith.truncf %sub3A : vector<16x4096xf32> to vector<16x4096xbf16>
    %convert_element_type3A_14 = arith.extf %convert_element_type3A_13 : vector<16x4096xbf16> to vector<16x4096xf32>
    %sub3A_15 = arith.subf %sub3A, %convert_element_type3A_14 : vector<16x4096xf32>
    %convert_element_type3A_16 = arith.truncf %sub3A_15 : vector<16x4096xf32> to vector<16x4096xbf16>
    %convert_element_type3A_17 = arith.truncf %convert_element_type3A_10 : vector<4096x128xf32> to vector<4096x128xbf16>
    %dot_general3A = arith.constant dense<0.000000e+00> : vector<16x128xf32>
    %dot_general3A_18 = tpu.matmul %convert_element_type3A_11, %convert_element_type3A_17, %dot_general3A {dimension_numbers = #tpu.dot_dimension_numbers<[1], [0], [0], [1], [0, 0, 1, 1], [], []>, transpose_lhs_hint = false} : vector<16x4096xbf16>, vector<4096x128xbf16>, vector<16x128xf32> -> vector<16x128xf32>
    %dot_general3A_19 = arith.constant dense<0.000000e+00> : vector<16x128xf32>
    %dot_general3A_20 = tpu.matmul %convert_element_type3A_13, %convert_element_type3A_17, %dot_general3A_19 {dimension_numbers = #tpu.dot_dimension_numbers<[1], [0], [0], [1], [0, 0, 1, 1], [], []>, transpose_lhs_hint = false} : vector<16x4096xbf16>, vector<4096x128xbf16>, vector<16x128xf32> -> vector<16x128xf32>
    %add3A = arith.addf %dot_general3A_18, %dot_general3A_20 : vector<16x128xf32>
    %dot_general3A_21 = arith.constant dense<0.000000e+00> : vector<16x128xf32>
    %dot_general3A_22 = tpu.matmul %convert_element_type3A_16, %convert_element_type3A_17, %dot_general3A_21 {dimension_numbers = #tpu.dot_dimension_numbers<[1], [0], [0], [1], [0, 0, 1, 1], [], []>, transpose_lhs_hint = false} : vector<16x4096xbf16>, vector<4096x128xbf16>, vector<16x128xf32> -> vector<16x128xf32>
    %add3A_23 = arith.addf %add3A, %dot_general3A_22 : vector<16x128xf32>
    %swap3A = arith.constant 0 : index
    %swap3A_24 = arith.constant 0 : index
    %swap3A_25 = arith.constant 0 : index
    %swap3A_26 = vector.load %arg3[%swap3A, %swap3A_24, %swap3A_25] : memref<1x16x512xf32, #tpu.memory_space<vmem>>, vector<1x16x128xf32>
    %swap3A_27 = vector.shape_cast %swap3A_26 : vector<1x16x128xf32> to vector<16x128xf32>
    %swap3A_28 = vector.shape_cast %add3A_23 : vector<16x128xf32> to vector<1x16x128xf32>
    tpu.vector_store %arg3[%swap3A, %swap3A_24, %swap3A_25], %swap3A_28 {strides = array<i32>} : memref<1x16x512xf32, #tpu.memory_space<vmem>>, vector<1x16x128xf32>,
    %slice3A_29 = vector.extract_strided_slice %get3A_8 {offsets = [0, 128], sizes = [1, 128], strides = [1, 1]} : vector<1x512xi32> to vector<1x128xi32>
    %eq3A_30 = vector.broadcast %slice3A_29 : vector<1x128xi32> to vector<4096x128xi32>
    %eq3A_31 = arith.cmpi eq, %iota3A, %eq3A_30 : vector<4096x128xi32>
    %convert_element_type3A_32 = arith.extui %eq3A_31 : vector<4096x128xi1> to vector<4096x128xi32>
    %convert_element_type3A_33 = arith.sitofp %convert_element_type3A_32 : vector<4096x128xi32> to vector<4096x128xf32>
    %convert_element_type3A_34 = arith.truncf %get3A_3 : vector<16x4096xf32> to vector<16x4096xbf16>
    %convert_element_type3A_35 = arith.extf %convert_element_type3A_34 : vector<16x4096xbf16> to vector<16x4096xf32>
    %sub3A_36 = arith.subf %get3A_3, %convert_element_type3A_35 : vector<16x4096xf32>
    %convert_element_type3A_37 = arith.truncf %sub3A_36 : vector<16x4096xf32> to vector<16x4096xbf16>
    %convert_element_type3A_38 = arith.extf %convert_element_type3A_37 : vector<16x4096xbf16> to vector<16x4096xf32>
    %sub3A_39 = arith.subf %sub3A_36, %convert_element_type3A_38 : vector<16x4096xf32>
    %convert_element_type3A_40 = arith.truncf %sub3A_39 : vector<16x4096xf32> to vector<16x4096xbf16>
    %convert_element_type3A_41 = arith.truncf %convert_element_type3A_33 : vector<4096x128xf32> to vector<4096x128xbf16>
    %dot_general3A_42 = arith.constant dense<0.000000e+00> : vector<16x128xf32>
    %dot_general3A_43 = tpu.matmul %convert_element_type3A_34, %convert_element_type3A_41, %dot_general3A_42 {dimension_numbers = #tpu.dot_dimension_numbers<[1], [0], [0], [1], [0, 0, 1, 1], [], []>, transpose_lhs_hint = false} : vector<16x4096xbf16>, vector<4096x128xbf16>, vector<16x128xf32> -> vector<16x128xf32>
    %dot_general3A_44 = arith.constant dense<0.000000e+00> : vector<16x128xf32>
    %dot_general3A_45 = tpu.matmul %convert_element_type3A_37, %convert_element_type3A_41, %dot_general3A_44 {dimension_numbers = #tpu.dot_dimension_numbers<[1], [0], [0], [1], [0, 0, 1, 1], [], []>, transpose_lhs_hint = false} : vector<16x4096xbf16>, vector<4096x128xbf16>, vector<16x128xf32> -> vector<16x128xf32>
    %add3A_46 = arith.addf %dot_general3A_43, %dot_general3A_45 : vector<16x128xf32>
    %dot_general3A_47 = arith.constant dense<0.000000e+00> : vector<16x128xf32>
    %dot_general3A_48 = tpu.matmul %convert_element_type3A_40, %convert_element_type3A_41, %dot_general3A_47 {dimension_numbers = #tpu.dot_dimension_numbers<[1], [0], [0], [1], [0, 0, 1, 1], [], []>, transpose_lhs_hint = false} : vector<16x4096xbf16>, vector<4096x128xbf16>, vector<16x128xf32> -> vector<16x128xf32>
    %add3A_49 = arith.addf %add3A_46, %dot_general3A_48 : vector<16x128xf32>
    %swap3A_50 = arith.constant 0 : index
    %swap3A_51 = arith.constant 0 : index
    %swap3A_52 = arith.constant 128 : index
    %swap3A_53 = vector.load %arg3[%swap3A_50, %swap3A_51, %swap3A_52] : memref<1x16x512xf32, #tpu.memory_space<vmem>>, vector<1x16x128xf32>
    %swap3A_54 = vector.shape_cast %swap3A_53 : vector<1x16x128xf32> to vector<16x128xf32>
    %swap3A_55 = vector.shape_cast %add3A_49 : vector<16x128xf32> to vector<1x16x128xf32>
    tpu.vector_store %arg3[%swap3A_50, %swap3A_51, %swap3A_52], %swap3A_55 {strides = array<i32>} : memref<1x16x512xf32, #tpu.memory_space<vmem>>, vector<1x16x128xf32>,
    %slice3A_56 = vector.extract_strided_slice %get3A_8 {offsets = [0, 256], sizes = [1, 128], strides = [1, 1]} : vector<1x512xi32> to vector<1x128xi32>
    %eq3A_57 = vector.broadcast %slice3A_56 : vector<1x128xi32> to vector<4096x128xi32>
    %eq3A_58 = arith.cmpi eq, %iota3A, %eq3A_57 : vector<4096x128xi32>
    %convert_element_type3A_59 = arith.extui %eq3A_58 : vector<4096x128xi1> to vector<4096x128xi32>
    %convert_element_type3A_60 = arith.sitofp %convert_element_type3A_59 : vector<4096x128xi32> to vector<4096x128xf32>
    %convert_element_type3A_61 = arith.truncf %get3A_3 : vector<16x4096xf32> to vector<16x4096xbf16>
    %convert_element_type3A_62 = arith.extf %convert_element_type3A_61 : vector<16x4096xbf16> to vector<16x4096xf32>
    %sub3A_63 = arith.subf %get3A_3, %convert_element_type3A_62 : vector<16x4096xf32>
    %convert_element_type3A_64 = arith.truncf %sub3A_63 : vector<16x4096xf32> to vector<16x4096xbf16>
    %convert_element_type3A_65 = arith.extf %convert_element_type3A_64 : vector<16x4096xbf16> to vector<16x4096xf32>
    %sub3A_66 = arith.subf %sub3A_63, %convert_element_type3A_65 : vector<16x4096xf32>
    %convert_element_type3A_67 = arith.truncf %sub3A_66 : vector<16x4096xf32> to vector<16x4096xbf16>
    %convert_element_type3A_68 = arith.truncf %convert_element_type3A_60 : vector<4096x128xf32> to vector<4096x128xbf16>
    %dot_general3A_69 = arith.constant dense<0.000000e+00> : vector<16x128xf32>
    %dot_general3A_70 = tpu.matmul %convert_element_type3A_61, %convert_element_type3A_68, %dot_general3A_69 {dimension_numbers = #tpu.dot_dimension_numbers<[1], [0], [0], [1], [0, 0, 1, 1], [], []>, transpose_lhs_hint = false} : vector<16x4096xbf16>, vector<4096x128xbf16>, vector<16x128xf32> -> vector<16x128xf32>
    %dot_general3A_71 = arith.constant dense<0.000000e+00> : vector<16x128xf32>
    %dot_general3A_72 = tpu.matmul %convert_element_type3A_64, %convert_element_type3A_68, %dot_general3A_71 {dimension_numbers = #tpu.dot_dimension_numbers<[1], [0], [0], [1], [0, 0, 1, 1], [], []>, transpose_lhs_hint = false} : vector<16x4096xbf16>, vector<4096x128xbf16>, vector<16x128xf32> -> vector<16x128xf32>
    %add3A_73 = arith.addf %dot_general3A_70, %dot_general3A_72 : vector<16x128xf32>
    %dot_general3A_74 = arith.constant dense<0.000000e+00> : vector<16x128xf32>
    %dot_general3A_75 = tpu.matmul %convert_element_type3A_67, %convert_element_type3A_68, %dot_general3A_74 {dimension_numbers = #tpu.dot_dimension_numbers<[1], [0], [0], [1], [0, 0, 1, 1], [], []>, transpose_lhs_hint = false} : vector<16x4096xbf16>, vector<4096x128xbf16>, vector<16x128xf32> -> vector<16x128xf32>
    %add3A_76 = arith.addf %add3A_73, %dot_general3A_75 : vector<16x128xf32>
    %swap3A_77 = arith.constant 0 : index
    %swap3A_78 = arith.constant 0 : index
    %swap3A_79 = arith.constant 256 : index
    %swap3A_80 = vector.load %arg3[%swap3A_77, %swap3A_78, %swap3A_79] : memref<1x16x512xf32, #tpu.memory_space<vmem>>, vector<1x16x128xf32>
    %swap3A_81 = vector.shape_cast %swap3A_80 : vector<1x16x128xf32> to vector<16x128xf32>
    %swap3A_82 = vector.shape_cast %add3A_76 : vector<16x128xf32> to vector<1x16x128xf32>
    tpu.vector_store %arg3[%swap3A_77, %swap3A_78, %swap3A_79], %swap3A_82 {strides = array<i32>} : memref<1x16x512xf32, #tpu.memory_space<vmem>>, vector<1x16x128xf32>,
    %slice3A_83 = vector.extract_strided_slice %get3A_8 {offsets = [0, 384], sizes = [1, 128], strides = [1, 1]} : vector<1x512xi32> to vector<1x128xi32>
    %eq3A_84 = vector.broadcast %slice3A_83 : vector<1x128xi32> to vector<4096x128xi32>
    %eq3A_85 = arith.cmpi eq, %iota3A, %eq3A_84 : vector<4096x128xi32>
    %convert_element_type3A_86 = arith.extui %eq3A_85 : vector<4096x128xi1> to vector<4096x128xi32>
    %convert_element_type3A_87 = arith.sitofp %convert_element_type3A_86 : vector<4096x128xi32> to vector<4096x128xf32>
    %convert_element_type3A_88 = arith.truncf %get3A_3 : vector<16x4096xf32> to vector<16x4096xbf16>
    %convert_element_type3A_89 = arith.extf %convert_element_type3A_88 : vector<16x4096xbf16> to vector<16x4096xf32>
    %sub3A_90 = arith.subf %get3A_3, %convert_element_type3A_89 : vector<16x4096xf32>
    %convert_element_type3A_91 = arith.truncf %sub3A_90 : vector<16x4096xf32> to vector<16x4096xbf16>
    %convert_element_type3A_92 = arith.extf %convert_element_type3A_91 : vector<16x4096xbf16> to vector<16x4096xf32>
    %sub3A_93 = arith.subf %sub3A_90, %convert_element_type3A_92 : vector<16x4096xf32>
    %convert_element_type3A_94 = arith.truncf %sub3A_93 : vector<16x4096xf32> to vector<16x4096xbf16>
    %convert_element_type3A_95 = arith.truncf %convert_element_type3A_87 : vector<4096x128xf32> to vector<4096x128xbf16>
    %dot_general3A_96 = arith.constant dense<0.000000e+00> : vector<16x128xf32>
    %dot_general3A_97 = tpu.matmul %convert_element_type3A_88, %convert_element_type3A_95, %dot_general3A_96 {dimension_numbers = #tpu.dot_dimension_numbers<[1], [0], [0], [1], [0, 0, 1, 1], [], []>, transpose_lhs_hint = false} : vector<16x4096xbf16>, vector<4096x128xbf16>, vector<16x128xf32> -> vector<16x128xf32>
    %dot_general3A_98 = arith.constant dense<0.000000e+00> : vector<16x128xf32>
    %dot_general3A_99 = tpu.matmul %convert_element_type3A_91, %convert_element_type3A_95, %dot_general3A_98 {dimension_numbers = #tpu.dot_dimension_numbers<[1], [0], [0], [1], [0, 0, 1, 1], [], []>, transpose_lhs_hint = false} : vector<16x4096xbf16>, vector<4096x128xbf16>, vector<16x128xf32> -> vector<16x128xf32>
    %add3A_100 = arith.addf %dot_general3A_97, %dot_general3A_99 : vector<16x128xf32>
    %dot_general3A_101 = arith.constant dense<0.000000e+00> : vector<16x128xf32>
    %dot_general3A_102 = tpu.matmul %convert_element_type3A_94, %convert_element_type3A_95, %dot_general3A_101 {dimension_numbers = #tpu.dot_dimension_numbers<[1], [0], [0], [1], [0, 0, 1, 1], [], []>, transpose_lhs_hint = false} : vector<16x4096xbf16>, vector<4096x128xbf16>, vector<16x128xf32> -> vector<16x128xf32>
    %add3A_103 = arith.addf %add3A_100, %dot_general3A_102 : vector<16x128xf32>
    %swap3A_104 = arith.constant 0 : index
    %swap3A_105 = arith.constant 0 : index
    %swap3A_106 = arith.constant 384 : index
    %swap3A_107 = vector.load %arg3[%swap3A_104, %swap3A_105, %swap3A_106] : memref<1x16x512xf32, #tpu.memory_space<vmem>>, vector<1x16x128xf32>
    %swap3A_108 = vector.shape_cast %swap3A_107 : vector<1x16x128xf32> to vector<16x128xf32>
    %swap3A_109 = vector.shape_cast %add3A_103 : vector<16x128xf32> to vector<1x16x128xf32>
    tpu.vector_store %arg3[%swap3A_104, %swap3A_105, %swap3A_106], %swap3A_109 {strides = array<i32>} : memref<1x16x512xf32, #tpu.memory_space<vmem>>, vector<1x16x128xf32>,
    return
  }
  func.func @transform_0(%arg0: i32) -> (i32, i32, i32) {
    %c0_i32 = arith.constant 0 : i32
    %c0_i32_0 = arith.constant 0 : i32
    %c0_i32_1 = arith.constant 0 : i32
    return %arg0, %c0_i32, %c0_i32_0 : i32, i32, i32
  }
  func.func @transform_1(%arg0: i32) -> (i32, i32, i32) {
    %c0_i32 = arith.constant 0 : i32
    %c0_i32_0 = arith.constant 0 : i32
    %c0_i32_1 = arith.constant 0 : i32
    return %arg0, %c0_i32, %c0_i32_0 : i32, i32, i32
  }
  func.func @transform_2(%arg0: i32) -> (i32, i32, i32) {
    %c0_i32 = arith.constant 0 : i32
    %c0_i32_0 = arith.constant 0 : i32
    %c0_i32_1 = arith.constant 0 : i32
    return %arg0, %c0_i32, %c0_i32_0 : i32, i32, i32
  }
}

</mosaic_0001>

<sc_bundles>
// kernel: kernel.5.cloned.1.call-start
scs
__scs_entry_jumppad:
0x0: {  	(pc) =	sbr.rel $0x88, $3  }
0x1: {  	(tag) =	ssettag $0x0;
	lr =	simm.s32 $0x1  }
0x2: {  	[smem:$0x3F9E] =	sst lr;
	_ =	strace $0xD0000000  }
0x3: {  	_ = 	snop  }
0x4: {  	_ = 	snop  }
0x5: {  	_ = 	snop  }
0x6: {  	_ = 	snop  }
0x7: {  	_ = 	snop  }
__scs_overlays_trampoline_lowered:
0x8: {  	[smem:$0x3FAD] =	sst s0  }
0x9: {  	[smem:$0x3FAE] =	sst s1  }
0xa: {  	[smem:$0x3FAF] =	sst s2  }
0xb: {  	[smem:$0x3FB0] =	sst s3  }
0xc: {  	[smem:$0x3FB1] =	sst s4  }
0xd: {  	[smem:$0x3FB2] =	sst s5  }
0xe: {  	[smem:$0x3FB3] =	sst s6  }
0xf: {  	[smem:$0x3FB4] =	sst s7  }
0x10: {  	[smem:$0x3FB5] =	sst s8  }
0x11: {  	[smem:$0x3FB6] =	sst s9;
	s0 =	simm.s32 @!p0 $0x0  }
0x12: {  	s1 =	sld [smem:$0x3F9C];
	s0 =	simm.s32 @p0 $0x1  }
0x13: {  	[smem:$0x3FB7] =	sst s0;
	s0 =	simm.s32 @!p1 $0x0  }
0x14: {  	s2 =	sld [smem:$0x3F9B];
	s0 =	simm.s32 @p1 $0x1  }
0x15: {  	[smem:$0x3FB8] =	sst s0;
	s0 =	simm.s32 @!p2 $0x0  }
0x16: {  	s3 =	sld [smem:$0x3FDB];
	s0 =	simm.s32 @p2 $0x1  }
0x17: {  	s4 =	simm.s32 $0x1BF5;
	[smem:$0x3FBA] =	sst s0  }
0x18: {  	s0 =	sld [smem:$0x3F9D];
	_ =	swait.ge [sflag:s4], $0x0  }
0x19: {  	s7 =	sld [smem:$0x3F9E]  }
0x1a: {  	s8 =	sadd.s32 $0xFFFFE003, lr  }
0x1b: {  	s9 =	sadd.s32 $0xFFFFFEF7, lr;
	s5 =	simm.s32 $0xFFFFFFFF;
	p2 =	slt.u32 s8, $0xFFFFF086  }
0x1c: {  	p1 =	slt.u32 s9, $0xF7A;
	s5 =	simm.s32 @!p2 $0x0  }
0x1d: {  	s5 =	simm.s32 @p1 $0x1;
	p0 =	seq.s32 s7, s2  }
0x1e: {  	s7 =	smul.u32 @!p0 $0xF7A, s2;
	p2 =	seq.s32 @!p0 s5, $0x0  }
0x1f: {  	s9 =	smul.u32 $0xF7A, s1;
	s8 =	simm.s32 @!p0 $0x1BF5;
	p2 =	por !p2, p0  }
0x20: {  	[sflag:s8] =	ssyncset.s32 @!p0 $0xFFFFF086;
	s6 =	sadd.s32 @!p0 s3, s7;
	s7 =	simm.s32 @!p0 $0x108  }
0x21: {  	s3 =	sadd.s32 s3, s9;
	s6 =	sadd.s32 @!p0 $0x88, s6;
	s7 =	simm.s32 @p2 $0x1082  }
0x22: {  	[simem:s7], [sflag:s8] =	dma.local @!p0 [hbm:s6], $0xF7A  }
0x23: {  	s9 =	sor.u32 $0xD0000000, s2;
	s6 =	simm.s32 $0x108;
	_ =	swait.ge @!p0 [sflag:s8], $0x0  }
0x24: {  	s3 =	sadd.s32 $0x88, s3;
	s6 =	simm.s32 @!p1 $0x1082;
	[sflag:s4] =	ssyncset.s32 $0xFFFFF086  }
0x25: {  	[simem:s6], [sflag:s4] =	dma.local [hbm:s3], $0xF7A  }
0x26: {  	[smem:$0x3F9E] =	sst s1;
	(tag) =	ssettag s2;
	_ =	strace s9  }
0x27: {  	s1 =	sld [smem:$0x3FAE]  }
0x28: {  	s2 =	sld [smem:$0x3FAF]  }
0x29: {  	s4 =	sld [smem:$0x3FB1]  }
0x2a: {  	p0 =	seq.s32 s5, $0x0;
	s5 =	sld [smem:$0x3FB2]  }
0x2b: {  	s6 =	sld [smem:$0x3FB3]  }
0x2c: {  	s7 =	sld [smem:$0x3FB4]  }
0x2d: {  	s3 =	simm.s32 $0x108;
	s8 =	sld [smem:$0x3FB5]  }
0x2e: {  	s3 =	simm.s32 @!p0 $0x1082;
	s9 =	sld [smem:$0x3FB6]  }
0x2f: {  	lr =	sadd.s32 s0, s3;
	s0 =	sld [smem:$0x3FAD]  }
0x30: {  	s3 =	sld [smem:$0x3FB0]  }
0x31: {  	[smem:$0x3FB9] =	sst s10  }
0x32: {  	s10 =	sld [smem:$0x3FB7];
	_ =	sdelay $0x3  }
0x33: {  	p0 =	seq.s32 s10, $0x1;
	s10 =	sld [smem:$0x3FB9];
	_ =	sdelay $0x3  }
0x34: {  	[smem:$0x3FB9] =	sst s10  }
0x35: {  	s10 =	sld [smem:$0x3FB8];
	_ =	sdelay $0x3  }
0x36: {  	p1 =	seq.s32 s10, $0x1;
	s10 =	sld [smem:$0x3FB9];
	_ =	sdelay $0x3  }
0x37: {  	[smem:$0x3FB9] =	sst s10  }
0x38: {  	s10 =	sld [smem:$0x3FBA]  }
0x39: {  	_ = 	snop;
	(pc) =	sbr.ind lr, $3  }
0x3a: {  	_ = 	snop  }
0x3b: {  	_ = 	snop  }
0x3c: {  	p2 =	seq.s32 s10, $0x1;
	s10 =	sld [smem:$0x3FB9]  }
0x3d: {  	_ =	shalt  }
0x3e: {  	_ =	shalt  }
0x3f: {  	_ =	shalt  }
0x40: {  	_ =	shalt  }
0x41: {  	_ =	shalt  }
0x42: {  	_ =	shalt  }
0x43: {  	_ =	shalt  }
0x44: {  	_ =	shalt  }
0x45: {  	_ =	shalt  }
0x46: {  	_ =	shalt  }
0x47: {  	_ =	shalt  }
0x48: {  	_ =	shalt  }
0x49: {  	_ =	shalt  }
0x4a: {  	_ =	shalt  }
0x4b: {  	_ =	shalt  }
0x4c: {  	_ =	shalt  }
0x4d: {  	_ =	shalt  }
0x4e: {  	_ =	shalt  }
0x4f: {  	_ =	shalt  }
0x50: {  	_ =	shalt  }
0x51: {  	_ =	shalt  }
0x52: {  	_ =	shalt  }
0x53: {  	_ =	shalt  }
0x54: {  	_ =	shalt  }
0x55: {  	_ =	shalt  }
0x56: {  	_ =	shalt  }
0x57: {  	_ =	shalt  }
0x58: {  	_ =	shalt  }
0x59: {  	_ =	shalt  }
0x5a: {  	_ =	shalt  }
0x5b: {  	_ =	shalt  }
0x5c: {  	_ =	shalt  }
0x5d: {  	_ =	shalt  }
0x5e: {  	_ =	shalt  }
0x5f: {  	_ =	shalt  }
0x60: {  	_ =	shalt  }
0x61: {  	_ =	shalt  }
0x62: {  	_ =	shalt  }
0x63: {  	_ =	shalt  }
0x64: {  	_ =	shalt  }
0x65: {  	_ =	shalt  }
0x66: {  	_ =	shalt  }
0x67: {  	_ =	shalt  }
0x68: {  	_ =	shalt  }
0x69: {  	_ =	shalt  }
0x6a: {  	_ =	shalt  }
0x6b: {  	_ =	shalt  }
0x6c: {  	_ =	shalt  }
0x6d: {  	_ =	shalt  }
0x6e: {  	_ =	shalt  }
0x6f: {  	_ =	shalt  }
0x70: {  	_ =	shalt  }
0x71: {  	_ =	shalt  }
0x72: {  	_ =	shalt  }
0x73: {  	_ =	shalt  }
0x74: {  	_ =	shalt  }
0x75: {  	_ =	shalt  }
0x76: {  	_ =	shalt  }
0x77: {  	_ =	shalt  }
0x78: {  	_ =	shalt  }
0x79: {  	_ =	shalt  }
0x7a: {  	_ =	shalt  }
0x7b: {  	_ =	shalt  }
0x7c: {  	_ =	shalt  }
0x7d: {  	_ =	shalt  }
0x7e: {  	_ =	shalt  }
0x7f: {  	_ =	shalt  }
0x80: {  	_ =	shalt  }
0x81: {  	_ =	shalt  }
0x82: {  	_ =	shalt  }
0x83: {  	_ =	shalt  }
0x84: {  	_ =	shalt  }
0x85: {  	_ =	shalt  }
0x86: {  	_ =	shalt  }
0x87: {  	_ =	shalt  }
.Lfunc_end0:
.L_simem_size_0:
called_computation_lowered:
.L_overlay_start_0:
0x88: {  	s2 =	sld [smem:$0x3FD9]  }
0x89: {  	s3 =	sld [smem:$0x3FFE];
	_ =	sdelay $0x1  }
0x8a: {  	s1 =	srdreg.scid  }
0x8b: {  	s0 =	sand.u32 $0x1, s1  }
0x8c: {  	s14 =	sshll.u32 s0, $0xA;
	s2 =	sadd.s32 s3, s2  }
0x8d: {  	s2 =	sadd.s32 s2, s14  }
0x8e: {  	[smem:$0x3FC5] =	sst s2  }
0x8f: {  	_ = 	snop  }
0x90: {  	s2 =	sld [smem:$0x3FD0];
	_ =	sdelay $0x2  }
0x91: {  	s15 =	simm.s32 $0xA;
	s4 =	simm.s32 $0x10  }
0x92: {  	[smem:s4], [sflag:s15] =	dma.local [hbm:s2], $0x1  }
0x93: {  	_ =	swait.eq [sflag:s15], $0x1  }
0x94: {  	[sflag:s15] =	ssyncset.done $0x0  }
0x95: {  	[sflag:s15] =	ssyncadd.s32 $0xFFFFFFFF  }
0x96: {  	s16 =	sld [smem:$0x10];
	(tm) =	ssettm $0x1  }
0x97: {  	s17 =	sld [smem:$0x3FFB];
	_ =	sdelay $0x3  }
0x98: {  	_ =	strace s17  }
0x99: {  	s3 =	sld [smem:$0x3FFC];
	_ =	sdelay $0x3  }
0x9a: {  	_ =	strace s3  }
0x9b: {  	s3 =	sld [smem:$0x3FFD];
	_ =	sdelay $0x3  }
0x9c: {  	_ =	strace s3  }
0x9d: {  	_ =	strace $0x8FFFFFFF  }
0x9e: {  	s18 =	sld [smem:$0x3FDB];
	_ =	sdelay $0x1  }
0x9f: {  	s19 =	simm.s32 $_scs_section_size  }
0xa0: {  	s5 =	simm.s32 $_size__tile_overlayer_lowered;
	s6 =	simm.s32 $_tile_overlayer_lowered  }
0xa1: {  	s22 =	simm.s32 $0x1BFF;
	s21 =	sshll.u32 s6, $0x1;
	s3 =	sadd.s32 s19, s18  }
0xa2: {  	s7 =	simm.s32 $0x0;
	s20 =	sshll.u32 s5, $0x1;
	s5 =	sadd.s32 s21, s3  }
0xa3: {  	[timem:s7], [sflag:s22] =	dma.local [hbm:s5], s20  }
0xa4: {  	_ =	swait.ge [sflag:s22], s20  }
0xa5: {  	s4 =	ssub.s32 $0x0, s20;
	[sflag:s22] =	ssyncset.done $0x0  }
0xa6: {  	[sflag:s22] =	ssyncadd.s32 s4;
	_ =	sdelay $0x1  }
0xa7: {  	s23 =	simm.s32 $0x1B8B  }
0xa8: {  	_ =	swait.ge [sflag:s23], $0x1  }
0xa9: {  	[sflag:s23] =	ssyncset.done $0x0  }
0xaa: {  	s25 =	simm.s32 $0x1B8E;
	s24 =	sld [smem:$0x3FFE];
	[sflag:s23] =	ssyncadd.s32 $0xFFFFFFFF  }
0xab: {  	s26 =	simm.s32 $execute0_lowered;
	[smem:$0x3FD2] =	sst s25  }
0xac: {  	s5 =	sshll.u32 s26, $0x1;
	_ =	strace $0x80000046;
	[dreg:$0x1] =	wrdreg $0xFFFFFFFF  }
0xad: {  	s28 =	simm.s32 $_size_execute0_lowered;
	s3 =	sadd.s32 s3, s5;
	[dreg:$0x0] =	wrdreg $0x0  }
0xae: {  	s5 =	sshll.u32 s28, $0x1;
	[dreg:$0x2] =	wrdreg s3  }
0xaf: {  	[dreg:$0x3] =	wrdreg s5  }
0xb0: {  	[dreg:$0x4] =	wrdreg $0xC0  }
0xb1: {  	_ =	task [dreg:s7], $0x5FFFF  }
0xb2: {  	[dreg:$0x1] =	wrdreg $0xFFFFFFFF  }
0xb3: {  	[dreg:$0x0] =	wrdreg $0x60  }
0xb4: {  	[dreg:$0x2] =	wrdreg s24  }
0xb5: {  	[dreg:$0x3] =	wrdreg s16  }
0xb6: {  	[dreg:$0x4] =	wrdreg $0x9  }
0xb7: {  	_ =	task.clear_ibuf [dreg:s7], $0x5FFFF;
	_ =	strace $0x90000046  }
0xb8: {  	s29 =	simm.s32 $0x9;
	_ =	strace $0x80000048  }
0xb9: {  	_ =	swait.ge [sflag:s29], $0x1  }
0xba: {  	[sflag:s29] =	ssyncadd.s32 $0xFFFFFFFF  }
0xbb: {  	_ =	strace $0x90000048  }
0xbc: {  	_ =	sfence  }
0xbd: {  	s30 =	sld [smem:$0x0];
	_ =	sdelay $0x2  }
0xbe: {  	s31 =	sshll.u32 s1, $0xD;
	s1 =	sshrl.u32 s1, $0x2  }
0xbf: {  	s3 =	sand.u32 $0x4000, s31;
	s1 =	sadd.s32 s1, s30  }
0xc0: {  	s0 =	sor.u32 s3, s0;
	s1 =	sshll.u32 s1, $0x11  }
0xc1: {  	s0 =	sor.u32 s1, s0  }
0xc2: {  	s0 =	sadd.s32 $0x8F2B, s0  }
0xc3: {  	[sflag:s0] =	ssyncadd.remote.s32 $0x1  }
0xc4: {  	_ =	sfence.sel $0xFFFF  }
0xc5: {  	[dreg:$0x0] =	wrdreg $0xFFFFFFFF;
	(pc) =	sbr.abs _section_cstart, $3  }
0xc6: {  	[dreg:$0x1] =	wrdreg $0xFFFFFFFF  }
0xc7: {  	_ =	task.clear_ibuf [dreg:s7], $0x2FFFF;
	_ =	strace $0x9FFFFFFF  }
0xc8: {  	(tm) =	ssettm $0x7FFFFFFF  }
0xc9: {  	_ =	shalt  }
tec
execute0_lowered:
.L_overlay_start_1:
0x0: {  	(tag) =	ssettag $0x1  }
0x1: {  	s3 =	rddreg [dreg:$0x0]  }
0x2: {  	s4 =	rddreg [dreg:$0x1]  }
0x3: {  	s0 =	rddreg [dreg:$0x2]  }
0x4: {  	s5 =	srdreg.scid;
	s1 =	stileid.u32  }
0x5: {  	s2 =	simm.s32 $0x0;
	s9 =	simm.s32 $0x4000;
	s10 =	simm.s32 $0x2000  }
0x6: {  	s11 =	simm.s32 $0x1000;
	s12 =	simm.s32 $0x3000;
	s13 =	simm.s32 $0x0  }
0x7: {  	s5 =	sand.u32 $0x1, s5;
	s6 =	sshll.u32 s1, $0x8;
	s7 =	sshrl.u32 s1, $0x2  }
0x8: {  	[smem:$0x7FF] =	sst s2;
	s8 =	sshll.u32 s5, $0x7;
	s6 =	sand.u32 $0x300, s6  }
0x9: {  	s30 =	sshll.u32 s7, $0xF;
	_ =	strace $0x80000047;
	s5 =	ssub.s32 $0x2, s5  }
0xa: {  	s7 =	sshll.u32 s7, $0xC;
	s6 =	sor.u32 s8, s6;
	s31 =	sshrl.u32 s5, $0x1  }
0xb: {  	s8 =	sor.u32 s30, s6;
	s6 =	sor.u32 s7, s6;
	s5 =	ssub.s32 s5, s31  }
0xc: {  	v0 =	vlaneseq.u32;
	s7 =	simm.s32 $0x400;
	s8 =	sshrl.u32 s8, $0x3;
	s6 =	sshrl.u32 s6, $0x3  }
0xd: {  	v2 =	vmul.u32 $0x100, v0;
	s5 =	smax.u32 s5, $0x1;
	s3 =	sadd.s32 s8, s3;
	s4 =	sadd.s32 s4, s6  }
0xe: {  	v1 =	vimm.s32 $0x0;
	v3 =	vimm.s32 $0x1;
	s6 =	simm.s32 $0x80;
	s8 =	simm.s32 $0x1;
	s3 =	sadd.s32 $0xA00, s3  }
.LBB2_1:
0xf: {  	[tilespmem:s2], [sflag:$0x1] =	stream.strided.gather [hbm4b:s3+s6], $0x1000, s7, s6, $0x38;
	[tilespmem:$0x5000] =	vst v63  }
0x10: {  	_ =	swait.ge [sflag:s8], $0x1000  }
0x11: {  	s15 =	simm.s32 $0x60;
	[sflag:s8] =	ssyncset.done $0x0  }
0x12: {  	s14 =	simm.s32 $0x2040;
	s16 =	simm.s32 $0x0;
	v4 =	vor.u32 s15, v0;
	[sflag:s8] =	ssyncadd.s32 $0xFFFFF000  }
0x13: {  	s26 =	simm.s32 $0x10;
	v5 =	vor.u32 s16, v0;
	[tilespmem:s14+$0x20] =	vst v4  }
0x14: {  	s28 =	simm.s32 $0x20;
	[tilespmem:s14+$0xFFFFFFC0] =	vst v5;
	v4 =	vor.u32 s26, v0  }
0x15: {  	s29 =	simm.s32 $0x30;
	[tilespmem:s14+$0xFFFFFFD0] =	vst v4;
	v4 =	vor.u32 s28, v0  }
0x16: {  	s30 =	simm.s32 $0x40;
	[tilespmem:s14+$0xFFFFFFE0] =	vst v4;
	v4 =	vor.u32 s29, v0  }
0x17: {  	s31 =	simm.s32 $0x50;
	[tilespmem:s14+$0xFFFFFFF0] =	vst v4;
	v4 =	vor.u32 s30, v0  }
0x18: {  	s18 =	simm.s32 $0x70;
	[tilespmem:s14+$0x0] =	vst v4;
	v4 =	vor.u32 s31, v0  }
0x19: {  	s17 =	simm.s32 $0xE0;
	s15 =	simm.s32 $0xF0;
	s16 =	simm.s32 $0x170;
	[tilespmem:s14+$0x10] =	vst v4;
	v4 =	vor.u32 s18, v0  }
.LBB2_2:
0x1a: {  	p0 =	sne.s32 s16, $0xFF0;
	s18 =	sadd.s32 $0xFFFFFF90, s15;
	v5 =	vor.u32 s17, v0;
	[tilespmem:s14+$0x30] =	vst v4;
	s14 =	sadd.s32 $0x80, s14  }
0x1b: {  	s17 =	sadd.s32 $0xFFFFFFA0, s15;
	v4 =	vor.u32 s18, v0;
	[tilespmem:s14+$0x20] =	vst v5  }
0x1c: {  	[tilespmem:s14+$0xFFFFFFC0] =	vst v4;
	v4 =	vor.u32 s17, v0;
	s17 =	sadd.s32 $0xFFFFFFB0, s15  }
.Ltmp0:
0x1d: {  	[tilespmem:s14+$0xFFFFFFD0] =	vst v4;
	v4 =	vor.u32 s17, v0;
	s17 =	sadd.s32 $0xFFFFFFC0, s15;
	(pc) =	sbr.rel @p0 .LBB2_2-.Ltmp0, $4  }
0x1e: {  	[tilespmem:s14+$0xFFFFFFE0] =	vst v4;
	v4 =	vor.u32 s17, v0;
	s17 =	sadd.s32 $0xFFFFFFD0, s15  }
0x1f: {  	[tilespmem:s14+$0xFFFFFFF0] =	vst v4;
	v4 =	vor.u32 s17, v0;
	s17 =	sadd.s32 $0xFFFFFFE0, s15  }
0x20: {  	[tilespmem:s14+$0x0] =	vst v4;
	v4 =	vor.u32 s17, v0  }
0x21: {  	s17 =	sadd.s32 $0xFFFFFFF0, s16;
	[tilespmem:s14+$0x10] =	vst v4;
	v4 =	vor.u32 s15, v0;
	s15 =	smov.u32 s16;
	s16 =	sadd.s32 $0x80, s16  }
0x22: {  	s16 =	sadd.s32 $0xFFFFFF90, s15;
	v5 =	vor.u32 s17, v0;
	[tilespmem:s14+$0x30] =	vst v4;
	s25 =	sadd.s32 $0x80, s14  }
0x23: {  	s26 =	sadd.s32 $0xFFFFFFA0, s15;
	v4 =	vor.u32 s16, v0;
	[tilespmem:s25+$0x20] =	vst v5  }
0x24: {  	s28 =	sadd.s32 $0xFFFFFFB0, s15;
	[tilespmem:s25+$0xFFFFFFC0] =	vst v4;
	v4 =	vor.u32 s26, v0  }
0x25: {  	s29 =	sadd.s32 $0xFFFFFFC0, s15;
	p0 =	por $0x1, $0x1;
	[tilespmem:s25+$0xFFFFFFD0] =	vst v4;
	v4 =	vor.u32 s28, v0  }
.Ltmp1:
0x26: {  	s30 =	sadd.s32 $0xFFFFFFD0, s15;
	[tilespmem:s25+$0xFFFFFFE0] =	vst v4;
	v4 =	vor.u32 s29, v0;
	(pc) =	sbr.rel @!p0 .LBB2_5-.Ltmp1, $4  }
0x27: {  	s31 =	sadd.s32 $0xFFFFFFE0, s15;
	[tilespmem:s25+$0xFFFFFFF0] =	vst v4;
	v4 =	vor.u32 s30, v0  }
0x28: {  	[tilespmem:s25+$0x0] =	vst v4;
	v4 =	vor.u32 s31, v0  }
0x29: {  	[tilespmem:s25+$0x10] =	vst v4;
	v4 =	vor.u32 s15, v0  }
0x2a: {  	s14 =	simm.s32 $0x0;
	s16 =	simm.s32 $0x200;
	s15 =	simm.s32 $0x0;
	[tilespmem:s25+$0x30] =	vst v4  }
.LBB2_4:
0x2b: {  	p0 =	sne.s32 s16, $0x3E00;
	[tilespmem:s14+$0x4070] =	vst v1  }
0x2c: {  	[tilespmem:s14+$0x4000] =	vst v1  }
0x2d: {  	[tilespmem:s14+$0x4010] =	vst v1  }
.Ltmp2:
0x2e: {  	[tilespmem:s14+$0x4020] =	vst v1;
	(pc) =	sbr.rel @p0 .LBB2_4-.Ltmp2, $4  }
0x2f: {  	[tilespmem:s14+$0x4030] =	vst v1  }
0x30: {  	[tilespmem:s14+$0x4040] =	vst v1  }
0x31: {  	[tilespmem:s14+$0x4050] =	vst v1  }
0x32: {  	[tilespmem:s14+$0x4060] =	vst v1;
	s14 =	sshra.s32 s16, $0x2;
	s16 =	sadd.s32 $0x200, s16  }
.LBB2_5:
0x33: {  	[tilespmem:s14+$0x4070] =	vst v1  }
0x34: {  	[tilespmem:s14+$0x4000] =	vst v1  }
0x35: {  	[tilespmem:s14+$0x4010] =	vst v1  }
0x36: {  	[tilespmem:s14+$0x4020] =	vst v1  }
0x37: {  	[tilespmem:s14+$0x4030] =	vst v1  }
0x38: {  	[tilespmem:s14+$0x4040] =	vst v1  }
0x39: {  	[tilespmem:s14+$0x4050] =	vst v1  }
0x3a: {  	[tilespmem:s14+$0x4060] =	vst v1  }
.LBB2_6:
0x3b: {  	v4 =	vor.u32 s15, v2;
	_ =	sdelay $0x3  }
0x3c: {  	s14 =	simm.s32 $0x0  }
0x3d: {  	v4 =	vld.idx.msk [tilespmem:v4+s14+$0x0], $0xffff;
	_ =	sdelay $0x4  }
0x3e: {  	v4 =	vshll.u32 v4, $0x4  }
0x3f: {  	v4 =	vor.u32 v0, v4  }
0x40: {  	s16 =	sadd.s32 $0x1, s15;
	v4 =	vand.u32 $0xFFF, v4  }
0x41: {  	v5 =	vor.u32 s16, v2;
	_ =	sdelay $0x3  }
0x42: {  	[tilespmem:v4+s9+$0x0] =	vst.idx.add.s32.msk $0xffff, v3  }
0x43: {  	v4 =	vld.idx.msk [tilespmem:v5+s14+$0x0], $0xffff;
	_ =	sdelay $0x4  }
0x44: {  	v4 =	vshll.u32 v4, $0x4  }
0x45: {  	v4 =	vor.u32 v0, v4  }
0x46: {  	s30 =	sadd.s32 $0x2, s15;
	v4 =	vand.u32 $0xFFF, v4  }
0x47: {  	v5 =	vor.u32 s30, v2;
	_ =	sdelay $0x3  }
0x48: {  	[tilespmem:v4+s9+$0x0] =	vst.idx.add.s32.msk $0xffff, v3  }
0x49: {  	v4 =	vld.idx.msk [tilespmem:v5+s14+$0x0], $0xffff;
	_ =	sdelay $0x4  }
0x4a: {  	v4 =	vshll.u32 v4, $0x4  }
0x4b: {  	v4 =	vor.u32 v0, v4  }
0x4c: {  	s31 =	sadd.s32 $0x3, s15;
	v4 =	vand.u32 $0xFFF, v4  }
0x4d: {  	v5 =	vor.u32 s31, v2;
	_ =	sdelay $0x3  }
0x4e: {  	[tilespmem:v4+s9+$0x0] =	vst.idx.add.s32.msk $0xffff, v3  }
0x4f: {  	v4 =	vld.idx.msk [tilespmem:v5+s14+$0x0], $0xffff;
	_ =	sdelay $0x4  }
0x50: {  	v4 =	vshll.u32 v4, $0x4  }
0x51: {  	v4 =	vor.u32 v0, v4  }
0x52: {  	p0 =	sne.s32 s15, $0xFC;
	v4 =	vand.u32 $0xFFF, v4  }
.Ltmp3:
0x53: {  	_ = 	snop;
	(pc) =	sbr.rel @p0 .LBB2_6-.Ltmp3, $2  }
0x54: {  	_ =	sdelay $0x2  }
0x55: {  	s15 =	sadd.s32 $0x4, s15;
	[tilespmem:v4+s9+$0x0] =	vst.idx.add.s32.msk $0xffff, v3  }
0x56: {  	s16 =	simm.s32 $0x0  }
0x57: {  	v4 =	vld [tilespmem:s16+$0x4000];
	_ =	sdelay $0x4  }
0x58: {  	(xrf0) =	vadd.scan.msk.s32 $0xffff, v4  }
0x59: {  	v5 =	vld [tilespmem:s16+$0x4010];
	_ =	sdelay $0x4  }
0x5a: {  	v6, _, _ =	vpop (xrf0);
	(xrf0) =	vadd.scan.msk.s32 $0xffff, v5  }
0x5b: {  	v7 =	vld [tilespmem:s16+$0x4020];
	(v2sf) =	vpush v6, $0xF;
	_ =	sdelay $0x4  }
0x5c: {  	v8 =	vld [tilespmem:s16+$0x4030];
	(xrf0) =	vadd.scan.msk.s32 $0xffff, v7;
	v9, _, _ =	vpop (xrf0)  }
0x5d: {  	(v2sf) =	vpush v9, $0xF;
	_ =	sdelay $0x3  }
0x5e: {  	v4 =	vsub.s32 s14, v4;
	(xrf0) =	vadd.scan.msk.s32 $0xffff, v8  }
0x5f: {  	v4 =	vadd.s32 v6, v4;
	v10, _, _ =	vpop (xrf0)  }
0x60: {  	s15 =	simm.s32 $0x40;
	[tilespmem:s16+$0x4000] =	vst v4;
	(v2sf) =	vpush v10, $0xF  }
0x61: {  	v4 =	vld [tilespmem:s15+$0x4000];
	_ =	sdelay $0x1  }
0x62: {  	s17 =	spop (v2sf)  }
0x63: {  	v5 =	vsub.s32 v9, v5;
	v6, _, _ =	vpop (xrf0);
	s17 =	sadd.s32 $0x0, s17  }
0x64: {  	(v2sf) =	vpush v6, $0xF;
	v5 =	vadd.s32 s17, v5  }
0x65: {  	(xrf0) =	vadd.scan.msk.s32 $0xffff, v4;
	[tilespmem:s16+$0x4010] =	vst v5  }
0x66: {  	v9 =	vld [tilespmem:s15+$0x4010];
	_ =	sdelay $0x1  }
0x67: {  	s18 =	spop (v2sf)  }
0x68: {  	v5 =	vsub.s32 v10, v7;
	s17 =	sadd.s32 s17, s18  }
0x69: {  	v5 =	vadd.s32 s17, v5  }
0x6a: {  	v7, _, _ =	vpop (xrf0);
	(xrf0) =	vadd.scan.msk.s32 $0xffff, v9;
	[tilespmem:s16+$0x4020] =	vst v5  }
0x6b: {  	(v2sf) =	vpush v7, $0xF;
	v5 =	vld [tilespmem:s15+$0x4020];
	_ =	sdelay $0x1  }
0x6c: {  	s31 =	spop (v2sf)  }
0x6d: {  	v6 =	vsub.s32 v6, v8;
	s17 =	sadd.s32 s17, s31  }
0x6e: {  	v6 =	vadd.s32 s17, v6  }
0x6f: {  	[tilespmem:s16+$0x4030] =	vst v6;
	v10, _, _ =	vpop (xrf0);
	(xrf0) =	vadd.scan.msk.s32 $0xffff, v5  }
0x70: {  	v6 =	vld [tilespmem:s15+$0x4030];
	(v2sf) =	vpush v10, $0xF  }
0x71: {  	s16 =	simm.s32 $0x200;
	s18 =	spop (v2sf);
	v8 =	vsub.s32 v10, v9  }
.LBB2_8:
0x72: {  	p0 =	sne.s32 s16, $0x3F00  }
0x73: {  	s17 =	sadd.s32 s17, s18;
	s18 =	smov.u32 s16;
	s16 =	sadd.s32 $0x100, s16  }
0x74: {  	v4 =	vsub.s32 s17, v4  }
0x75: {  	v4 =	vadd.s32 v7, v4;
	v7, _, _ =	vpop (xrf0);
	(xrf0) =	vadd.scan.msk.s32 $0xffff, v6  }
0x76: {  	s18 =	sshra.s32 s18, $0x2;
	[tilespmem:s15+$0x4000] =	vst v4;
	v5 =	vsub.s32 v7, v5;
	(v2sf) =	vpush v7, $0xF  }
0x77: {  	v4 =	vld [tilespmem:s18+$0x4000];
	_ =	sdelay $0x1  }
0x78: {  	s19 =	spop (v2sf)  }
0x79: {  	s17 =	sadd.s32 s17, s19  }
0x7a: {  	v7 =	vadd.s32 s17, v8;
	v8, _, _ =	vpop (xrf0)  }
0x7b: {  	(xrf0) =	vadd.scan.msk.s32 $0xffff, v4;
	[tilespmem:s15+$0x4010] =	vst v7;
	v6 =	vsub.s32 v8, v6;
	(v2sf) =	vpush v8, $0xF  }
0x7c: {  	v8 =	vld [tilespmem:s18+$0x4010];
	_ =	sdelay $0x1  }
0x7d: {  	s19 =	spop (v2sf)  }
0x7e: {  	s17 =	sadd.s32 s17, s19  }
0x7f: {  	v5 =	vadd.s32 s17, v5  }
0x80: {  	v7, _, _ =	vpop (xrf0);
	(xrf0) =	vadd.scan.msk.s32 $0xffff, v8;
	[tilespmem:s15+$0x4020] =	vst v5  }
0x81: {  	v5 =	vld [tilespmem:s18+$0x4020];
	(v2sf) =	vpush v7, $0xF;
	_ =	sdelay $0x1  }
0x82: {  	s19 =	spop (v2sf)  }
0x83: {  	s17 =	sadd.s32 s17, s19  }
.Ltmp4:
0x84: {  	v6 =	vadd.s32 s17, v6;
	(pc) =	sbr.rel @p0 .LBB2_8-.Ltmp4, $3  }
0x85: {  	v9, _, _ =	vpop (xrf0);
	(xrf0) =	vadd.scan.msk.s32 $0xffff, v5;
	[tilespmem:s15+$0x4030] =	vst v6;
	s15 =	smov.u32 s18  }
0x86: {  	v8 =	vsub.s32 v9, v8;
	v6 =	vld [tilespmem:s15+$0x4030];
	(v2sf) =	vpush v9, $0xF;
	_ =	sdelay $0x1  }
0x87: {  	s18 =	spop (v2sf)  }
0x88: {  	_ =	sdelay $0x1  }
0x89: {  	(xrf0) =	vadd.scan.msk.s32 $0xffff, v6;
	_ =	sdelay $0x2  }
0x8a: {  	v9, _, _ =	vpop (xrf0)  }
0x8b: {  	(v2sf) =	vpush v9, $0xF;
	_ =	sdelay $0x1  }
0x8c: {  	v10, _, _ =	vpop (xrf0)  }
0x8d: {  	(v2sf) =	vpush v10, $0xF;
	_ =	sdelay $0x8  }
0x8e: {  	s16 =	sadd.s32 s17, s18  }
0x8f: {  	v4 =	vsub.s32 s16, v4;
	s28 =	spop (v2sf)  }
0x90: {  	v4 =	vadd.s32 v7, v4;
	s16 =	sadd.s32 s16, s28;
	s29 =	spop (v2sf)  }
0x91: {  	[tilespmem:s15+$0x4000] =	vst v4;
	v4 =	vsub.s32 v9, v5;
	v5 =	vadd.s32 s16, v8;
	s16 =	sadd.s32 s16, s29;
	s30 =	spop (v2sf)  }
0x92: {  	[tilespmem:s15+$0x4010] =	vst v5;
	v5 =	vsub.s32 v10, v6;
	v4 =	vadd.s32 s16, v4;
	s16 =	sadd.s32 s16, s30  }
0x93: {  	[tilespmem:s15+$0x4020] =	vst v4;
	v4 =	vadd.s32 s16, v5  }
0x94: {  	[tilespmem:s15+$0x4030] =	vst v4;
	s31 =	spop (v2sf)  }
.LBB2_10:
0x95: {  	v4 =	vor.u32 s14, v2;
	_ =	sdelay $0x3  }
0x96: {  	s15 =	simm.s32 $0x0  }
0x97: {  	v5 =	vld.idx.msk [tilespmem:v4+s15+$0x0], $0xffff;
	_ =	sdelay $0x4  }
0x98: {  	v6 =	vshll.u32 v5, $0x4  }
0x99: {  	v6 =	vor.u32 v0, v6  }
0x9a: {  	v6 =	vand.u32 $0xFFF, v6;
	_ =	sdelay $0x4  }
0x9b: {  	v7 =	vld.idx.msk [tilespmem:v6+s9+$0x0], $0xffff;
	_ =	sdelay $0x3  }
0x9c: {  	v4 =	vld.idx.msk [tilespmem:v4+s10+$0x0], $0xffff  }
0x9d: {  	s16 =	sadd.s32 $0x1, s14  }
0x9e: {  	v8 =	vor.u32 s16, v2;
	_ =	sdelay $0x1  }
0x9f: {  	[tilespmem:v7+s11+$0x0] =	vst.idx.msk $0xffff, v5  }
0xa0: {  	[tilespmem:v7+s12+$0x0] =	vst.idx.msk $0xffff, v4  }
0xa1: {  	[tilespmem:v6+s9+$0x0] =	vst.idx.add.s32.msk $0xffff, v3  }
0xa2: {  	v4 =	vld.idx.msk [tilespmem:v8+s15+$0x0], $0xffff;
	_ =	sdelay $0x4  }
0xa3: {  	v5 =	vshll.u32 v4, $0x4  }
0xa4: {  	v5 =	vor.u32 v0, v5  }
0xa5: {  	v5 =	vand.u32 $0xFFF, v5;
	_ =	sdelay $0x4  }
0xa6: {  	v6 =	vld.idx.msk [tilespmem:v5+s9+$0x0], $0xffff;
	_ =	sdelay $0x3  }
0xa7: {  	v7 =	vld.idx.msk [tilespmem:v8+s10+$0x0], $0xffff  }
0xa8: {  	p0 =	sne.s32 s14, $0xFE  }
.Ltmp5:
0xa9: {  	_ = 	snop;
	(pc) =	sbr.rel @p0 .LBB2_10-.Ltmp5, $4  }
0xaa: {  	_ = 	snop  }
0xab: {  	[tilespmem:v6+s11+$0x0] =	vst.idx.msk $0xffff, v4  }
0xac: {  	[tilespmem:v6+s12+$0x0] =	vst.idx.msk $0xffff, v7  }
0xad: {  	s14 =	sadd.s32 $0x2, s14;
	[tilespmem:v5+s9+$0x0] =	vst.idx.add.s32.msk $0xffff, v3  }
0xae: {  	s14 =	sshra.s32 s15, $0x2;
	s16 =	sadd.s32 $0x200, s15  }
.LBB2_12:
0xaf: {  	p0 =	sne.s32 s16, $0x3E00;
	[tilespmem:s14+$0x4070] =	vst v1  }
0xb0: {  	[tilespmem:s14+$0x4000] =	vst v1  }
0xb1: {  	[tilespmem:s14+$0x4010] =	vst v1  }
.Ltmp6:
0xb2: {  	[tilespmem:s14+$0x4020] =	vst v1;
	(pc) =	sbr.rel @p0 .LBB2_12-.Ltmp6, $4  }
0xb3: {  	[tilespmem:s14+$0x4030] =	vst v1  }
0xb4: {  	[tilespmem:s14+$0x4040] =	vst v1  }
0xb5: {  	[tilespmem:s14+$0x4050] =	vst v1  }
0xb6: {  	[tilespmem:s14+$0x4060] =	vst v1;
	s14 =	sshra.s32 s16, $0x2;
	s16 =	sadd.s32 $0x200, s16  }
0xb7: {  	[tilespmem:s14+$0x4070] =	vst v1  }
0xb8: {  	[tilespmem:s14+$0x4000] =	vst v1  }
0xb9: {  	[tilespmem:s14+$0x4010] =	vst v1  }
0xba: {  	[tilespmem:s14+$0x4020] =	vst v1  }
0xbb: {  	[tilespmem:s14+$0x4030] =	vst v1  }
0xbc: {  	[tilespmem:s14+$0x4040] =	vst v1  }
0xbd: {  	[tilespmem:s14+$0x4050] =	vst v1  }
0xbe: {  	[tilespmem:s14+$0x4060] =	vst v1  }
.LBB2_14:
0xbf: {  	v4 =	vor.u32 s15, v2;
	_ =	sdelay $0x4  }
0xc0: {  	v4 =	vld.idx.msk [tilespmem:v4+s11+$0x0], $0xffff;
	_ =	sdelay $0x4  }
0xc1: {  	v4 =	vshrl.u32 v4, $0x4  }
0xc2: {  	v4 =	vand.u32 $0xFF0, v4  }
0xc3: {  	s14 =	sadd.s32 $0x1, s15;
	v4 =	vor.u32 v0, v4  }
0xc4: {  	v5 =	vor.u32 s14, v2;
	_ =	sdelay $0x3  }
0xc5: {  	[tilespmem:v4+s9+$0x0] =	vst.idx.add.s32.msk $0xffff, v3  }
0xc6: {  	v4 =	vld.idx.msk [tilespmem:v5+s11+$0x0], $0xffff;
	_ =	sdelay $0x4  }
0xc7: {  	v4 =	vshrl.u32 v4, $0x4  }
0xc8: {  	v4 =	vand.u32 $0xFF0, v4  }
0xc9: {  	s30 =	sadd.s32 $0x2, s15;
	v4 =	vor.u32 v0, v4  }
0xca: {  	v5 =	vor.u32 s30, v2;
	_ =	sdelay $0x3  }
0xcb: {  	[tilespmem:v4+s9+$0x0] =	vst.idx.add.s32.msk $0xffff, v3  }
0xcc: {  	v4 =	vld.idx.msk [tilespmem:v5+s11+$0x0], $0xffff;
	_ =	sdelay $0x4  }
0xcd: {  	v4 =	vshrl.u32 v4, $0x4  }
0xce: {  	v4 =	vand.u32 $0xFF0, v4  }
0xcf: {  	s31 =	sadd.s32 $0x3, s15;
	v4 =	vor.u32 v0, v4  }
0xd0: {  	v5 =	vor.u32 s31, v2;
	_ =	sdelay $0x3  }
0xd1: {  	[tilespmem:v4+s9+$0x0] =	vst.idx.add.s32.msk $0xffff, v3  }
0xd2: {  	v4 =	vld.idx.msk [tilespmem:v5+s11+$0x0], $0xffff;
	_ =	sdelay $0x4  }
0xd3: {  	v4 =	vshrl.u32 v4, $0x4  }
0xd4: {  	v4 =	vand.u32 $0xFF0, v4  }
0xd5: {  	p0 =	sne.s32 s15, $0xFC;
	v4 =	vor.u32 v0, v4  }
.Ltmp7:
0xd6: {  	_ = 	snop;
	(pc) =	sbr.rel @p0 .LBB2_14-.Ltmp7, $2  }
0xd7: {  	_ =	sdelay $0x2  }
0xd8: {  	s15 =	sadd.s32 $0x4, s15;
	s14 =	simm.s32 $0x0;
	[tilespmem:v4+s9+$0x0] =	vst.idx.add.s32.msk $0xffff, v3  }
0xd9: {  	s16 =	simm.s32 $0x0  }
0xda: {  	v4 =	vld [tilespmem:s16+$0x4000];
	_ =	sdelay $0x4  }
0xdb: {  	(xrf0) =	vadd.scan.msk.s32 $0xffff, v4  }
0xdc: {  	v5 =	vld [tilespmem:s16+$0x4010];
	_ =	sdelay $0x4  }
0xdd: {  	v6, _, _ =	vpop (xrf0);
	(xrf0) =	vadd.scan.msk.s32 $0xffff, v5  }
0xde: {  	v7 =	vld [tilespmem:s16+$0x4020];
	(v2sf) =	vpush v6, $0xF;
	_ =	sdelay $0x4  }
0xdf: {  	v8 =	vld [tilespmem:s16+$0x4030];
	(xrf0) =	vadd.scan.msk.s32 $0xffff, v7;
	v9, _, _ =	vpop (xrf0)  }
0xe0: {  	(v2sf) =	vpush v9, $0xF;
	_ =	sdelay $0x3  }
0xe1: {  	v4 =	vsub.s32 s14, v4;
	(xrf0) =	vadd.scan.msk.s32 $0xffff, v8  }
0xe2: {  	v4 =	vadd.s32 v6, v4;
	v10, _, _ =	vpop (xrf0)  }
0xe3: {  	s15 =	simm.s32 $0x40;
	[tilespmem:s16+$0x4000] =	vst v4;
	(v2sf) =	vpush v10, $0xF  }
0xe4: {  	v4 =	vld [tilespmem:s15+$0x4000];
	_ =	sdelay $0x1  }
0xe5: {  	s17 =	spop (v2sf)  }
0xe6: {  	v5 =	vsub.s32 v9, v5;
	v6, _, _ =	vpop (xrf0);
	s17 =	sadd.s32 $0x0, s17  }
0xe7: {  	(v2sf) =	vpush v6, $0xF;
	v5 =	vadd.s32 s17, v5  }
0xe8: {  	(xrf0) =	vadd.scan.msk.s32 $0xffff, v4;
	[tilespmem:s16+$0x4010] =	vst v5  }
0xe9: {  	v9 =	vld [tilespmem:s15+$0x4010];
	_ =	sdelay $0x1  }
0xea: {  	s18 =	spop (v2sf)  }
0xeb: {  	v5 =	vsub.s32 v10, v7;
	s17 =	sadd.s32 s17, s18  }
0xec: {  	v5 =	vadd.s32 s17, v5  }
0xed: {  	v7, _, _ =	vpop (xrf0);
	(xrf0) =	vadd.scan.msk.s32 $0xffff, v9;
	[tilespmem:s16+$0x4020] =	vst v5  }
0xee: {  	(v2sf) =	vpush v7, $0xF;
	v5 =	vld [tilespmem:s15+$0x4020];
	_ =	sdelay $0x1  }
0xef: {  	s31 =	spop (v2sf)  }
0xf0: {  	v6 =	vsub.s32 v6, v8;
	s17 =	sadd.s32 s17, s31  }
0xf1: {  	v6 =	vadd.s32 s17, v6  }
0xf2: {  	[tilespmem:s16+$0x4030] =	vst v6;
	v10, _, _ =	vpop (xrf0);
	(xrf0) =	vadd.scan.msk.s32 $0xffff, v5  }
0xf3: {  	v6 =	vld [tilespmem:s15+$0x4030];
	(v2sf) =	vpush v10, $0xF  }
0xf4: {  	s16 =	simm.s32 $0x200;
	s18 =	spop (v2sf);
	v8 =	vsub.s32 v10, v9  }
.LBB2_16:
0xf5: {  	p0 =	sne.s32 s16, $0x3F00  }
0xf6: {  	s17 =	sadd.s32 s17, s18;
	s18 =	smov.u32 s16;
	s16 =	sadd.s32 $0x100, s16  }
0xf7: {  	v4 =	vsub.s32 s17, v4  }
0xf8: {  	v4 =	vadd.s32 v7, v4;
	v7, _, _ =	vpop (xrf0);
	(xrf0) =	vadd.scan.msk.s32 $0xffff, v6  }
0xf9: {  	s18 =	sshra.s32 s18, $0x2;
	[tilespmem:s15+$0x4000] =	vst v4;
	v5 =	vsub.s32 v7, v5;
	(v2sf) =	vpush v7, $0xF  }
0xfa: {  	v4 =	vld [tilespmem:s18+$0x4000];
	_ =	sdelay $0x1  }
0xfb: {  	s19 =	spop (v2sf)  }
0xfc: {  	s17 =	sadd.s32 s17, s19  }
0xfd: {  	v7 =	vadd.s32 s17, v8;
	v8, _, _ =	vpop (xrf0)  }
0xfe: {  	(xrf0) =	vadd.scan.msk.s32 $0xffff, v4;
	[tilespmem:s15+$0x4010] =	vst v7;
	v6 =	vsub.s32 v8, v6;
	(v2sf) =	vpush v8, $0xF  }
0xff: {  	v8 =	vld [tilespmem:s18+$0x4010];
	_ =	sdelay $0x1  }
0x100: {  	s19 =	spop (v2sf)  }
0x101: {  	s17 =	sadd.s32 s17, s19  }
0x102: {  	v5 =	vadd.s32 s17, v5  }
0x103: {  	v7, _, _ =	vpop (xrf0);
	(xrf0) =	vadd.scan.msk.s32 $0xffff, v8;
	[tilespmem:s15+$0x4020] =	vst v5  }
0x104: {  	v5 =	vld [tilespmem:s18+$0x4020];
	(v2sf) =	vpush v7, $0xF;
	_ =	sdelay $0x1  }
0x105: {  	s19 =	spop (v2sf)  }
0x106: {  	s17 =	sadd.s32 s17, s19  }
.Ltmp8:
0x107: {  	v6 =	vadd.s32 s17, v6;
	(pc) =	sbr.rel @p0 .LBB2_16-.Ltmp8, $3  }
0x108: {  	v9, _, _ =	vpop (xrf0);
	(xrf0) =	vadd.scan.msk.s32 $0xffff, v5;
	[tilespmem:s15+$0x4030] =	vst v6;
	s15 =	smov.u32 s18  }
0x109: {  	v8 =	vsub.s32 v9, v8;
	v6 =	vld [tilespmem:s15+$0x4030];
	(v2sf) =	vpush v9, $0xF;
	_ =	sdelay $0x1  }
0x10a: {  	s18 =	spop (v2sf)  }
0x10b: {  	_ =	sdelay $0x1  }
0x10c: {  	(xrf0) =	vadd.scan.msk.s32 $0xffff, v6;
	_ =	sdelay $0x2  }
0x10d: {  	v9, _, _ =	vpop (xrf0)  }
0x10e: {  	(v2sf) =	vpush v9, $0xF;
	_ =	sdelay $0x1  }
0x10f: {  	v10, _, _ =	vpop (xrf0)  }
0x110: {  	(v2sf) =	vpush v10, $0xF;
	_ =	sdelay $0x8  }
0x111: {  	s16 =	sadd.s32 s17, s18  }
0x112: {  	v4 =	vsub.s32 s16, v4;
	s28 =	spop (v2sf)  }
0x113: {  	v4 =	vadd.s32 v7, v4;
	s16 =	sadd.s32 s16, s28;
	s29 =	spop (v2sf)  }
0x114: {  	[tilespmem:s15+$0x4000] =	vst v4;
	v4 =	vsub.s32 v9, v5;
	v5 =	vadd.s32 s16, v8;
	s16 =	sadd.s32 s16, s29;
	s30 =	spop (v2sf)  }
0x115: {  	[tilespmem:s15+$0x4010] =	vst v5;
	v5 =	vsub.s32 v10, v6;
	v4 =	vadd.s32 s16, v4;
	s16 =	sadd.s32 s16, s30  }
0x116: {  	[tilespmem:s15+$0x4020] =	vst v4;
	v4 =	vadd.s32 s16, v5  }
0x117: {  	[tilespmem:s15+$0x4030] =	vst v4;
	s31 =	spop (v2sf)  }
.LBB2_18:
0x118: {  	v4 =	vor.u32 s14, v2;
	_ =	sdelay $0x4  }
0x119: {  	v5 =	vld.idx.msk [tilespmem:v4+s11+$0x0], $0xffff;
	_ =	sdelay $0x4  }
0x11a: {  	v6 =	vshrl.u32 v5, $0x4  }
0x11b: {  	v6 =	vand.u32 $0xFF0, v6  }
0x11c: {  	v6 =	vor.u32 v0, v6;
	_ =	sdelay $0x4  }
0x11d: {  	v7 =	vld.idx.msk [tilespmem:v6+s9+$0x0], $0xffff;
	_ =	sdelay $0x3  }
0x11e: {  	v4 =	vld.idx.msk [tilespmem:v4+s12+$0x0], $0xffff  }
0x11f: {  	s15 =	sadd.s32 $0x1, s14  }
0x120: {  	v8 =	vor.u32 s15, v2  }
0x121: {  	s15 =	simm.s32 $0x0  }
0x122: {  	[tilespmem:v7+s15+$0x0] =	vst.idx.msk $0xffff, v5  }
0x123: {  	[tilespmem:v7+s10+$0x0] =	vst.idx.msk $0xffff, v4  }
0x124: {  	[tilespmem:v6+s9+$0x0] =	vst.idx.add.s32.msk $0xffff, v3  }
0x125: {  	v4 =	vld.idx.msk [tilespmem:v8+s11+$0x0], $0xffff;
	_ =	sdelay $0x4  }
0x126: {  	v5 =	vshrl.u32 v4, $0x4  }
0x127: {  	v5 =	vand.u32 $0xFF0, v5  }
0x128: {  	v5 =	vor.u32 v0, v5;
	_ =	sdelay $0x4  }
0x129: {  	v6 =	vld.idx.msk [tilespmem:v5+s9+$0x0], $0xffff;
	_ =	sdelay $0x3  }
0x12a: {  	v7 =	vld.idx.msk [tilespmem:v8+s12+$0x0], $0xffff  }
0x12b: {  	p0 =	sne.s32 s14, $0xFE  }
.Ltmp9:
0x12c: {  	_ = 	snop;
	(pc) =	sbr.rel @p0 .LBB2_18-.Ltmp9, $4  }
0x12d: {  	_ = 	snop  }
0x12e: {  	[tilespmem:v6+s15+$0x0] =	vst.idx.msk $0xffff, v4  }
0x12f: {  	[tilespmem:v6+s10+$0x0] =	vst.idx.msk $0xffff, v7  }
0x130: {  	s14 =	sadd.s32 $0x2, s14;
	[tilespmem:v5+s9+$0x0] =	vst.idx.add.s32.msk $0xffff, v3  }
0x131: {  	s14 =	sshra.s32 s15, $0x2;
	s16 =	sadd.s32 $0x200, s15  }
.LBB2_20:
0x132: {  	p0 =	sne.s32 s16, $0x3E00;
	[tilespmem:s14+$0x4070] =	vst v1  }
0x133: {  	[tilespmem:s14+$0x4000] =	vst v1  }
0x134: {  	[tilespmem:s14+$0x4010] =	vst v1  }
.Ltmp10:
0x135: {  	[tilespmem:s14+$0x4020] =	vst v1;
	(pc) =	sbr.rel @p0 .LBB2_20-.Ltmp10, $4  }
0x136: {  	[tilespmem:s14+$0x4030] =	vst v1  }
0x137: {  	[tilespmem:s14+$0x4040] =	vst v1  }
0x138: {  	[tilespmem:s14+$0x4050] =	vst v1  }
0x139: {  	[tilespmem:s14+$0x4060] =	vst v1;
	s14 =	sshra.s32 s16, $0x2;
	s16 =	sadd.s32 $0x200, s16  }
0x13a: {  	[tilespmem:s14+$0x4070] =	vst v1  }
0x13b: {  	[tilespmem:s14+$0x4000] =	vst v1  }
0x13c: {  	[tilespmem:s14+$0x4010] =	vst v1  }
0x13d: {  	[tilespmem:s14+$0x4020] =	vst v1  }
0x13e: {  	[tilespmem:s14+$0x4030] =	vst v1  }
0x13f: {  	[tilespmem:s14+$0x4040] =	vst v1  }
0x140: {  	[tilespmem:s14+$0x4050] =	vst v1  }
0x141: {  	[tilespmem:s14+$0x4060] =	vst v1  }
.LBB2_22:
0x142: {  	v4 =	vor.u32 s15, v2;
	_ =	sdelay $0x3  }
0x143: {  	s14 =	simm.s32 $0x0  }
0x144: {  	v4 =	vld.idx.msk [tilespmem:v4+s14+$0x0], $0xffff;
	_ =	sdelay $0x4  }
0x145: {  	v4 =	vshrl.u32 v4, $0xC  }
0x146: {  	v4 =	vand.u32 $0xFF0, v4  }
0x147: {  	s16 =	sadd.s32 $0x1, s15;
	v4 =	vor.u32 v0, v4  }
0x148: {  	v5 =	vor.u32 s16, v2;
	_ =	sdelay $0x3  }
0x149: {  	[tilespmem:v4+s9+$0x0] =	vst.idx.add.s32.msk $0xffff, v3  }
0x14a: {  	v4 =	vld.idx.msk [tilespmem:v5+s14+$0x0], $0xffff;
	_ =	sdelay $0x4  }
0x14b: {  	v4 =	vshrl.u32 v4, $0xC  }
0x14c: {  	v4 =	vand.u32 $0xFF0, v4  }
0x14d: {  	s30 =	sadd.s32 $0x2, s15;
	v4 =	vor.u32 v0, v4  }
0x14e: {  	v5 =	vor.u32 s30, v2;
	_ =	sdelay $0x3  }
0x14f: {  	[tilespmem:v4+s9+$0x0] =	vst.idx.add.s32.msk $0xffff, v3  }
0x150: {  	v4 =	vld.idx.msk [tilespmem:v5+s14+$0x0], $0xffff;
	_ =	sdelay $0x4  }
0x151: {  	v4 =	vshrl.u32 v4, $0xC  }
0x152: {  	v4 =	vand.u32 $0xFF0, v4  }
0x153: {  	s31 =	sadd.s32 $0x3, s15;
	v4 =	vor.u32 v0, v4  }
0x154: {  	v5 =	vor.u32 s31, v2;
	_ =	sdelay $0x3  }
0x155: {  	[tilespmem:v4+s9+$0x0] =	vst.idx.add.s32.msk $0xffff, v3  }
0x156: {  	v4 =	vld.idx.msk [tilespmem:v5+s14+$0x0], $0xffff;
	_ =	sdelay $0x4  }
0x157: {  	v4 =	vshrl.u32 v4, $0xC  }
0x158: {  	v4 =	vand.u32 $0xFF0, v4  }
0x159: {  	p0 =	sne.s32 s15, $0xFC;
	v4 =	vor.u32 v0, v4  }
.Ltmp11:
0x15a: {  	_ = 	snop;
	(pc) =	sbr.rel @p0 .LBB2_22-.Ltmp11, $2  }
0x15b: {  	_ =	sdelay $0x2  }
0x15c: {  	s15 =	sadd.s32 $0x4, s15;
	[tilespmem:v4+s9+$0x0] =	vst.idx.add.s32.msk $0xffff, v3  }
0x15d: {  	s16 =	simm.s32 $0x0  }
0x15e: {  	v4 =	vld [tilespmem:s16+$0x4000];
	_ =	sdelay $0x4  }
0x15f: {  	(xrf0) =	vadd.scan.msk.s32 $0xffff, v4  }
0x160: {  	v5 =	vld [tilespmem:s16+$0x4010];
	_ =	sdelay $0x4  }
0x161: {  	v6, _, _ =	vpop (xrf0);
	(xrf0) =	vadd.scan.msk.s32 $0xffff, v5  }
0x162: {  	v7 =	vld [tilespmem:s16+$0x4020];
	(v2sf) =	vpush v6, $0xF;
	_ =	sdelay $0x4  }
0x163: {  	v8 =	vld [tilespmem:s16+$0x4030];
	(xrf0) =	vadd.scan.msk.s32 $0xffff, v7;
	v9, _, _ =	vpop (xrf0)  }
0x164: {  	(v2sf) =	vpush v9, $0xF;
	_ =	sdelay $0x3  }
0x165: {  	v4 =	vsub.s32 s14, v4;
	(xrf0) =	vadd.scan.msk.s32 $0xffff, v8  }
0x166: {  	v4 =	vadd.s32 v6, v4;
	v10, _, _ =	vpop (xrf0)  }
0x167: {  	s15 =	simm.s32 $0x40;
	[tilespmem:s16+$0x4000] =	vst v4;
	(v2sf) =	vpush v10, $0xF  }
0x168: {  	v4 =	vld [tilespmem:s15+$0x4000];
	_ =	sdelay $0x1  }
0x169: {  	s17 =	spop (v2sf)  }
0x16a: {  	v5 =	vsub.s32 v9, v5;
	v6, _, _ =	vpop (xrf0);
	s17 =	sadd.s32 $0x0, s17  }
0x16b: {  	(v2sf) =	vpush v6, $0xF;
	v5 =	vadd.s32 s17, v5  }
0x16c: {  	(xrf0) =	vadd.scan.msk.s32 $0xffff, v4;
	[tilespmem:s16+$0x4010] =	vst v5  }
0x16d: {  	v9 =	vld [tilespmem:s15+$0x4010];
	_ =	sdelay $0x1  }
0x16e: {  	s18 =	spop (v2sf)  }
0x16f: {  	v5 =	vsub.s32 v10, v7;
	s17 =	sadd.s32 s17, s18  }
0x170: {  	v5 =	vadd.s32 s17, v5  }
0x171: {  	v7, _, _ =	vpop (xrf0);
	(xrf0) =	vadd.scan.msk.s32 $0xffff, v9;
	[tilespmem:s16+$0x4020] =	vst v5  }
0x172: {  	(v2sf) =	vpush v7, $0xF;
	v5 =	vld [tilespmem:s15+$0x4020];
	_ =	sdelay $0x1  }
0x173: {  	s31 =	spop (v2sf)  }
0x174: {  	v6 =	vsub.s32 v6, v8;
	s17 =	sadd.s32 s17, s31  }
0x175: {  	v6 =	vadd.s32 s17, v6  }
0x176: {  	[tilespmem:s16+$0x4030] =	vst v6;
	v10, _, _ =	vpop (xrf0);
	(xrf0) =	vadd.scan.msk.s32 $0xffff, v5  }
0x177: {  	v6 =	vld [tilespmem:s15+$0x4030];
	(v2sf) =	vpush v10, $0xF  }
0x178: {  	s16 =	simm.s32 $0x200;
	s18 =	spop (v2sf);
	v8 =	vsub.s32 v10, v9  }
.LBB2_24:
0x179: {  	p0 =	sne.s32 s16, $0x3F00  }
0x17a: {  	s17 =	sadd.s32 s17, s18;
	s18 =	smov.u32 s16;
	s16 =	sadd.s32 $0x100, s16  }
0x17b: {  	v4 =	vsub.s32 s17, v4  }
0x17c: {  	v4 =	vadd.s32 v7, v4;
	v7, _, _ =	vpop (xrf0);
	(xrf0) =	vadd.scan.msk.s32 $0xffff, v6  }
0x17d: {  	s18 =	sshra.s32 s18, $0x2;
	[tilespmem:s15+$0x4000] =	vst v4;
	v5 =	vsub.s32 v7, v5;
	(v2sf) =	vpush v7, $0xF  }
0x17e: {  	v4 =	vld [tilespmem:s18+$0x4000];
	_ =	sdelay $0x1  }
0x17f: {  	s19 =	spop (v2sf)  }
0x180: {  	s17 =	sadd.s32 s17, s19  }
0x181: {  	v7 =	vadd.s32 s17, v8;
	v8, _, _ =	vpop (xrf0)  }
0x182: {  	(xrf0) =	vadd.scan.msk.s32 $0xffff, v4;
	[tilespmem:s15+$0x4010] =	vst v7;
	v6 =	vsub.s32 v8, v6;
	(v2sf) =	vpush v8, $0xF  }
0x183: {  	v8 =	vld [tilespmem:s18+$0x4010];
	_ =	sdelay $0x1  }
0x184: {  	s19 =	spop (v2sf)  }
0x185: {  	s17 =	sadd.s32 s17, s19  }
0x186: {  	v5 =	vadd.s32 s17, v5  }
0x187: {  	v7, _, _ =	vpop (xrf0);
	(xrf0) =	vadd.scan.msk.s32 $0xffff, v8;
	[tilespmem:s15+$0x4020] =	vst v5  }
0x188: {  	v5 =	vld [tilespmem:s18+$0x4020];
	(v2sf) =	vpush v7, $0xF;
	_ =	sdelay $0x1  }
0x189: {  	s19 =	spop (v2sf)  }
0x18a: {  	s17 =	sadd.s32 s17, s19  }
.Ltmp12:
0x18b: {  	v6 =	vadd.s32 s17, v6;
	(pc) =	sbr.rel @p0 .LBB2_24-.Ltmp12, $3  }
0x18c: {  	v9, _, _ =	vpop (xrf0);
	(xrf0) =	vadd.scan.msk.s32 $0xffff, v5;
	[tilespmem:s15+$0x4030] =	vst v6;
	s15 =	smov.u32 s18  }
0x18d: {  	v8 =	vsub.s32 v9, v8;
	v6 =	vld [tilespmem:s15+$0x4030];
	(v2sf) =	vpush v9, $0xF;
	_ =	sdelay $0x1  }
0x18e: {  	s18 =	spop (v2sf)  }
0x18f: {  	_ =	sdelay $0x1  }
0x190: {  	(xrf0) =	vadd.scan.msk.s32 $0xffff, v6;
	_ =	sdelay $0x2  }
0x191: {  	v9, _, _ =	vpop (xrf0)  }
0x192: {  	(v2sf) =	vpush v9, $0xF;
	_ =	sdelay $0x1  }
0x193: {  	v10, _, _ =	vpop (xrf0)  }
0x194: {  	(v2sf) =	vpush v10, $0xF;
	_ =	sdelay $0x8  }
0x195: {  	s16 =	sadd.s32 s17, s18  }
0x196: {  	v4 =	vsub.s32 s16, v4;
	s28 =	spop (v2sf)  }
0x197: {  	v4 =	vadd.s32 v7, v4;
	s16 =	sadd.s32 s16, s28;
	s29 =	spop (v2sf)  }
0x198: {  	[tilespmem:s15+$0x4000] =	vst v4;
	v4 =	vsub.s32 v9, v5;
	v5 =	vadd.s32 s16, v8;
	s16 =	sadd.s32 s16, s29;
	s30 =	spop (v2sf)  }
0x199: {  	[tilespmem:s15+$0x4010] =	vst v5;
	v5 =	vsub.s32 v10, v6;
	v4 =	vadd.s32 s16, v4;
	s16 =	sadd.s32 s16, s30  }
0x19a: {  	[tilespmem:s15+$0x4020] =	vst v4;
	v4 =	vadd.s32 s16, v5  }
0x19b: {  	[tilespmem:s15+$0x4030] =	vst v4;
	s31 =	spop (v2sf)  }
.LBB2_26:
0x19c: {  	v4 =	vor.u32 s14, v2;
	_ =	sdelay $0x3  }
0x19d: {  	s15 =	simm.s32 $0x0  }
0x19e: {  	v5 =	vld.idx.msk [tilespmem:v4+s15+$0x0], $0xffff;
	_ =	sdelay $0x4  }
0x19f: {  	v6 =	vshrl.u32 v5, $0xC  }
0x1a0: {  	v6 =	vand.u32 $0xFF0, v6  }
0x1a1: {  	v6 =	vor.u32 v0, v6;
	_ =	sdelay $0x4  }
0x1a2: {  	v7 =	vld.idx.msk [tilespmem:v6+s9+$0x0], $0xffff;
	_ =	sdelay $0x3  }
0x1a3: {  	v4 =	vld.idx.msk [tilespmem:v4+s10+$0x0], $0xffff  }
0x1a4: {  	s16 =	sadd.s32 $0x1, s14  }
0x1a5: {  	v8 =	vor.u32 s16, v2;
	_ =	sdelay $0x1  }
0x1a6: {  	[tilespmem:v7+s11+$0x0] =	vst.idx.msk $0xffff, v5  }
0x1a7: {  	[tilespmem:v7+s12+$0x0] =	vst.idx.msk $0xffff, v4  }
0x1a8: {  	[tilespmem:v6+s9+$0x0] =	vst.idx.add.s32.msk $0xffff, v3  }
0x1a9: {  	v4 =	vld.idx.msk [tilespmem:v8+s15+$0x0], $0xffff;
	_ =	sdelay $0x4  }
0x1aa: {  	v5 =	vshrl.u32 v4, $0xC  }
0x1ab: {  	v5 =	vand.u32 $0xFF0, v5  }
0x1ac: {  	v5 =	vor.u32 v0, v5;
	_ =	sdelay $0x4  }
0x1ad: {  	v6 =	vld.idx.msk [tilespmem:v5+s9+$0x0], $0xffff;
	_ =	sdelay $0x3  }
0x1ae: {  	v7 =	vld.idx.msk [tilespmem:v8+s10+$0x0], $0xffff  }
0x1af: {  	p0 =	sne.s32 s14, $0xFE  }
.Ltmp13:
0x1b0: {  	_ = 	snop;
	(pc) =	sbr.rel @p0 .LBB2_26-.Ltmp13, $4  }
0x1b1: {  	_ = 	snop  }
0x1b2: {  	[tilespmem:v6+s11+$0x0] =	vst.idx.msk $0xffff, v4  }
0x1b3: {  	[tilespmem:v6+s12+$0x0] =	vst.idx.msk $0xffff, v7  }
0x1b4: {  	s14 =	sadd.s32 $0x2, s14;
	[tilespmem:v5+s9+$0x0] =	vst.idx.add.s32.msk $0xffff, v3  }
0x1b5: {  	s14 =	sshra.s32 s15, $0x2;
	s16 =	sadd.s32 $0x200, s15  }
.LBB2_28:
0x1b6: {  	p0 =	sne.s32 s16, $0x3E00;
	[tilespmem:s14+$0x4070] =	vst v1  }
0x1b7: {  	[tilespmem:s14+$0x4000] =	vst v1  }
0x1b8: {  	[tilespmem:s14+$0x4010] =	vst v1  }
.Ltmp14:
0x1b9: {  	[tilespmem:s14+$0x4020] =	vst v1;
	(pc) =	sbr.rel @p0 .LBB2_28-.Ltmp14, $4  }
0x1ba: {  	[tilespmem:s14+$0x4030] =	vst v1  }
0x1bb: {  	[tilespmem:s14+$0x4040] =	vst v1  }
0x1bc: {  	[tilespmem:s14+$0x4050] =	vst v1  }
0x1bd: {  	[tilespmem:s14+$0x4060] =	vst v1;
	s14 =	sshra.s32 s16, $0x2;
	s16 =	sadd.s32 $0x200, s16  }
0x1be: {  	[tilespmem:s14+$0x4070] =	vst v1  }
0x1bf: {  	[tilespmem:s14+$0x4000] =	vst v1  }
0x1c0: {  	[tilespmem:s14+$0x4010] =	vst v1  }
0x1c1: {  	[tilespmem:s14+$0x4020] =	vst v1  }
0x1c2: {  	[tilespmem:s14+$0x4030] =	vst v1  }
0x1c3: {  	[tilespmem:s14+$0x4040] =	vst v1  }
0x1c4: {  	[tilespmem:s14+$0x4050] =	vst v1  }
0x1c5: {  	[tilespmem:s14+$0x4060] =	vst v1  }
.LBB2_30:
0x1c6: {  	v4 =	vor.u32 s15, v2;
	_ =	sdelay $0x4  }
0x1c7: {  	v4 =	vld.idx.msk [tilespmem:v4+s11+$0x0], $0xffff;
	_ =	sdelay $0x4  }
0x1c8: {  	v4 =	vshrl.u32 v4, $0x14  }
0x1c9: {  	v4 =	vand.u32 $0xFF0, v4  }
0x1ca: {  	s14 =	sadd.s32 $0x1, s15;
	v4 =	vor.u32 v0, v4  }
0x1cb: {  	v5 =	vor.u32 s14, v2;
	_ =	sdelay $0x3  }
0x1cc: {  	[tilespmem:v4+s9+$0x0] =	vst.idx.add.s32.msk $0xffff, v3  }
0x1cd: {  	v4 =	vld.idx.msk [tilespmem:v5+s11+$0x0], $0xffff;
	_ =	sdelay $0x4  }
0x1ce: {  	v4 =	vshrl.u32 v4, $0x14  }
0x1cf: {  	v4 =	vand.u32 $0xFF0, v4  }
0x1d0: {  	s30 =	sadd.s32 $0x2, s15;
	v4 =	vor.u32 v0, v4  }
0x1d1: {  	v5 =	vor.u32 s30, v2;
	_ =	sdelay $0x3  }
0x1d2: {  	[tilespmem:v4+s9+$0x0] =	vst.idx.add.s32.msk $0xffff, v3  }
0x1d3: {  	v4 =	vld.idx.msk [tilespmem:v5+s11+$0x0], $0xffff;
	_ =	sdelay $0x4  }
0x1d4: {  	v4 =	vshrl.u32 v4, $0x14  }
0x1d5: {  	v4 =	vand.u32 $0xFF0, v4  }
0x1d6: {  	s31 =	sadd.s32 $0x3, s15;
	v4 =	vor.u32 v0, v4  }
0x1d7: {  	v5 =	vor.u32 s31, v2;
	_ =	sdelay $0x3  }
0x1d8: {  	[tilespmem:v4+s9+$0x0] =	vst.idx.add.s32.msk $0xffff, v3  }
0x1d9: {  	v4 =	vld.idx.msk [tilespmem:v5+s11+$0x0], $0xffff;
	_ =	sdelay $0x4  }
0x1da: {  	v4 =	vshrl.u32 v4, $0x14  }
0x1db: {  	v4 =	vand.u32 $0xFF0, v4  }
0x1dc: {  	p0 =	sne.s32 s15, $0xFC;
	v4 =	vor.u32 v0, v4  }
.Ltmp15:
0x1dd: {  	_ = 	snop;
	(pc) =	sbr.rel @p0 .LBB2_30-.Ltmp15, $2  }
0x1de: {  	_ =	sdelay $0x2  }
0x1df: {  	s15 =	sadd.s32 $0x4, s15;
	s14 =	simm.s32 $0x0;
	[tilespmem:v4+s9+$0x0] =	vst.idx.add.s32.msk $0xffff, v3  }
0x1e0: {  	s16 =	simm.s32 $0x0  }
0x1e1: {  	v4 =	vld [tilespmem:s16+$0x4000];
	_ =	sdelay $0x4  }
0x1e2: {  	(xrf0) =	vadd.scan.msk.s32 $0xffff, v4  }
0x1e3: {  	v5 =	vld [tilespmem:s16+$0x4010];
	_ =	sdelay $0x4  }
0x1e4: {  	v6, _, _ =	vpop (xrf0);
	(xrf0) =	vadd.scan.msk.s32 $0xffff, v5  }
0x1e5: {  	v7 =	vld [tilespmem:s16+$0x4020];
	(v2sf) =	vpush v6, $0xF;
	_ =	sdelay $0x4  }
0x1e6: {  	v8 =	vld [tilespmem:s16+$0x4030];
	(xrf0) =	vadd.scan.msk.s32 $0xffff, v7;
	v9, _, _ =	vpop (xrf0)  }
0x1e7: {  	(v2sf) =	vpush v9, $0xF;
	_ =	sdelay $0x3  }
0x1e8: {  	v4 =	vsub.s32 s14, v4;
	(xrf0) =	vadd.scan.msk.s32 $0xffff, v8  }
0x1e9: {  	v4 =	vadd.s32 v6, v4;
	v10, _, _ =	vpop (xrf0)  }
0x1ea: {  	s15 =	simm.s32 $0x40;
	[tilespmem:s16+$0x4000] =	vst v4;
	(v2sf) =	vpush v10, $0xF  }
0x1eb: {  	v4 =	vld [tilespmem:s15+$0x4000];
	_ =	sdelay $0x1  }
0x1ec: {  	s17 =	spop (v2sf)  }
0x1ed: {  	v5 =	vsub.s32 v9, v5;
	v6, _, _ =	vpop (xrf0);
	s17 =	sadd.s32 $0x0, s17  }
0x1ee: {  	(v2sf) =	vpush v6, $0xF;
	v5 =	vadd.s32 s17, v5  }
0x1ef: {  	(xrf0) =	vadd.scan.msk.s32 $0xffff, v4;
	[tilespmem:s16+$0x4010] =	vst v5  }
0x1f0: {  	v9 =	vld [tilespmem:s15+$0x4010];
	_ =	sdelay $0x1  }
0x1f1: {  	s18 =	spop (v2sf)  }
0x1f2: {  	v5 =	vsub.s32 v10, v7;
	s17 =	sadd.s32 s17, s18  }
0x1f3: {  	v5 =	vadd.s32 s17, v5  }
0x1f4: {  	v7, _, _ =	vpop (xrf0);
	(xrf0) =	vadd.scan.msk.s32 $0xffff, v9;
	[tilespmem:s16+$0x4020] =	vst v5  }
0x1f5: {  	(v2sf) =	vpush v7, $0xF;
	v5 =	vld [tilespmem:s15+$0x4020];
	_ =	sdelay $0x1  }
0x1f6: {  	s31 =	spop (v2sf)  }
0x1f7: {  	v6 =	vsub.s32 v6, v8;
	s17 =	sadd.s32 s17, s31  }
0x1f8: {  	v6 =	vadd.s32 s17, v6  }
0x1f9: {  	[tilespmem:s16+$0x4030] =	vst v6;
	v10, _, _ =	vpop (xrf0);
	(xrf0) =	vadd.scan.msk.s32 $0xffff, v5  }
0x1fa: {  	v6 =	vld [tilespmem:s15+$0x4030];
	(v2sf) =	vpush v10, $0xF  }
0x1fb: {  	s16 =	simm.s32 $0x200;
	s18 =	spop (v2sf);
	v8 =	vsub.s32 v10, v9  }
.LBB2_32:
0x1fc: {  	p0 =	sne.s32 s16, $0x3F00  }
0x1fd: {  	s17 =	sadd.s32 s17, s18;
	s18 =	smov.u32 s16;
	s16 =	sadd.s32 $0x100, s16  }
0x1fe: {  	v4 =	vsub.s32 s17, v4  }
0x1ff: {  	v4 =	vadd.s32 v7, v4;
	v7, _, _ =	vpop (xrf0);
	(xrf0) =	vadd.scan.msk.s32 $0xffff, v6  }
0x200: {  	s18 =	sshra.s32 s18, $0x2;
	[tilespmem:s15+$0x4000] =	vst v4;
	v5 =	vsub.s32 v7, v5;
	(v2sf) =	vpush v7, $0xF  }
0x201: {  	v4 =	vld [tilespmem:s18+$0x4000];
	_ =	sdelay $0x1  }
0x202: {  	s19 =	spop (v2sf)  }
0x203: {  	s17 =	sadd.s32 s17, s19  }
0x204: {  	v7 =	vadd.s32 s17, v8;
	v8, _, _ =	vpop (xrf0)  }
0x205: {  	(xrf0) =	vadd.scan.msk.s32 $0xffff, v4;
	[tilespmem:s15+$0x4010] =	vst v7;
	v6 =	vsub.s32 v8, v6;
	(v2sf) =	vpush v8, $0xF  }
0x206: {  	v8 =	vld [tilespmem:s18+$0x4010];
	_ =	sdelay $0x1  }
0x207: {  	s19 =	spop (v2sf)  }
0x208: {  	s17 =	sadd.s32 s17, s19  }
0x209: {  	v5 =	vadd.s32 s17, v5  }
0x20a: {  	v7, _, _ =	vpop (xrf0);
	(xrf0) =	vadd.scan.msk.s32 $0xffff, v8;
	[tilespmem:s15+$0x4020] =	vst v5  }
0x20b: {  	v5 =	vld [tilespmem:s18+$0x4020];
	(v2sf) =	vpush v7, $0xF;
	_ =	sdelay $0x1  }
0x20c: {  	s19 =	spop (v2sf)  }
0x20d: {  	s17 =	sadd.s32 s17, s19  }
.Ltmp16:
0x20e: {  	v6 =	vadd.s32 s17, v6;
	(pc) =	sbr.rel @p0 .LBB2_32-.Ltmp16, $3  }
0x20f: {  	v9, _, _ =	vpop (xrf0);
	(xrf0) =	vadd.scan.msk.s32 $0xffff, v5;
	[tilespmem:s15+$0x4030] =	vst v6;
	s15 =	smov.u32 s18  }
0x210: {  	v8 =	vsub.s32 v9, v8;
	v6 =	vld [tilespmem:s15+$0x4030];
	(v2sf) =	vpush v9, $0xF;
	_ =	sdelay $0x1  }
0x211: {  	s18 =	spop (v2sf)  }
0x212: {  	_ =	sdelay $0x1  }
0x213: {  	(xrf0) =	vadd.scan.msk.s32 $0xffff, v6;
	_ =	sdelay $0x2  }
0x214: {  	v9, _, _ =	vpop (xrf0)  }
0x215: {  	(v2sf) =	vpush v9, $0xF;
	_ =	sdelay $0x1  }
0x216: {  	v10, _, _ =	vpop (xrf0)  }
0x217: {  	(v2sf) =	vpush v10, $0xF;
	_ =	sdelay $0x8  }
0x218: {  	s16 =	sadd.s32 s17, s18  }
0x219: {  	v4 =	vsub.s32 s16, v4;
	s28 =	spop (v2sf)  }
0x21a: {  	v4 =	vadd.s32 v7, v4;
	s16 =	sadd.s32 s16, s28;
	s29 =	spop (v2sf)  }
0x21b: {  	[tilespmem:s15+$0x4000] =	vst v4;
	v4 =	vsub.s32 v9, v5;
	v5 =	vadd.s32 s16, v8;
	s16 =	sadd.s32 s16, s29;
	s30 =	spop (v2sf)  }
0x21c: {  	[tilespmem:s15+$0x4010] =	vst v5;
	v5 =	vsub.s32 v10, v6;
	v4 =	vadd.s32 s16, v4;
	s16 =	sadd.s32 s16, s30  }
0x21d: {  	[tilespmem:s15+$0x4020] =	vst v4;
	v4 =	vadd.s32 s16, v5  }
0x21e: {  	[tilespmem:s15+$0x4030] =	vst v4;
	s31 =	spop (v2sf)  }
.LBB2_34:
0x21f: {  	v4 =	vor.u32 s14, v2;
	_ =	sdelay $0x4  }
0x220: {  	v5 =	vld.idx.msk [tilespmem:v4+s11+$0x0], $0xffff;
	_ =	sdelay $0x4  }
0x221: {  	v6 =	vshrl.u32 v5, $0x14  }
0x222: {  	v6 =	vand.u32 $0xFF0, v6  }
0x223: {  	v6 =	vor.u32 v0, v6;
	_ =	sdelay $0x4  }
0x224: {  	v7 =	vld.idx.msk [tilespmem:v6+s9+$0x0], $0xffff;
	_ =	sdelay $0x3  }
0x225: {  	v4 =	vld.idx.msk [tilespmem:v4+s12+$0x0], $0xffff  }
0x226: {  	s15 =	sadd.s32 $0x1, s14  }
0x227: {  	v8 =	vor.u32 s15, v2;
	_ =	sdelay $0x1  }
0x228: {  	[tilespmem:v7+s2+$0x0] =	vst.idx.msk $0xffff, v5  }
0x229: {  	[tilespmem:v7+s10+$0x0] =	vst.idx.msk $0xffff, v4  }
0x22a: {  	[tilespmem:v6+s9+$0x0] =	vst.idx.add.s32.msk $0xffff, v3  }
0x22b: {  	v4 =	vld.idx.msk [tilespmem:v8+s11+$0x0], $0xffff;
	_ =	sdelay $0x4  }
0x22c: {  	v5 =	vshrl.u32 v4, $0x14  }
0x22d: {  	v5 =	vand.u32 $0xFF0, v5  }
0x22e: {  	v5 =	vor.u32 v0, v5;
	_ =	sdelay $0x4  }
0x22f: {  	v6 =	vld.idx.msk [tilespmem:v5+s9+$0x0], $0xffff;
	_ =	sdelay $0x3  }
0x230: {  	v7 =	vld.idx.msk [tilespmem:v8+s12+$0x0], $0xffff  }
0x231: {  	p0 =	sne.s32 s14, $0xFE  }
.Ltmp17:
0x232: {  	_ = 	snop;
	(pc) =	sbr.rel @p0 .LBB2_34-.Ltmp17, $4  }
0x233: {  	_ = 	snop  }
0x234: {  	[tilespmem:v6+s2+$0x0] =	vst.idx.msk $0xffff, v4  }
0x235: {  	[tilespmem:v6+s10+$0x0] =	vst.idx.msk $0xffff, v7  }
0x236: {  	s14 =	sadd.s32 $0x2, s14;
	[tilespmem:v5+s9+$0x0] =	vst.idx.add.s32.msk $0xffff, v3  }
0x237: {  	s13 =	sadd.s32 $0x1, s13  }
0x238: {  	p0 =	sne.s32 s13, s5  }
.Ltmp18:
0x239: {  	_ = 	snop;
	(pc) =	sbr.rel @p0 .LBB2_1-.Ltmp18, $4  }
0x23a: {  	[hbm4b:s4+s6] =	stream.strided.scatter [tilespmem:s10], [sflag:$0x1], $0x200, s7, s6, $0x38;
	[tilespmem:$0x5000] =	vst v63  }
0x23b: {  	_ =	swait.ge [sflag:s8], $0x200  }
0x23c: {  	[sflag:s8] =	ssyncset.done $0x0  }
0x23d: {  	[sflag:s8] =	ssyncadd.s32 $0xFFFFFE00  }
0x23e: {  	_ =	sfence.sel $0x180000  }
0x23f: {  	[bflag:$0x0] =	sbarrier.arrive $0xFFFF  }
0x240: {  	p0 =	sne.s32 s1, $0x0;
	_ =	strace $0x90000047  }
0x241: {  	s0 =	sadd.s32 @!p0 $0x100000, s0;
	[bflag:$0x2] =	sbarrier.arrive $0xFFFF  }
0x242: {  	[sflag:s0] =	ssyncadd.tile.s32 @!p0 $0x1;
	_ =	shalt  }
.Lfunc_end2:
_tile_overlayer_lowered:
.L_overlay_start_2:
0x243: {  	(tag) =	ssettag $0x2  }
0x244: {  	s0 =	rddreg [dreg:$0x0];
	s2 =	stileid.u32  }
0x245: {  	s1 =	rddreg [dreg:$0x1];
	p0 =	sne.s32 s2, $0x0  }
0x246: {  	s3 =	rddreg [dreg:$0x2];
	[bflag:$0x3] =	sbarrier.arrive $0xFFFF;
	s2 =	simm.s32 @!p0 $0x1C01  }
0x247: {  	[timem:s3], [sflag:s2] =	dma.local @!p0 [hbm:s0], s1  }
0x248: {  	s0 =	simm.s32 @!p0 $0x1  }
0x249: {  	_ =	swait.ge @!p0 [sflag:s0], s1  }
0x24a: {  	s1 =	ssub.s32 @!p0 $0x0, s1;
	[sflag:s0] =	ssyncset.done @!p0 $0x0  }
0x24b: {  	[sflag:s0] =	ssyncadd.s32 @!p0 s1  }
0x24c: {  	[bflag:$0x3] =	sbarrier.arrive $0xFFFF  }
0x24d: {  	_ =	shalt  }

</sc_bundles>
